<compile_context>
chip_gen: v7x
topology: tpu7x:2x2x1
jax: 0.10.2.dev20260603
libtpu: 0.0.44.dev20260713+nightly
codegen_flags: <defaults>
</compile_context>

<pallas_src>
import jax
import jax.numpy as jnp
from jax import lax
from jax.experimental import pallas as pl
from jax.experimental.pallas import tpu as pltpu
from jax.experimental.pallas import tpu_sc as plsc

_NC = 2
_NS = 16
_NW = _NC * _NS


def _make_scatter_kernel(n, d, e, c, mode):
    ep = e // _NW
    nch = ep // c
    nb = 4
    assert (nch - 1) % nb == 0 and nch > 2 * nb
    mesh = plsc.VectorSubcoreMesh(core_axis_name="c", subcore_axis_name="s")

    def body(*refs):
        it = iter(refs)

        def take(k):
            return tuple(next(it) for _ in range(k))

        if mode == "cnt":
            dst_hbm, zrows_hbm, ones_hbm, out_a, out_b = take(5)
            didx = take(nb)
            (ones_v, acc) = take(2)
            sd = take(nb)
            ss = take(nb)
        elif mode == "linear":
            dst_hbm, rows_hbm, zrows_hbm, out_a, out_b = take(5)
            didx = take(nb)
            rows = take(nb)
            acc, = take(1)
            sd = take(nb)
            sg = take(nb)
            ss = take(nb)
        else:
            src_hbm, dst_hbm, rows_hbm, prev_a, prev_b, out_a, out_b = take(7)
            sidx = take(nb)
            didx = take(nb)
            rows = take(nb)
            acc, = take(1)
            si_ = take(nb)
            sd = take(nb)
            sg = take(nb)
            ss = take(nb)

        ci = lax.axis_index("c")
        s_ax = lax.axis_index("s")
        wid = ci * _NS + s_ax
        base = wid * ep

        if mode == "cnt":
            pltpu.sync_copy(ones_hbm, ones_v)

        sz = (n // _NS + 7) // 8 * 8
        tail = n - (_NS - 1) * sz

        def spread(fn):
            @pl.when(s_ax < _NS - 1)
            def _main():
                fn(s_ax * sz, sz)

            @pl.when(s_ax == _NS - 1)
            def _tail():
                fn((_NS - 1) * sz, tail)

        def _ini(st, ln):
            @pl.when(ci == 0)
            def _a():
                pltpu.sync_copy(prev_a.at[pl.ds(st, ln)], acc.at[pl.ds(st, ln)])

            @pl.when(ci == 1)
            def _b():
                pltpu.sync_copy(prev_b.at[pl.ds(st, ln)], acc.at[pl.ds(st, ln)])

        spread(_ini)
        plsc.subcore_barrier()

        def didx_copy(j, p):
            return pltpu.make_async_copy(
                dst_hbm.at[pl.ds(base + j * c, c)], didx[p], sd[p])

        def sidx_copy(j, p):
            return pltpu.make_async_copy(
                src_hbm.at[pl.ds(base + j * c, c)], sidx[p], si_[p])

        def lrows_copy(j, p):
            return pltpu.make_async_copy(
                rows_hbm.at[pl.ds(base + j * c, c)], rows[p], sg[p])

        def grows_copy(j, p):
            return pltpu.make_async_copy(
                rows_hbm.at[sidx[p]], rows[p], sg[p])

        def scatter_start(j, p):
            src = ones_v if mode == "cnt" else rows[p]
            pltpu.async_copy(src, acc.at[didx[p]], ss[p], add=True)

        def scatter_wait(j, p):
            src = ones_v if mode == "cnt" else rows[p]
            pltpu.make_async_copy(src, acc.at[didx[p]], ss[p]).wait()

        def stage1(k, p, guard_issue, guard_swait):

            def _swait():
                scatter_wait(k - nb, p)

            def _start():
                didx_copy(k, p).start()
                if mode == "gather":
                    sidx_copy(k, p).start()
                elif mode == "linear":
                    lrows_copy(k, p).start()

            if guard_swait:
                pl.when(k >= nb)(_swait)
            else:
                _swait()
            if guard_issue:
                pl.when(k < nch)(_start)
            else:
                _start()

        def stage2(k, p):
            if mode != "gather":
                return
            sidx_copy(k, p).wait()
            grows_copy(k, p).start()

        def stage3(k, p):
            didx_copy(k, p).wait()
            if mode == "linear":
                lrows_copy(k, p).wait()
            elif mode == "gather":
                grows_copy(k, p).wait()
            scatter_start(k, p)

        stage1(0, 0, False, True)
        stage1(1, 1, False, True)
        stage2(0, 0)

        def step(jj, carry):
            kk = nb * jj
            for p in range(nb):
                k = kk + p
                stage1(k + 2, (p + 2) % nb,
                       guard_issue=(p == nb - 1), guard_swait=(p < 2))
                stage2(k + 1, (p + 1) % nb)
                stage3(k, p)
            return carry

        lax.fori_loop(0, (nch - 1) // nb, step, 0)
        stage3(nch - 1, (nch - 1) % nb)
        for back in range(3):
            j = nch - 1 - back
            scatter_wait(j, j % nb)

        plsc.subcore_barrier()

        def _go(st, ln):
            @pl.when(ci == 0)
            def _a():
                pltpu.sync_copy(acc.at[pl.ds(st, ln)], out_a.at[pl.ds(st, ln)])

            @pl.when(ci == 1)
            def _b():
                pltpu.sync_copy(acc.at[pl.ds(st, ln)], out_b.at[pl.ds(st, ln)])

        spread(_go)

    sems = [pltpu.SemaphoreType.DMA] * nb
    idxbuf = [pltpu.VMEM((c,), jnp.int32)] * nb
    rowbuf = [pltpu.VMEM((c, d), jnp.float32)] * nb
    shared = [pltpu.VMEM_SHARED((n, d), jnp.float32)]
    if mode == "cnt":
        scratch = (idxbuf + [pltpu.VMEM((c, d), jnp.float32)] + shared
                   + sems + sems)
    elif mode == "linear":
        scratch = idxbuf + rowbuf + shared + sems + sems + sems
    else:
        scratch = (idxbuf + idxbuf + rowbuf + shared
                   + sems + sems + sems + sems)

    return pl.kernel(
        body,
        mesh=mesh,
        out_type=(jax.ShapeDtypeStruct((n, d), jnp.float32),
                  jax.ShapeDtypeStruct((n, d), jnp.float32)),
        scratch_types=scratch,
    )




def _make_stage1_kernel(n, d, e, c):
    ep = e // _NW
    nch = ep // c
    nb = 4
    assert (nch - 1) % nb == 0 and nch > 2 * nb
    mesh = plsc.VectorSubcoreMesh(core_axis_name="c", subcore_axis_name="s")

    def body(src_hbm, dst_hbm, hr_hbm, he_hbm, zrows_hbm, ones_hbm,
             cnt_a, cnt_b, hr_a, hr_b, seg_a, seg_b, *rest):
        sidx = rest[0:nb]
        didx = rest[nb:2 * nb]
        rows = rest[2 * nb:3 * nb]
        acc = rest[3 * nb]
        si_ = rest[3 * nb + 1:4 * nb + 1]
        sd = rest[4 * nb + 1:5 * nb + 1]
        sg = rest[5 * nb + 1:6 * nb + 1]
        ss = rest[6 * nb + 1:7 * nb + 1]

        ci = lax.axis_index("c")
        s_ax = lax.axis_index("s")
        wid = ci * _NS + s_ax
        base = wid * ep

        sz = (n // _NS + 7) // 8 * 8
        tail = n - (_NS - 1) * sz

        def spread(fn):
            @pl.when(s_ax < _NS - 1)
            def _main():
                fn(s_ax * sz, sz)

            @pl.when(s_ax == _NS - 1)
            def _tail():
                fn((_NS - 1) * sz, tail)

        def init_acc():
            spread(lambda st, ln: pltpu.sync_copy(
                zrows_hbm.at[pl.ds(st, ln)], acc.at[pl.ds(st, ln)]))

        def drain(out_a, out_b):
            def _go(st, ln):
                @pl.when(ci == 0)
                def _a():
                    pltpu.sync_copy(acc.at[pl.ds(st, ln)],
                                    out_a.at[pl.ds(st, ln)])

                @pl.when(ci == 1)
                def _b():
                    pltpu.sync_copy(acc.at[pl.ds(st, ln)],
                                    out_b.at[pl.ds(st, ln)])

            spread(_go)

        def didx_copy(j, p):
            return pltpu.make_async_copy(
                dst_hbm.at[pl.ds(base + j * c, c)], didx[p], sd[p])

        def sidx_copy(j, p):
            return pltpu.make_async_copy(
                src_hbm.at[pl.ds(base + j * c, c)], sidx[p], si_[p])

        def run_pass(mode, rows_hbm):
            def lrows_copy(j, p):
                return pltpu.make_async_copy(
                    rows_hbm.at[pl.ds(base + j * c, c)], rows[p], sg[p])

            def grows_copy(j, p):
                return pltpu.make_async_copy(
                    rows_hbm.at[sidx[p]], rows[p], sg[p])

            def ssrc(p):
                return rows[0] if mode == "cnt" else rows[p]

            def scatter_start(j, p):
                pltpu.async_copy(ssrc(p), acc.at[didx[p]], ss[p], add=True)

            def scatter_wait(j, p):
                pltpu.make_async_copy(ssrc(p), acc.at[didx[p]], ss[p]).wait()

            def stage1(k, p, guard_issue, guard_swait):
                def _swait():
                    scatter_wait(k - nb, p)

                def _start():
                    didx_copy(k, p).start()
                    if mode == "gather":
                        sidx_copy(k, p).start()
                    elif mode == "linear":
                        lrows_copy(k, p).start()

                if guard_swait:
                    pl.when(k >= nb)(_swait)
                else:
                    _swait()
                if guard_issue:
                    pl.when(k < nch)(_start)
                else:
                    _start()

            def stage2(k, p):
                if mode != "gather":
                    return
                sidx_copy(k, p).wait()
                grows_copy(k, p).start()

            def stage3(k, p):
                didx_copy(k, p).wait()
                if mode == "linear":
                    lrows_copy(k, p).wait()
                elif mode == "gather":
                    grows_copy(k, p).wait()
                scatter_start(k, p)

            stage1(0, 0, False, True)
            stage1(1, 1, False, True)
            stage2(0, 0)

            def step(jj, carry):
                kk = nb * jj
                for p in range(nb):
                    k = kk + p
                    stage1(k + 2, (p + 2) % nb,
                           guard_issue=(p == nb - 1), guard_swait=(p < 2))
                    stage2(k + 1, (p + 1) % nb)
                    stage3(k, p)
                return carry

            lax.fori_loop(0, (nch - 1) // nb, step, 0)
            stage3(nch - 1, (nch - 1) % nb)
            for back in range(3):
                j = nch - 1 - back
                scatter_wait(j, j % nb)

        pltpu.sync_copy(ones_hbm, rows[0])
        init_acc()
        plsc.subcore_barrier()
        run_pass("cnt", None)
        plsc.subcore_barrier()
        drain(cnt_a, cnt_b)
        plsc.subcore_barrier()
        run_pass("linear", hr_hbm)
        plsc.subcore_barrier()
        drain(hr_a, hr_b)
        plsc.subcore_barrier()
        run_pass("gather", he_hbm)
        plsc.subcore_barrier()
        drain(seg_a, seg_b)

    shp = jax.ShapeDtypeStruct((n, d), jnp.float32)
    return pl.kernel(
        body,
        mesh=mesh,
        out_type=(shp,) * 6,
        scratch_types=([pltpu.VMEM((c,), jnp.int32)] * (2 * nb)
                       + [pltpu.VMEM((c, d), jnp.float32)] * nb
                       + [pltpu.VMEM_SHARED((n, d), jnp.float32)]
                       + [pltpu.SemaphoreType.DMA] * (4 * nb)),
    )


def _mlp_body(h_ref, sa_ref, sb_ref, ha_ref, hb_ref, ca_ref, cb_ref,
              w_ref, b_ref, o_ref):
    d = h_ref.shape[1]
    csum = ca_ref[...] + cb_ref[...]
    hsum = ha_ref[...] + hb_ref[...]
    ssum = sa_ref[...] + sb_ref[...]
    cnt = csum[:, 0:1]
    inv = 1.0 / jnp.maximum(cnt, 1.0)
    he = (ssum - hsum) * inv
    hr = (hsum - csum) * inv
    w = w_ref[...]
    acc = jnp.dot(h_ref[...], w[:d],
                  preferred_element_type=jnp.float32,
                  precision=lax.Precision.HIGHEST)
    acc = acc + jnp.dot(he, w[d:2 * d],
                        preferred_element_type=jnp.float32,
                        precision=lax.Precision.HIGHEST)
    acc = acc + jnp.dot(hr, w[2 * d:],
                        preferred_element_type=jnp.float32,
                        precision=lax.Precision.HIGHEST)
    o_ref[...] = jnp.maximum(acc + b_ref[...], 0.0)


def _mlp(h, sega, segb, hra, hrb, cnta, cntb, w, b):
    n, d = h.shape
    bn = 1000
    grid = (n // bn,)

    def row_spec(width):
        return pl.BlockSpec((bn, width), lambda i: (i, 0))

    const_w = pl.BlockSpec((3 * d, d), lambda i: (0, 0))
    const_b = pl.BlockSpec((1, d), lambda i: (0, 0))
    return pl.pallas_call(
        _mlp_body,
        grid=grid,
        in_specs=[row_spec(d), row_spec(d), row_spec(d), row_spec(d),
                  row_spec(d), row_spec(d), row_spec(d), const_w, const_b],
        out_specs=row_spec(d),
        out_shape=jax.ShapeDtypeStruct((n, d), jnp.float32),
    )(h, sega, segb, hra, hrb, cnta, cntb,
      w, b.reshape(1, d))


def kernel(edge_index, topic_entity_one_hot, h_e, h_r, W1, b1, W2, b2):
    n, d = h_e.shape
    e = h_r.shape[0]
    c = 80
    src = edge_index[0]
    dst = edge_index[1]

    zrows = jnp.zeros((n, d), jnp.float32)

    ones = jnp.ones((c, d), jnp.float32)
    cnta, cntb, hra, hrb, s1a, s1b = _make_stage1_kernel(n, d, e, c)(
        src, dst, h_r, h_e, zrows, ones)
    gather = _make_scatter_kernel(n, d, e, c, "gather")
    h1 = _mlp(h_e, s1a, s1b, hra, hrb, cnta, cntb, W1, b1)
    s2a, s2b = gather(src, dst, h1, hra, hrb)
    h2 = _mlp(h1, s2a, s2b, hra, hrb, cnta, cntb, W2, b2)
    return (topic_entity_one_hot, h2)

# --- scband reference (transcript-rebuilt; emitter-appended) ---
"""Pipeline reference for scband-sage-38345468019266 (READ-ONLY COPY).

The authoritative reference and input builder live on the scoring server;
editing this copy changes nothing except your own understanding.
"""

import jax, jax.numpy as jnp
import numpy as np

N = 10000
E = 320000
D = 128
NUM_LAYERS = 2


def setup_inputs(seed: int = 0) -> dict:
    key = jax.random.key(seed)
    ks = jax.random.split(key, 10)
    edge_index = jax.random.randint(ks[0], (2, E), 0, N, dtype=jnp.int32)
    topic_entity_one_hot = jax.random.uniform(ks[1], (N, 2), dtype=jnp.float32)
    h_e = jax.random.normal(ks[2], (N, D), dtype=jnp.float32)
    h_r = jax.random.normal(ks[3], (E, D), dtype=jnp.float32)
    # per-layer MLP params: Linear(3*D, D) stored as (in, out) for x @ W + b
    W1 = jax.random.normal(ks[4], (3 * D, D), dtype=jnp.float32) * (1.0 / np.sqrt(3 * D))
    b1 = jnp.zeros((D,), dtype=jnp.float32)
    W2 = jax.random.normal(ks[5], (3 * D, D), dtype=jnp.float32) * (1.0 / np.sqrt(3 * D))
    b2 = jnp.zeros((D,), dtype=jnp.float32)
    return {
        "edge_index": edge_index,
        "topic_entity_one_hot": topic_entity_one_hot,
        "h_e": h_e,
        "h_r": h_r,
        "W1": W1,
        "b1": b1,
        "W2": W2,
        "b2": b2,
    }


def _sage_conv(edge_index, h_e, h_r, W, b):
    src = edge_index[0]  # j (source)
    dst = edge_index[1]  # i (target)
    # message: concat([x_j, h_r]) per edge -> [E, 2D]
    msg = jnp.concatenate([jnp.take(h_e, src, axis=0), h_r], axis=1)
    # aggr='mean' over destination nodes
    summed = jax.ops.segment_sum(msg, dst, num_segments=N)
    cnt = jax.ops.segment_sum(jnp.ones((msg.shape[0], 1), dtype=msg.dtype), dst, num_segments=N)
    h_nbr = summed / jnp.maximum(cnt, 1.0)
    # update: mlp(concat([h_e, h_e_nbr])) -> Linear(3D, D) + ReLU
    h_cat = jnp.concatenate([h_e, h_nbr], axis=1)
    return jax.nn.relu(h_cat @ W + b)


def reference(edge_index, topic_entity_one_hot, h_e, h_r, W1, b1, W2, b2):
    params = [(W1, b1), (W2, b2)]
    h = h_e
    for (W, b) in params:
        h = _sage_conv(edge_index, h, h_r, W, b)
    # topic_pe=True -> h_e_list = [topic_entity_one_hot, h_e_final]
    return (topic_entity_one_hot, h)

if __name__ == "__main__":
    import jax
    _d = setup_inputs()
    print(jax.jit(kernel)(*tuple(_d.values())))

</pallas_src>

<mosaic_0001>
#map = affine_map<(d0, d1) -> (0)>
#map1 = affine_map<(d0, d1) -> (0, 0)>
module attributes {stable_mosaic.version = 14 : i64} {
  func.func @body(%arg0: i32, %arg1: i32, %arg2: memref<320000xi32, #tpu.memory_space<hbm>>, %arg3: memref<320000xi32, #tpu.memory_space<hbm>>, %arg4: memref<320000x128xf32, #tpu.memory_space<hbm>>, %arg5: memref<10000x128xf32, #tpu.memory_space<hbm>>, %arg6: memref<10000x128xf32, #tpu.memory_space<hbm>>, %arg7: memref<80x128xf32, #tpu.memory_space<hbm>>, %arg8: memref<10000x128xf32, #tpu.memory_space<hbm>>, %arg9: memref<10000x128xf32, #tpu.memory_space<hbm>>, %arg10: memref<10000x128xf32, #tpu.memory_space<hbm>>, %arg11: memref<10000x128xf32, #tpu.memory_space<hbm>>, %arg12: memref<10000x128xf32, #tpu.memory_space<hbm>>, %arg13: memref<10000x128xf32, #tpu.memory_space<hbm>>, %arg14: memref<80xi32, #tpu.memory_space<vmem>>, %arg15: memref<80xi32, #tpu.memory_space<vmem>>, %arg16: memref<80xi32, #tpu.memory_space<vmem>>, %arg17: memref<80xi32, #tpu.memory_space<vmem>>, %arg18: memref<80xi32, #tpu.memory_space<vmem>>, %arg19: memref<80xi32, #tpu.memory_space<vmem>>, %arg20: memref<80xi32, #tpu.memory_space<vmem>>, %arg21: memref<80xi32, #tpu.memory_space<vmem>>, %arg22: memref<80x128xf32, #tpu.memory_space<vmem>>, %arg23: memref<80x128xf32, #tpu.memory_space<vmem>>, %arg24: memref<80x128xf32, #tpu.memory_space<vmem>>, %arg25: memref<80x128xf32, #tpu.memory_space<vmem>>, %arg26: memref<10000x128xf32, #tpu.memory_space<vmem_shared>>, %arg27: memref<!tpu.dma_semaphore, #tpu.memory_space<semaphore_mem>>, %arg28: memref<!tpu.dma_semaphore, #tpu.memory_space<semaphore_mem>>, %arg29: memref<!tpu.dma_semaphore, #tpu.memory_space<semaphore_mem>>, %arg30: memref<!tpu.dma_semaphore, #tpu.memory_space<semaphore_mem>>, %arg31: memref<!tpu.dma_semaphore, #tpu.memory_space<semaphore_mem>>, %arg32: memref<!tpu.dma_semaphore, #tpu.memory_space<semaphore_mem>>, %arg33: memref<!tpu.dma_semaphore, #tpu.memory_space<semaphore_mem>>, %arg34: memref<!tpu.dma_semaphore, #tpu.memory_space<semaphore_mem>>, %arg35: memref<!tpu.dma_semaphore, #tpu.memory_space<semaphore_mem>>, %arg36: memref<!tpu.dma_semaphore, #tpu.memory_space<semaphore_mem>>, %arg37: memref<!tpu.dma_semaphore, #tpu.memory_space<semaphore_mem>>, %arg38: memref<!tpu.dma_semaphore, #tpu.memory_space<semaphore_mem>>, %arg39: memref<!tpu.dma_semaphore, #tpu.memory_space<semaphore_mem>>, %arg40: memref<!tpu.dma_semaphore, #tpu.memory_space<semaphore_mem>>, %arg41: memref<!tpu.dma_semaphore, #tpu.memory_space<semaphore_mem>>, %arg42: memref<!tpu.dma_semaphore, #tpu.memory_space<semaphore_mem>>) attributes {dimension_semantics = [#tpu.dimension_semantics<core_parallel>, #tpu.dimension_semantics<subcore_parallel>], iteration_bounds = array<i64: 2, 16>, scalar_prefetch = 0 : i64, scratch_operands = 29 : i64, tpu.core_type = #tpu.core_type<sc_vector_subcore>, window_params = [{transform_indices = #map}, {transform_indices = #map}, {transform_indices = #map1}, {transform_indices = #map1}, {transform_indices = #map1}, {transform_indices = #map1}, {transform_indices = #map1}, {transform_indices = #map1}, {transform_indices = #map1}, {transform_indices = #map1}, {transform_indices = #map1}, {transform_indices = #map1}]} {
    %mul3A = arith.constant 16 : i32
    %mul3A_0 = arith.muli %arg0, %mul3A : i32
    %add3A = arith.addi %mul3A_0, %arg1 : i32
    %mul3A_1 = arith.constant 10000 : i32
    %mul3A_2 = arith.muli %add3A, %mul3A_1 : i32
    "tpu.region"() ({
      %run_scoped3A = tpu.sem_alloc : memref<!tpu.dma_semaphore, #tpu.memory_space<semaphore_mem>>
      tpu.enqueue_dma source(%arg7 : memref<80x128xf32, #tpu.memory_space<hbm>>) target(%arg22 : memref<80x128xf32, #tpu.memory_space<vmem>>) target_semaphore(%run_scoped3A : memref<!tpu.dma_semaphore, #tpu.memory_space<semaphore_mem>>)
      tpu.wait_dma2 semaphore(%run_scoped3A : memref<!tpu.dma_semaphore, #tpu.memory_space<semaphore_mem>>) src(%arg7 : memref<80x128xf32, #tpu.memory_space<hbm>>) dst(%arg22 : memref<80x128xf32, #tpu.memory_space<vmem>>)
      tpu.yield
    }) : () -> ()
    %lt3A = arith.constant 15 : i32
    %lt3A_3 = arith.cmpi slt, %arg1, %lt3A : i32
    %convert_element_type3A = arith.extui %lt3A_3 : i1 to i32
    %cond3A = arith.constant 0 : i32
    %cond3A_4 = arith.cmpi ne, %convert_element_type3A, %cond3A : i32
    scf.if %cond3A_4 {
      %mul3A_167 = arith.constant 632 : i32
      %mul3A_168 = arith.muli %arg1, %mul3A_167 : i32
      "tpu.region"() ({
        %run_scoped3A = tpu.sem_alloc : memref<!tpu.dma_semaphore, #tpu.memory_space<semaphore_mem>>
        %dma_start3A_169 = arith.constant 0 : i32
        %dma_start3A_170 = tpu.memref_slice %arg26[%mul3A_168, %dma_start3A_169] : memref<10000x128xf32, #tpu.memory_space<vmem_shared>> -> memref<632x128xf32, #tpu.memory_space<vmem_shared>>
        %dma_start3A_171 = arith.constant 0 : i32
        %dma_start3A_172 = tpu.memref_slice %arg6[%mul3A_168, %dma_start3A_171] : memref<10000x128xf32, #tpu.memory_space<hbm>> -> memref<632x128xf32, #tpu.memory_space<hbm>>
        tpu.enqueue_dma source(%dma_start3A_172 : memref<632x128xf32, #tpu.memory_space<hbm>>) target(%dma_start3A_170 : memref<632x128xf32, #tpu.memory_space<vmem_shared>>) target_semaphore(%run_scoped3A : memref<!tpu.dma_semaphore, #tpu.memory_space<semaphore_mem>>)
        %dma_wait3A_173 = arith.constant 0 : i32
        %dma_wait3A_174 = tpu.memref_slice %arg26[%mul3A_168, %dma_wait3A_173] : memref<10000x128xf32, #tpu.memory_space<vmem_shared>> -> memref<632x128xf32, #tpu.memory_space<vmem_shared>>
        %dma_wait3A_175 = arith.constant 0 : i32
        %dma_wait3A_176 = tpu.memref_slice %arg6[%mul3A_168, %dma_wait3A_175] : memref<10000x128xf32, #tpu.memory_space<hbm>> -> memref<632x128xf32, #tpu.memory_space<hbm>>
        tpu.wait_dma2 semaphore(%run_scoped3A : memref<!tpu.dma_semaphore, #tpu.memory_space<semaphore_mem>>) src(%dma_wait3A_176 : memref<632x128xf32, #tpu.memory_space<hbm>>) dst(%dma_wait3A_174 : memref<632x128xf32, #tpu.memory_space<vmem_shared>>)
        tpu.yield
      }) : () -> ()
    } else {
    }
    %eq3A = arith.constant 15 : i32
    %eq3A_5 = arith.cmpi eq, %arg1, %eq3A : i32
    %convert_element_type3A_6 = arith.extui %eq3A_5 : i1 to i32
    %cond3A_7 = arith.constant 0 : i32
    %cond3A_8 = arith.cmpi ne, %convert_element_type3A_6, %cond3A_7 : i32
    scf.if %cond3A_8 {
      "tpu.region"() ({
        %run_scoped3A = tpu.sem_alloc : memref<!tpu.dma_semaphore, #tpu.memory_space<semaphore_mem>>
        %dma_start3A_167 = arith.constant 9480 : i32
        %dma_start3A_168 = arith.constant 0 : i32
        %dma_start3A_169 = tpu.memref_slice %arg26[%dma_start3A_167, %dma_start3A_168] : memref<10000x128xf32, #tpu.memory_space<vmem_shared>> -> memref<520x128xf32, #tpu.memory_space<vmem_shared>>
        %dma_start3A_170 = arith.constant 9480 : i32
        %dma_start3A_171 = arith.constant 0 : i32
        %dma_start3A_172 = tpu.memref_slice %arg6[%dma_start3A_170, %dma_start3A_171] : memref<10000x128xf32, #tpu.memory_space<hbm>> -> memref<520x128xf32, #tpu.memory_space<hbm>>
        tpu.enqueue_dma source(%dma_start3A_172 : memref<520x128xf32, #tpu.memory_space<hbm>>) target(%dma_start3A_169 : memref<520x128xf32, #tpu.memory_space<vmem_shared>>) target_semaphore(%run_scoped3A : memref<!tpu.dma_semaphore, #tpu.memory_space<semaphore_mem>>)
        %dma_wait3A_173 = arith.constant 9480 : i32
        %dma_wait3A_174 = arith.constant 0 : i32
        %dma_wait3A_175 = tpu.memref_slice %arg26[%dma_wait3A_173, %dma_wait3A_174] : memref<10000x128xf32, #tpu.memory_space<vmem_shared>> -> memref<520x128xf32, #tpu.memory_space<vmem_shared>>
        %dma_wait3A_176 = arith.constant 9480 : i32
        %dma_wait3A_177 = arith.constant 0 : i32
        %dma_wait3A_178 = tpu.memref_slice %arg6[%dma_wait3A_176, %dma_wait3A_177] : memref<10000x128xf32, #tpu.memory_space<hbm>> -> memref<520x128xf32, #tpu.memory_space<hbm>>
        tpu.wait_dma2 semaphore(%run_scoped3A : memref<!tpu.dma_semaphore, #tpu.memory_space<semaphore_mem>>) src(%dma_wait3A_178 : memref<520x128xf32, #tpu.memory_space<hbm>>) dst(%dma_wait3A_175 : memref<520x128xf32, #tpu.memory_space<vmem_shared>>)
        tpu.yield
      }) : () -> ()
    } else {
    }
    %barrier3A = arith.constant 0 : index
    tpu.barrier barrier_id(%barrier3A)
    %add3A_9 = arith.constant 0 : i32
    %add3A_10 = arith.addi %mul3A_2, %add3A_9 : i32
    %dma_start3A = tpu.memref_slice %arg3[%add3A_10] : memref<320000xi32, #tpu.memory_space<hbm>> -> memref<80xi32, #tpu.memory_space<hbm>>
    %dma_start3A_11 = tpu.memref_slice %arg3[%add3A_10] : memref<320000xi32, #tpu.memory_space<hbm>> -> memref<80xi32, #tpu.memory_space<hbm>>
    tpu.enqueue_dma source(%dma_start3A_11 : memref<80xi32, #tpu.memory_space<hbm>>) target(%arg18 : memref<80xi32, #tpu.memory_space<vmem>>) target_semaphore(%arg31 : memref<!tpu.dma_semaphore, #tpu.memory_space<semaphore_mem>>)
    %add3A_12 = arith.constant 80 : i32
    %add3A_13 = arith.addi %mul3A_2, %add3A_12 : i32
    %dma_start3A_14 = tpu.memref_slice %arg3[%add3A_13] : memref<320000xi32, #tpu.memory_space<hbm>> -> memref<80xi32, #tpu.memory_space<hbm>>
    %dma_start3A_15 = tpu.memref_slice %arg3[%add3A_13] : memref<320000xi32, #tpu.memory_space<hbm>> -> memref<80xi32, #tpu.memory_space<hbm>>
    tpu.enqueue_dma source(%dma_start3A_15 : memref<80xi32, #tpu.memory_space<hbm>>) target(%arg19 : memref<80xi32, #tpu.memory_space<vmem>>) target_semaphore(%arg32 : memref<!tpu.dma_semaphore, #tpu.memory_space<semaphore_mem>>)
    %scan3A = arith.constant 0 : i32
    %scan3A_16 = arith.constant 0 : i32
    %scan3A_17 = arith.constant 31 : i32
    %scan3A_18 = arith.addi %scan3A_16, %scan3A_17 : i32
    %scan3A_19 = arith.constant 1 : i32
    scf.for %scan3A_167 = %scan3A_16 to %scan3A_18 step %scan3A_19  : i32 {
      %mul3A_168 = arith.constant 4 : i32
      %mul3A_169 = arith.muli %mul3A_168, %scan3A_167 : i32
      %add3A_170 = arith.constant 0 : i32
      %add3A_171 = arith.addi %mul3A_169, %add3A_170 : i32
      %add3A_172 = arith.constant 2 : i32
      %add3A_173 = arith.addi %add3A_171, %add3A_172 : i32
      %ge3A = arith.constant 4 : i32
      %ge3A_174 = arith.cmpi sge, %add3A_173, %ge3A : i32
      %convert_element_type3A_175 = arith.extui %ge3A_174 : i1 to i32
      %cond3A_176 = arith.constant 0 : i32
      %cond3A_177 = arith.cmpi ne, %convert_element_type3A_175, %cond3A_176 : i32
      scf.if %cond3A_177 {
        %sub3A_264 = arith.constant 4 : i32
        %sub3A_265 = arith.subi %add3A_173, %sub3A_264 : i32
        %dma_wait3A_266 = arith.constant 0 : i32
        %dma_wait3A_267 = arith.constant 0 : i32
        %dma_wait3A_268 = tpu.memref_slice %arg26[%dma_wait3A_266, %dma_wait3A_267] : memref<10000x128xf32, #tpu.memory_space<vmem_shared>> -> memref<10000x128xf32, #tpu.memory_space<vmem_shared>>
        tpu.wait_indirect_dma semaphore(%arg41 : memref<!tpu.dma_semaphore, #tpu.memory_space<semaphore_mem>>) src(%arg22 : memref<80x128xf32, #tpu.memory_space<vmem>>) dst(%dma_wait3A_268 : memref<10000x128xf32, #tpu.memory_space<vmem_shared>>)
      } else {
      }
      %mul3A_178 = arith.constant 80 : i32
      %mul3A_179 = arith.muli %add3A_173, %mul3A_178 : i32
      %add3A_180 = arith.addi %mul3A_2, %mul3A_179 : i32
      %dma_start3A_181 = tpu.memref_slice %arg3[%add3A_180] : memref<320000xi32, #tpu.memory_space<hbm>> -> memref<80xi32, #tpu.memory_space<hbm>>
      %dma_start3A_182 = tpu.memref_slice %arg3[%add3A_180] : memref<320000xi32, #tpu.memory_space<hbm>> -> memref<80xi32, #tpu.memory_space<hbm>>
      tpu.enqueue_dma source(%dma_start3A_182 : memref<80xi32, #tpu.memory_space<hbm>>) target(%arg20 : memref<80xi32, #tpu.memory_space<vmem>>) target_semaphore(%arg33 : memref<!tpu.dma_semaphore, #tpu.memory_space<semaphore_mem>>)
      %add3A_183 = arith.constant 1 : i32
      %add3A_184 = arith.addi %add3A_171, %add3A_183 : i32
      %mul3A_185 = arith.constant 80 : i32
      %mul3A_186 = arith.muli %add3A_171, %mul3A_185 : i32
      %add3A_187 = arith.addi %mul3A_2, %mul3A_186 : i32
      %dma_wait3A_188 = tpu.memref_slice %arg3[%add3A_187] : memref<320000xi32, #tpu.memory_space<hbm>> -> memref<80xi32, #tpu.memory_space<hbm>>
      %dma_wait3A_189 = tpu.memref_slice %arg3[%add3A_187] : memref<320000xi32, #tpu.memory_space<hbm>> -> memref<80xi32, #tpu.memory_space<hbm>>
      tpu.wait_dma2 semaphore(%arg31 : memref<!tpu.dma_semaphore, #tpu.memory_space<semaphore_mem>>) src(%dma_wait3A_189 : memref<80xi32, #tpu.memory_space<hbm>>) dst(%arg18 : memref<80xi32, #tpu.memory_space<vmem>>)
      %dma_start3A_190 = arith.constant 0 : i32
      %dma_start3A_191 = arith.constant 0 : i32
      %dma_start3A_192 = tpu.memref_slice %arg26[%dma_start3A_190, %dma_start3A_191] : memref<10000x128xf32, #tpu.memory_space<vmem_shared>> -> memref<10000x128xf32, #tpu.memory_space<vmem_shared>>
      tpu.enqueue_indirect_dma source(%arg22 : memref<80x128xf32, #tpu.memory_space<vmem>>) target(%dma_start3A_192 : memref<10000x128xf32, #tpu.memory_space<vmem_shared>>) offsets(%arg18 : memref<80xi32, #tpu.memory_space<vmem>>) semaphore(%arg39 : memref<!tpu.dma_semaphore, #tpu.memory_space<semaphore_mem>>) {add = true}
      %add3A_193 = arith.constant 1 : i32
      %add3A_194 = arith.addi %mul3A_169, %add3A_193 : i32
      %add3A_195 = arith.constant 2 : i32
      %add3A_196 = arith.addi %add3A_194, %add3A_195 : i32
      %ge3A_197 = arith.constant 4 : i32
      %ge3A_198 = arith.cmpi sge, %add3A_196, %ge3A_197 : i32
      %convert_element_type3A_199 = arith.extui %ge3A_198 : i1 to i32
      %cond3A_200 = arith.constant 0 : i32
      %cond3A_201 = arith.cmpi ne, %convert_element_type3A_199, %cond3A_200 : i32
      scf.if %cond3A_201 {
        %sub3A_264 = arith.constant 4 : i32
        %sub3A_265 = arith.subi %add3A_196, %sub3A_264 : i32
        %dma_wait3A_266 = arith.constant 0 : i32
        %dma_wait3A_267 = arith.constant 0 : i32
        %dma_wait3A_268 = tpu.memref_slice %arg26[%dma_wait3A_266, %dma_wait3A_267] : memref<10000x128xf32, #tpu.memory_space<vmem_shared>> -> memref<10000x128xf32, #tpu.memory_space<vmem_shared>>
        tpu.wait_indirect_dma semaphore(%arg42 : memref<!tpu.dma_semaphore, #tpu.memory_space<semaphore_mem>>) src(%arg22 : memref<80x128xf32, #tpu.memory_space<vmem>>) dst(%dma_wait3A_268 : memref<10000x128xf32, #tpu.memory_space<vmem_shared>>)
      } else {
      }
      %mul3A_202 = arith.constant 80 : i32
      %mul3A_203 = arith.muli %add3A_196, %mul3A_202 : i32
      %add3A_204 = arith.addi %mul3A_2, %mul3A_203 : i32
      %dma_start3A_205 = tpu.memref_slice %arg3[%add3A_204] : memref<320000xi32, #tpu.memory_space<hbm>> -> memref<80xi32, #tpu.memory_space<hbm>>
      %dma_start3A_206 = tpu.memref_slice %arg3[%add3A_204] : memref<320000xi32, #tpu.memory_space<hbm>> -> memref<80xi32, #tpu.memory_space<hbm>>
      tpu.enqueue_dma source(%dma_start3A_206 : memref<80xi32, #tpu.memory_space<hbm>>) target(%arg21 : memref<80xi32, #tpu.memory_space<vmem>>) target_semaphore(%arg34 : memref<!tpu.dma_semaphore, #tpu.memory_space<semaphore_mem>>)
      %add3A_207 = arith.constant 1 : i32
      %add3A_208 = arith.addi %add3A_194, %add3A_207 : i32
      %mul3A_209 = arith.constant 80 : i32
      %mul3A_210 = arith.muli %add3A_194, %mul3A_209 : i32
      %add3A_211 = arith.addi %mul3A_2, %mul3A_210 : i32
      %dma_wait3A_212 = tpu.memref_slice %arg3[%add3A_211] : memref<320000xi32, #tpu.memory_space<hbm>> -> memref<80xi32, #tpu.memory_space<hbm>>
      %dma_wait3A_213 = tpu.memref_slice %arg3[%add3A_211] : memref<320000xi32, #tpu.memory_space<hbm>> -> memref<80xi32, #tpu.memory_space<hbm>>
      tpu.wait_dma2 semaphore(%arg32 : memref<!tpu.dma_semaphore, #tpu.memory_space<semaphore_mem>>) src(%dma_wait3A_213 : memref<80xi32, #tpu.memory_space<hbm>>) dst(%arg19 : memref<80xi32, #tpu.memory_space<vmem>>)
      %dma_start3A_214 = arith.constant 0 : i32
      %dma_start3A_215 = arith.constant 0 : i32
      %dma_start3A_216 = tpu.memref_slice %arg26[%dma_start3A_214, %dma_start3A_215] : memref<10000x128xf32, #tpu.memory_space<vmem_shared>> -> memref<10000x128xf32, #tpu.memory_space<vmem_shared>>
      tpu.enqueue_indirect_dma source(%arg22 : memref<80x128xf32, #tpu.memory_space<vmem>>) target(%dma_start3A_216 : memref<10000x128xf32, #tpu.memory_space<vmem_shared>>) offsets(%arg19 : memref<80xi32, #tpu.memory_space<vmem>>) semaphore(%arg40 : memref<!tpu.dma_semaphore, #tpu.memory_space<semaphore_mem>>) {add = true}
      %add3A_217 = arith.constant 2 : i32
      %add3A_218 = arith.addi %mul3A_169, %add3A_217 : i32
      %add3A_219 = arith.constant 2 : i32
      %add3A_220 = arith.addi %add3A_218, %add3A_219 : i32
      %sub3A = arith.constant 4 : i32
      %sub3A_221 = arith.subi %add3A_220, %sub3A : i32
      %dma_wait3A_222 = arith.constant 0 : i32
      %dma_wait3A_223 = arith.constant 0 : i32
      %dma_wait3A_224 = tpu.memref_slice %arg26[%dma_wait3A_222, %dma_wait3A_223] : memref<10000x128xf32, #tpu.memory_space<vmem_shared>> -> memref<10000x128xf32, #tpu.memory_space<vmem_shared>>
      tpu.wait_indirect_dma semaphore(%arg39 : memref<!tpu.dma_semaphore, #tpu.memory_space<semaphore_mem>>) src(%arg22 : memref<80x128xf32, #tpu.memory_space<vmem>>) dst(%dma_wait3A_224 : memref<10000x128xf32, #tpu.memory_space<vmem_shared>>)
      %mul3A_225 = arith.constant 80 : i32
      %mul3A_226 = arith.muli %add3A_220, %mul3A_225 : i32
      %add3A_227 = arith.addi %mul3A_2, %mul3A_226 : i32
      %dma_start3A_228 = tpu.memref_slice %arg3[%add3A_227] : memref<320000xi32, #tpu.memory_space<hbm>> -> memref<80xi32, #tpu.memory_space<hbm>>
      %dma_start3A_229 = tpu.memref_slice %arg3[%add3A_227] : memref<320000xi32, #tpu.memory_space<hbm>> -> memref<80xi32, #tpu.memory_space<hbm>>
      tpu.enqueue_dma source(%dma_start3A_229 : memref<80xi32, #tpu.memory_space<hbm>>) target(%arg18 : memref<80xi32, #tpu.memory_space<vmem>>) target_semaphore(%arg31 : memref<!tpu.dma_semaphore, #tpu.memory_space<semaphore_mem>>)
      %add3A_230 = arith.constant 1 : i32
      %add3A_231 = arith.addi %add3A_218, %add3A_230 : i32
      %mul3A_232 = arith.constant 80 : i32
      %mul3A_233 = arith.muli %add3A_218, %mul3A_232 : i32
      %add3A_234 = arith.addi %mul3A_2, %mul3A_233 : i32
      %dma_wait3A_235 = tpu.memref_slice %arg3[%add3A_234] : memref<320000xi32, #tpu.memory_space<hbm>> -> memref<80xi32, #tpu.memory_space<hbm>>
      %dma_wait3A_236 = tpu.memref_slice %arg3[%add3A_234] : memref<320000xi32, #tpu.memory_space<hbm>> -> memref<80xi32, #tpu.memory_space<hbm>>
      tpu.wait_dma2 semaphore(%arg33 : memref<!tpu.dma_semaphore, #tpu.memory_space<semaphore_mem>>) src(%dma_wait3A_236 : memref<80xi32, #tpu.memory_space<hbm>>) dst(%arg20 : memref<80xi32, #tpu.memory_space<vmem>>)
      %dma_start3A_237 = arith.constant 0 : i32
      %dma_start3A_238 = arith.constant 0 : i32
      %dma_start3A_239 = tpu.memref_slice %arg26[%dma_start3A_237, %dma_start3A_238] : memref<10000x128xf32, #tpu.memory_space<vmem_shared>> -> memref<10000x128xf32, #tpu.memory_space<vmem_shared>>
      tpu.enqueue_indirect_dma source(%arg22 : memref<80x128xf32, #tpu.memory_space<vmem>>) target(%dma_start3A_239 : memref<10000x128xf32, #tpu.memory_space<vmem_shared>>) offsets(%arg20 : memref<80xi32, #tpu.memory_space<vmem>>) semaphore(%arg41 : memref<!tpu.dma_semaphore, #tpu.memory_space<semaphore_mem>>) {add = true}
      %add3A_240 = arith.constant 3 : i32
      %add3A_241 = arith.addi %mul3A_169, %add3A_240 : i32
      %add3A_242 = arith.constant 2 : i32
      %add3A_243 = arith.addi %add3A_241, %add3A_242 : i32
      %sub3A_244 = arith.constant 4 : i32
      %sub3A_245 = arith.subi %add3A_243, %sub3A_244 : i32
      %dma_wait3A_246 = arith.constant 0 : i32
      %dma_wait3A_247 = arith.constant 0 : i32
      %dma_wait3A_248 = tpu.memref_slice %arg26[%dma_wait3A_246, %dma_wait3A_247] : memref<10000x128xf32, #tpu.memory_space<vmem_shared>> -> memref<10000x128xf32, #tpu.memory_space<vmem_shared>>
      tpu.wait_indirect_dma semaphore(%arg40 : memref<!tpu.dma_semaphore, #tpu.memory_space<semaphore_mem>>) src(%arg22 : memref<80x128xf32, #tpu.memory_space<vmem>>) dst(%dma_wait3A_248 : memref<10000x128xf32, #tpu.memory_space<vmem_shared>>)
      %lt3A_249 = arith.constant 125 : i32
      %lt3A_250 = arith.cmpi slt, %add3A_243, %lt3A_249 : i32
      %convert_element_type3A_251 = arith.extui %lt3A_250 : i1 to i32
      %cond3A_252 = arith.constant 0 : i32
      %cond3A_253 = arith.cmpi ne, %convert_element_type3A_251, %cond3A_252 : i32
      scf.if %cond3A_253 {
        %mul3A_264 = arith.constant 80 : i32
        %mul3A_265 = arith.muli %add3A_243, %mul3A_264 : i32
        %add3A_266 = arith.addi %mul3A_2, %mul3A_265 : i32
        %dma_start3A_267 = tpu.memref_slice %arg3[%add3A_266] : memref<320000xi32, #tpu.memory_space<hbm>> -> memref<80xi32, #tpu.memory_space<hbm>>
        %dma_start3A_268 = tpu.memref_slice %arg3[%add3A_266] : memref<320000xi32, #tpu.memory_space<hbm>> -> memref<80xi32, #tpu.memory_space<hbm>>
        tpu.enqueue_dma source(%dma_start3A_268 : memref<80xi32, #tpu.memory_space<hbm>>) target(%arg19 : memref<80xi32, #tpu.memory_space<vmem>>) target_semaphore(%arg32 : memref<!tpu.dma_semaphore, #tpu.memory_space<semaphore_mem>>)
      } else {
      }
      %add3A_254 = arith.constant 1 : i32
      %add3A_255 = arith.addi %add3A_241, %add3A_254 : i32
      %mul3A_256 = arith.constant 80 : i32
      %mul3A_257 = arith.muli %add3A_241, %mul3A_256 : i32
      %add3A_258 = arith.addi %mul3A_2, %mul3A_257 : i32
      %dma_wait3A_259 = tpu.memref_slice %arg3[%add3A_258] : memref<320000xi32, #tpu.memory_space<hbm>> -> memref<80xi32, #tpu.memory_space<hbm>>
      %dma_wait3A_260 = tpu.memref_slice %arg3[%add3A_258] : memref<320000xi32, #tpu.memory_space<hbm>> -> memref<80xi32, #tpu.memory_space<hbm>>
      tpu.wait_dma2 semaphore(%arg34 : memref<!tpu.dma_semaphore, #tpu.memory_space<semaphore_mem>>) src(%dma_wait3A_260 : memref<80xi32, #tpu.memory_space<hbm>>) dst(%arg21 : memref<80xi32, #tpu.memory_space<vmem>>)
      %dma_start3A_261 = arith.constant 0 : i32
      %dma_start3A_262 = arith.constant 0 : i32
      %dma_start3A_263 = tpu.memref_slice %arg26[%dma_start3A_261, %dma_start3A_262] : memref<10000x128xf32, #tpu.memory_space<vmem_shared>> -> memref<10000x128xf32, #tpu.memory_space<vmem_shared>>
      tpu.enqueue_indirect_dma source(%arg22 : memref<80x128xf32, #tpu.memory_space<vmem>>) target(%dma_start3A_263 : memref<10000x128xf32, #tpu.memory_space<vmem_shared>>) offsets(%arg21 : memref<80xi32, #tpu.memory_space<vmem>>) semaphore(%arg42 : memref<!tpu.dma_semaphore, #tpu.memory_space<semaphore_mem>>) {add = true}
    }
    %scan3A_20 = arith.constant 31 : i32
    %add3A_21 = arith.constant 9920 : i32
    %add3A_22 = arith.addi %mul3A_2, %add3A_21 : i32
    %dma_wait3A = tpu.memref_slice %arg3[%add3A_22] : memref<320000xi32, #tpu.memory_space<hbm>> -> memref<80xi32, #tpu.memory_space<hbm>>
    %dma_wait3A_23 = tpu.memref_slice %arg3[%add3A_22] : memref<320000xi32, #tpu.memory_space<hbm>> -> memref<80xi32, #tpu.memory_space<hbm>>
    tpu.wait_dma2 semaphore(%arg31 : memref<!tpu.dma_semaphore, #tpu.memory_space<semaphore_mem>>) src(%dma_wait3A_23 : memref<80xi32, #tpu.memory_space<hbm>>) dst(%arg18 : memref<80xi32, #tpu.memory_space<vmem>>)
    %dma_start3A_24 = arith.constant 0 : i32
    %dma_start3A_25 = arith.constant 0 : i32
    %dma_start3A_26 = tpu.memref_slice %arg26[%dma_start3A_24, %dma_start3A_25] : memref<10000x128xf32, #tpu.memory_space<vmem_shared>> -> memref<10000x128xf32, #tpu.memory_space<vmem_shared>>
    tpu.enqueue_indirect_dma source(%arg22 : memref<80x128xf32, #tpu.memory_space<vmem>>) target(%dma_start3A_26 : memref<10000x128xf32, #tpu.memory_space<vmem_shared>>) offsets(%arg18 : memref<80xi32, #tpu.memory_space<vmem>>) semaphore(%arg39 : memref<!tpu.dma_semaphore, #tpu.memory_space<semaphore_mem>>) {add = true}
    %dma_wait3A_27 = arith.constant 0 : i32
    %dma_wait3A_28 = arith.constant 0 : i32
    %dma_wait3A_29 = tpu.memref_slice %arg26[%dma_wait3A_27, %dma_wait3A_28] : memref<10000x128xf32, #tpu.memory_space<vmem_shared>> -> memref<10000x128xf32, #tpu.memory_space<vmem_shared>>
    tpu.wait_indirect_dma semaphore(%arg39 : memref<!tpu.dma_semaphore, #tpu.memory_space<semaphore_mem>>) src(%arg22 : memref<80x128xf32, #tpu.memory_space<vmem>>) dst(%dma_wait3A_29 : memref<10000x128xf32, #tpu.memory_space<vmem_shared>>)
    %dma_wait3A_30 = arith.constant 0 : i32
    %dma_wait3A_31 = arith.constant 0 : i32
    %dma_wait3A_32 = tpu.memref_slice %arg26[%dma_wait3A_30, %dma_wait3A_31] : memref<10000x128xf32, #tpu.memory_space<vmem_shared>> -> memref<10000x128xf32, #tpu.memory_space<vmem_shared>>
    tpu.wait_indirect_dma semaphore(%arg42 : memref<!tpu.dma_semaphore, #tpu.memory_space<semaphore_mem>>) src(%arg22 : memref<80x128xf32, #tpu.memory_space<vmem>>) dst(%dma_wait3A_32 : memref<10000x128xf32, #tpu.memory_space<vmem_shared>>)
    %dma_wait3A_33 = arith.constant 0 : i32
    %dma_wait3A_34 = arith.constant 0 : i32
    %dma_wait3A_35 = tpu.memref_slice %arg26[%dma_wait3A_33, %dma_wait3A_34] : memref<10000x128xf32, #tpu.memory_space<vmem_shared>> -> memref<10000x128xf32, #tpu.memory_space<vmem_shared>>
    tpu.wait_indirect_dma semaphore(%arg41 : memref<!tpu.dma_semaphore, #tpu.memory_space<semaphore_mem>>) src(%arg22 : memref<80x128xf32, #tpu.memory_space<vmem>>) dst(%dma_wait3A_35 : memref<10000x128xf32, #tpu.memory_space<vmem_shared>>)
    %barrier3A_36 = arith.constant 0 : index
    tpu.barrier barrier_id(%barrier3A_36)
    %lt3A_37 = arith.constant 15 : i32
    %lt3A_38 = arith.cmpi slt, %arg1, %lt3A_37 : i32
    %convert_element_type3A_39 = arith.extui %lt3A_38 : i1 to i32
    %cond3A_40 = arith.constant 0 : i32
    %cond3A_41 = arith.cmpi ne, %convert_element_type3A_39, %cond3A_40 : i32
    scf.if %cond3A_41 {
      %mul3A_167 = arith.constant 632 : i32
      %mul3A_168 = arith.muli %arg1, %mul3A_167 : i32
      %eq3A_169 = arith.constant 0 : i32
      %eq3A_170 = arith.cmpi eq, %arg0, %eq3A_169 : i32
      %convert_element_type3A_171 = arith.extui %eq3A_170 : i1 to i32
      %cond3A_172 = arith.constant 0 : i32
      %cond3A_173 = arith.cmpi ne, %convert_element_type3A_171, %cond3A_172 : i32
      scf.if %cond3A_173 {
        "tpu.region"() ({
          %run_scoped3A = tpu.sem_alloc : memref<!tpu.dma_semaphore, #tpu.memory_space<semaphore_mem>>
          %dma_start3A_179 = arith.constant 0 : i32
          %dma_start3A_180 = tpu.memref_slice %arg8[%mul3A_168, %dma_start3A_179] : memref<10000x128xf32, #tpu.memory_space<hbm>> -> memref<632x128xf32, #tpu.memory_space<hbm>>
          %dma_start3A_181 = arith.constant 0 : i32
          %dma_start3A_182 = tpu.memref_slice %arg26[%mul3A_168, %dma_start3A_181] : memref<10000x128xf32, #tpu.memory_space<vmem_shared>> -> memref<632x128xf32, #tpu.memory_space<vmem_shared>>
          tpu.enqueue_dma source(%dma_start3A_182 : memref<632x128xf32, #tpu.memory_space<vmem_shared>>) target(%dma_start3A_180 : memref<632x128xf32, #tpu.memory_space<hbm>>) target_semaphore(%run_scoped3A : memref<!tpu.dma_semaphore, #tpu.memory_space<semaphore_mem>>)
          %dma_wait3A_183 = arith.constant 0 : i32
          %dma_wait3A_184 = tpu.memref_slice %arg8[%mul3A_168, %dma_wait3A_183] : memref<10000x128xf32, #tpu.memory_space<hbm>> -> memref<632x128xf32, #tpu.memory_space<hbm>>
          %dma_wait3A_185 = arith.constant 0 : i32
          %dma_wait3A_186 = tpu.memref_slice %arg26[%mul3A_168, %dma_wait3A_185] : memref<10000x128xf32, #tpu.memory_space<vmem_shared>> -> memref<632x128xf32, #tpu.memory_space<vmem_shared>>
          tpu.wait_dma2 semaphore(%run_scoped3A : memref<!tpu.dma_semaphore, #tpu.memory_space<semaphore_mem>>) src(%dma_wait3A_186 : memref<632x128xf32, #tpu.memory_space<vmem_shared>>) dst(%dma_wait3A_184 : memref<632x128xf32, #tpu.memory_space<hbm>>)
          tpu.yield
        }) : () -> ()
      } else {
      }
      %eq3A_174 = arith.constant 1 : i32
      %eq3A_175 = arith.cmpi eq, %arg0, %eq3A_174 : i32
      %convert_element_type3A_176 = arith.extui %eq3A_175 : i1 to i32
      %cond3A_177 = arith.constant 0 : i32
      %cond3A_178 = arith.cmpi ne, %convert_element_type3A_176, %cond3A_177 : i32
      scf.if %cond3A_178 {
        "tpu.region"() ({
          %run_scoped3A = tpu.sem_alloc : memref<!tpu.dma_semaphore, #tpu.memory_space<semaphore_mem>>
          %dma_start3A_179 = arith.constant 0 : i32
          %dma_start3A_180 = tpu.memref_slice %arg9[%mul3A_168, %dma_start3A_179] : memref<10000x128xf32, #tpu.memory_space<hbm>> -> memref<632x128xf32, #tpu.memory_space<hbm>>
          %dma_start3A_181 = arith.constant 0 : i32
          %dma_start3A_182 = tpu.memref_slice %arg26[%mul3A_168, %dma_start3A_181] : memref<10000x128xf32, #tpu.memory_space<vmem_shared>> -> memref<632x128xf32, #tpu.memory_space<vmem_shared>>
          tpu.enqueue_dma source(%dma_start3A_182 : memref<632x128xf32, #tpu.memory_space<vmem_shared>>) target(%dma_start3A_180 : memref<632x128xf32, #tpu.memory_space<hbm>>) target_semaphore(%run_scoped3A : memref<!tpu.dma_semaphore, #tpu.memory_space<semaphore_mem>>)
          %dma_wait3A_183 = arith.constant 0 : i32
          %dma_wait3A_184 = tpu.memref_slice %arg9[%mul3A_168, %dma_wait3A_183] : memref<10000x128xf32, #tpu.memory_space<hbm>> -> memref<632x128xf32, #tpu.memory_space<hbm>>
          %dma_wait3A_185 = arith.constant 0 : i32
          %dma_wait3A_186 = tpu.memref_slice %arg26[%mul3A_168, %dma_wait3A_185] : memref<10000x128xf32, #tpu.memory_space<vmem_shared>> -> memref<632x128xf32, #tpu.memory_space<vmem_shared>>
          tpu.wait_dma2 semaphore(%run_scoped3A : memref<!tpu.dma_semaphore, #tpu.memory_space<semaphore_mem>>) src(%dma_wait3A_186 : memref<632x128xf32, #tpu.memory_space<vmem_shared>>) dst(%dma_wait3A_184 : memref<632x128xf32, #tpu.memory_space<hbm>>)
          tpu.yield
        }) : () -> ()
      } else {
      }
    } else {
    }
    %eq3A_42 = arith.constant 15 : i32
    %eq3A_43 = arith.cmpi eq, %arg1, %eq3A_42 : i32
    %convert_element_type3A_44 = arith.extui %eq3A_43 : i1 to i32
    %cond3A_45 = arith.constant 0 : i32
    %cond3A_46 = arith.cmpi ne, %convert_element_type3A_44, %cond3A_45 : i32
    scf.if %cond3A_46 {
      %eq3A_167 = arith.constant 0 : i32
      %eq3A_168 = arith.cmpi eq, %arg0, %eq3A_167 : i32
      %convert_element_type3A_169 = arith.extui %eq3A_168 : i1 to i32
      %cond3A_170 = arith.constant 0 : i32
      %cond3A_171 = arith.cmpi ne, %convert_element_type3A_169, %cond3A_170 : i32
      scf.if %cond3A_171 {
        "tpu.region"() ({
          %run_scoped3A = tpu.sem_alloc : memref<!tpu.dma_semaphore, #tpu.memory_space<semaphore_mem>>
          %dma_start3A_177 = arith.constant 9480 : i32
          %dma_start3A_178 = arith.constant 0 : i32
          %dma_start3A_179 = tpu.memref_slice %arg8[%dma_start3A_177, %dma_start3A_178] : memref<10000x128xf32, #tpu.memory_space<hbm>> -> memref<520x128xf32, #tpu.memory_space<hbm>>
          %dma_start3A_180 = arith.constant 9480 : i32
          %dma_start3A_181 = arith.constant 0 : i32
          %dma_start3A_182 = tpu.memref_slice %arg26[%dma_start3A_180, %dma_start3A_181] : memref<10000x128xf32, #tpu.memory_space<vmem_shared>> -> memref<520x128xf32, #tpu.memory_space<vmem_shared>>
          tpu.enqueue_dma source(%dma_start3A_182 : memref<520x128xf32, #tpu.memory_space<vmem_shared>>) target(%dma_start3A_179 : memref<520x128xf32, #tpu.memory_space<hbm>>) target_semaphore(%run_scoped3A : memref<!tpu.dma_semaphore, #tpu.memory_space<semaphore_mem>>)
          %dma_wait3A_183 = arith.constant 9480 : i32
          %dma_wait3A_184 = arith.constant 0 : i32
          %dma_wait3A_185 = tpu.memref_slice %arg8[%dma_wait3A_183, %dma_wait3A_184] : memref<10000x128xf32, #tpu.memory_space<hbm>> -> memref<520x128xf32, #tpu.memory_space<hbm>>
          %dma_wait3A_186 = arith.constant 9480 : i32
          %dma_wait3A_187 = arith.constant 0 : i32
          %dma_wait3A_188 = tpu.memref_slice %arg26[%dma_wait3A_186, %dma_wait3A_187] : memref<10000x128xf32, #tpu.memory_space<vmem_shared>> -> memref<520x128xf32, #tpu.memory_space<vmem_shared>>
          tpu.wait_dma2 semaphore(%run_scoped3A : memref<!tpu.dma_semaphore, #tpu.memory_space<semaphore_mem>>) src(%dma_wait3A_188 : memref<520x128xf32, #tpu.memory_space<vmem_shared>>) dst(%dma_wait3A_185 : memref<520x128xf32, #tpu.memory_space<hbm>>)
          tpu.yield
        }) : () -> ()
      } else {
      }
      %eq3A_172 = arith.constant 1 : i32
      %eq3A_173 = arith.cmpi eq, %arg0, %eq3A_172 : i32
      %convert_element_type3A_174 = arith.extui %eq3A_173 : i1 to i32
      %cond3A_175 = arith.constant 0 : i32
      %cond3A_176 = arith.cmpi ne, %convert_element_type3A_174, %cond3A_175 : i32
      scf.if %cond3A_176 {
        "tpu.region"() ({
          %run_scoped3A = tpu.sem_alloc : memref<!tpu.dma_semaphore, #tpu.memory_space<semaphore_mem>>
          %dma_start3A_177 = arith.constant 9480 : i32
          %dma_start3A_178 = arith.constant 0 : i32
          %dma_start3A_179 = tpu.memref_slice %arg9[%dma_start3A_177, %dma_start3A_178] : memref<10000x128xf32, #tpu.memory_space<hbm>> -> memref<520x128xf32, #tpu.memory_space<hbm>>
          %dma_start3A_180 = arith.constant 9480 : i32
          %dma_start3A_181 = arith.constant 0 : i32
          %dma_start3A_182 = tpu.memref_slice %arg26[%dma_start3A_180, %dma_start3A_181] : memref<10000x128xf32, #tpu.memory_space<vmem_shared>> -> memref<520x128xf32, #tpu.memory_space<vmem_shared>>
          tpu.enqueue_dma source(%dma_start3A_182 : memref<520x128xf32, #tpu.memory_space<vmem_shared>>) target(%dma_start3A_179 : memref<520x128xf32, #tpu.memory_space<hbm>>) target_semaphore(%run_scoped3A : memref<!tpu.dma_semaphore, #tpu.memory_space<semaphore_mem>>)
          %dma_wait3A_183 = arith.constant 9480 : i32
          %dma_wait3A_184 = arith.constant 0 : i32
          %dma_wait3A_185 = tpu.memref_slice %arg9[%dma_wait3A_183, %dma_wait3A_184] : memref<10000x128xf32, #tpu.memory_space<hbm>> -> memref<520x128xf32, #tpu.memory_space<hbm>>
          %dma_wait3A_186 = arith.constant 9480 : i32
          %dma_wait3A_187 = arith.constant 0 : i32
          %dma_wait3A_188 = tpu.memref_slice %arg26[%dma_wait3A_186, %dma_wait3A_187] : memref<10000x128xf32, #tpu.memory_space<vmem_shared>> -> memref<520x128xf32, #tpu.memory_space<vmem_shared>>
          tpu.wait_dma2 semaphore(%run_scoped3A : memref<!tpu.dma_semaphore, #tpu.memory_space<semaphore_mem>>) src(%dma_wait3A_188 : memref<520x128xf32, #tpu.memory_space<vmem_shared>>) dst(%dma_wait3A_185 : memref<520x128xf32, #tpu.memory_space<hbm>>)
          tpu.yield
        }) : () -> ()
      } else {
      }
    } else {
    }
    %barrier3A_47 = arith.constant 0 : index
    tpu.barrier barrier_id(%barrier3A_47)
    %add3A_48 = arith.constant 0 : i32
    %add3A_49 = arith.addi %mul3A_2, %add3A_48 : i32
    %dma_start3A_50 = tpu.memref_slice %arg3[%add3A_49] : memref<320000xi32, #tpu.memory_space<hbm>> -> memref<80xi32, #tpu.memory_space<hbm>>
    %dma_start3A_51 = tpu.memref_slice %arg3[%add3A_49] : memref<320000xi32, #tpu.memory_space<hbm>> -> memref<80xi32, #tpu.memory_space<hbm>>
    tpu.enqueue_dma source(%dma_start3A_51 : memref<80xi32, #tpu.memory_space<hbm>>) target(%arg18 : memref<80xi32, #tpu.memory_space<vmem>>) target_semaphore(%arg31 : memref<!tpu.dma_semaphore, #tpu.memory_space<semaphore_mem>>)
    %add3A_52 = arith.constant 0 : i32
    %add3A_53 = arith.addi %mul3A_2, %add3A_52 : i32
    %dma_start3A_54 = arith.constant 0 : i32
    %dma_start3A_55 = tpu.memref_slice %arg4[%add3A_53, %dma_start3A_54] : memref<320000x128xf32, #tpu.memory_space<hbm>> -> memref<80x128xf32, #tpu.memory_space<hbm>>
    %dma_start3A_56 = arith.constant 0 : i32
    %dma_start3A_57 = tpu.memref_slice %arg4[%add3A_53, %dma_start3A_56] : memref<320000x128xf32, #tpu.memory_space<hbm>> -> memref<80x128xf32, #tpu.memory_space<hbm>>
    tpu.enqueue_dma source(%dma_start3A_57 : memref<80x128xf32, #tpu.memory_space<hbm>>) target(%arg22 : memref<80x128xf32, #tpu.memory_space<vmem>>) target_semaphore(%arg35 : memref<!tpu.dma_semaphore, #tpu.memory_space<semaphore_mem>>)
    %add3A_58 = arith.constant 80 : i32
    %add3A_59 = arith.addi %mul3A_2, %add3A_58 : i32
    %dma_start3A_60 = tpu.memref_slice %arg3[%add3A_59] : memref<320000xi32, #tpu.memory_space<hbm>> -> memref<80xi32, #tpu.memory_space<hbm>>
    %dma_start3A_61 = tpu.memref_slice %arg3[%add3A_59] : memref<320000xi32, #tpu.memory_space<hbm>> -> memref<80xi32, #tpu.memory_space<hbm>>
    tpu.enqueue_dma source(%dma_start3A_61 : memref<80xi32, #tpu.memory_space<hbm>>) target(%arg19 : memref<80xi32, #tpu.memory_space<vmem>>) target_semaphore(%arg32 : memref<!tpu.dma_semaphore, #tpu.memory_space<semaphore_mem>>)
    %add3A_62 = arith.constant 80 : i32
    %add3A_63 = arith.addi %mul3A_2, %add3A_62 : i32
    %dma_start3A_64 = arith.constant 0 : i32
    %dma_start3A_65 = tpu.memref_slice %arg4[%add3A_63, %dma_start3A_64] : memref<320000x128xf32, #tpu.memory_space<hbm>> -> memref<80x128xf32, #tpu.memory_space<hbm>>
    %dma_start3A_66 = arith.constant 0 : i32
    %dma_start3A_67 = tpu.memref_slice %arg4[%add3A_63, %dma_start3A_66] : memref<320000x128xf32, #tpu.memory_space<hbm>> -> memref<80x128xf32, #tpu.memory_space<hbm>>
    tpu.enqueue_dma source(%dma_start3A_67 : memref<80x128xf32, #tpu.memory_space<hbm>>) target(%arg23 : memref<80x128xf32, #tpu.memory_space<vmem>>) target_semaphore(%arg36 : memref<!tpu.dma_semaphore, #tpu.memory_space<semaphore_mem>>)
    %scan3A_68 = arith.constant 0 : i32
    %scan3A_69 = arith.constant 0 : i32
    %scan3A_70 = arith.constant 31 : i32
    %scan3A_71 = arith.addi %scan3A_69, %scan3A_70 : i32
    %scan3A_72 = arith.constant 1 : i32
    scf.for %scan3A_167 = %scan3A_69 to %scan3A_71 step %scan3A_72  : i32 {
      %mul3A_168 = arith.constant 4 : i32
      %mul3A_169 = arith.muli %mul3A_168, %scan3A_167 : i32
      %add3A_170 = arith.constant 0 : i32
      %add3A_171 = arith.addi %mul3A_169, %add3A_170 : i32
      %add3A_172 = arith.constant 2 : i32
      %add3A_173 = arith.addi %add3A_171, %add3A_172 : i32
      %ge3A = arith.constant 4 : i32
      %ge3A_174 = arith.cmpi sge, %add3A_173, %ge3A : i32
      %convert_element_type3A_175 = arith.extui %ge3A_174 : i1 to i32
      %cond3A_176 = arith.constant 0 : i32
      %cond3A_177 = arith.cmpi ne, %convert_element_type3A_175, %cond3A_176 : i32
      scf.if %cond3A_177 {
        %sub3A_313 = arith.constant 4 : i32
        %sub3A_314 = arith.subi %add3A_173, %sub3A_313 : i32
        %dma_wait3A_315 = arith.constant 0 : i32
        %dma_wait3A_316 = arith.constant 0 : i32
        %dma_wait3A_317 = tpu.memref_slice %arg26[%dma_wait3A_315, %dma_wait3A_316] : memref<10000x128xf32, #tpu.memory_space<vmem_shared>> -> memref<10000x128xf32, #tpu.memory_space<vmem_shared>>
        tpu.wait_indirect_dma semaphore(%arg41 : memref<!tpu.dma_semaphore, #tpu.memory_space<semaphore_mem>>) src(%arg24 : memref<80x128xf32, #tpu.memory_space<vmem>>) dst(%dma_wait3A_317 : memref<10000x128xf32, #tpu.memory_space<vmem_shared>>)
      } else {
      }
      %mul3A_178 = arith.constant 80 : i32
      %mul3A_179 = arith.muli %add3A_173, %mul3A_178 : i32
      %add3A_180 = arith.addi %mul3A_2, %mul3A_179 : i32
      %dma_start3A_181 = tpu.memref_slice %arg3[%add3A_180] : memref<320000xi32, #tpu.memory_space<hbm>> -> memref<80xi32, #tpu.memory_space<hbm>>
      %dma_start3A_182 = tpu.memref_slice %arg3[%add3A_180] : memref<320000xi32, #tpu.memory_space<hbm>> -> memref<80xi32, #tpu.memory_space<hbm>>
      tpu.enqueue_dma source(%dma_start3A_182 : memref<80xi32, #tpu.memory_space<hbm>>) target(%arg20 : memref<80xi32, #tpu.memory_space<vmem>>) target_semaphore(%arg33 : memref<!tpu.dma_semaphore, #tpu.memory_space<semaphore_mem>>)
      %mul3A_183 = arith.constant 80 : i32
      %mul3A_184 = arith.muli %add3A_173, %mul3A_183 : i32
      %add3A_185 = arith.addi %mul3A_2, %mul3A_184 : i32
      %dma_start3A_186 = arith.constant 0 : i32
      %dma_start3A_187 = tpu.memref_slice %arg4[%add3A_185, %dma_start3A_186] : memref<320000x128xf32, #tpu.memory_space<hbm>> -> memref<80x128xf32, #tpu.memory_space<hbm>>
      %dma_start3A_188 = arith.constant 0 : i32
      %dma_start3A_189 = tpu.memref_slice %arg4[%add3A_185, %dma_start3A_188] : memref<320000x128xf32, #tpu.memory_space<hbm>> -> memref<80x128xf32, #tpu.memory_space<hbm>>
      tpu.enqueue_dma source(%dma_start3A_189 : memref<80x128xf32, #tpu.memory_space<hbm>>) target(%arg24 : memref<80x128xf32, #tpu.memory_space<vmem>>) target_semaphore(%arg37 : memref<!tpu.dma_semaphore, #tpu.memory_space<semaphore_mem>>)
      %add3A_190 = arith.constant 1 : i32
      %add3A_191 = arith.addi %add3A_171, %add3A_190 : i32
      %mul3A_192 = arith.constant 80 : i32
      %mul3A_193 = arith.muli %add3A_171, %mul3A_192 : i32
      %add3A_194 = arith.addi %mul3A_2, %mul3A_193 : i32
      %dma_wait3A_195 = tpu.memref_slice %arg3[%add3A_194] : memref<320000xi32, #tpu.memory_space<hbm>> -> memref<80xi32, #tpu.memory_space<hbm>>
      %dma_wait3A_196 = tpu.memref_slice %arg3[%add3A_194] : memref<320000xi32, #tpu.memory_space<hbm>> -> memref<80xi32, #tpu.memory_space<hbm>>
      tpu.wait_dma2 semaphore(%arg31 : memref<!tpu.dma_semaphore, #tpu.memory_space<semaphore_mem>>) src(%dma_wait3A_196 : memref<80xi32, #tpu.memory_space<hbm>>) dst(%arg18 : memref<80xi32, #tpu.memory_space<vmem>>)
      %mul3A_197 = arith.constant 80 : i32
      %mul3A_198 = arith.muli %add3A_171, %mul3A_197 : i32
      %add3A_199 = arith.addi %mul3A_2, %mul3A_198 : i32
      %dma_wait3A_200 = arith.constant 0 : i32
      %dma_wait3A_201 = tpu.memref_slice %arg4[%add3A_199, %dma_wait3A_200] : memref<320000x128xf32, #tpu.memory_space<hbm>> -> memref<80x128xf32, #tpu.memory_space<hbm>>
      %dma_wait3A_202 = arith.constant 0 : i32
      %dma_wait3A_203 = tpu.memref_slice %arg4[%add3A_199, %dma_wait3A_202] : memref<320000x128xf32, #tpu.memory_space<hbm>> -> memref<80x128xf32, #tpu.memory_space<hbm>>
      tpu.wait_dma2 semaphore(%arg35 : memref<!tpu.dma_semaphore, #tpu.memory_space<semaphore_mem>>) src(%dma_wait3A_203 : memref<80x128xf32, #tpu.memory_space<hbm>>) dst(%arg22 : memref<80x128xf32, #tpu.memory_space<vmem>>)
      %dma_start3A_204 = arith.constant 0 : i32
      %dma_start3A_205 = arith.constant 0 : i32
      %dma_start3A_206 = tpu.memref_slice %arg26[%dma_start3A_204, %dma_start3A_205] : memref<10000x128xf32, #tpu.memory_space<vmem_shared>> -> memref<10000x128xf32, #tpu.memory_space<vmem_shared>>
      tpu.enqueue_indirect_dma source(%arg22 : memref<80x128xf32, #tpu.memory_space<vmem>>) target(%dma_start3A_206 : memref<10000x128xf32, #tpu.memory_space<vmem_shared>>) offsets(%arg18 : memref<80xi32, #tpu.memory_space<vmem>>) semaphore(%arg39 : memref<!tpu.dma_semaphore, #tpu.memory_space<semaphore_mem>>) {add = true}
      %add3A_207 = arith.constant 1 : i32
      %add3A_208 = arith.addi %mul3A_169, %add3A_207 : i32
      %add3A_209 = arith.constant 2 : i32
      %add3A_210 = arith.addi %add3A_208, %add3A_209 : i32
      %ge3A_211 = arith.constant 4 : i32
      %ge3A_212 = arith.cmpi sge, %add3A_210, %ge3A_211 : i32
      %convert_element_type3A_213 = arith.extui %ge3A_212 : i1 to i32
      %cond3A_214 = arith.constant 0 : i32
      %cond3A_215 = arith.cmpi ne, %convert_element_type3A_213, %cond3A_214 : i32
      scf.if %cond3A_215 {
        %sub3A_313 = arith.constant 4 : i32
        %sub3A_314 = arith.subi %add3A_210, %sub3A_313 : i32
        %dma_wait3A_315 = arith.constant 0 : i32
        %dma_wait3A_316 = arith.constant 0 : i32
        %dma_wait3A_317 = tpu.memref_slice %arg26[%dma_wait3A_315, %dma_wait3A_316] : memref<10000x128xf32, #tpu.memory_space<vmem_shared>> -> memref<10000x128xf32, #tpu.memory_space<vmem_shared>>
        tpu.wait_indirect_dma semaphore(%arg42 : memref<!tpu.dma_semaphore, #tpu.memory_space<semaphore_mem>>) src(%arg25 : memref<80x128xf32, #tpu.memory_space<vmem>>) dst(%dma_wait3A_317 : memref<10000x128xf32, #tpu.memory_space<vmem_shared>>)
      } else {
      }
      %mul3A_216 = arith.constant 80 : i32
      %mul3A_217 = arith.muli %add3A_210, %mul3A_216 : i32
      %add3A_218 = arith.addi %mul3A_2, %mul3A_217 : i32
      %dma_start3A_219 = tpu.memref_slice %arg3[%add3A_218] : memref<320000xi32, #tpu.memory_space<hbm>> -> memref<80xi32, #tpu.memory_space<hbm>>
      %dma_start3A_220 = tpu.memref_slice %arg3[%add3A_218] : memref<320000xi32, #tpu.memory_space<hbm>> -> memref<80xi32, #tpu.memory_space<hbm>>
      tpu.enqueue_dma source(%dma_start3A_220 : memref<80xi32, #tpu.memory_space<hbm>>) target(%arg21 : memref<80xi32, #tpu.memory_space<vmem>>) target_semaphore(%arg34 : memref<!tpu.dma_semaphore, #tpu.memory_space<semaphore_mem>>)
      %mul3A_221 = arith.constant 80 : i32
      %mul3A_222 = arith.muli %add3A_210, %mul3A_221 : i32
      %add3A_223 = arith.addi %mul3A_2, %mul3A_222 : i32
      %dma_start3A_224 = arith.constant 0 : i32
      %dma_start3A_225 = tpu.memref_slice %arg4[%add3A_223, %dma_start3A_224] : memref<320000x128xf32, #tpu.memory_space<hbm>> -> memref<80x128xf32, #tpu.memory_space<hbm>>
      %dma_start3A_226 = arith.constant 0 : i32
      %dma_start3A_227 = tpu.memref_slice %arg4[%add3A_223, %dma_start3A_226] : memref<320000x128xf32, #tpu.memory_space<hbm>> -> memref<80x128xf32, #tpu.memory_space<hbm>>
      tpu.enqueue_dma source(%dma_start3A_227 : memref<80x128xf32, #tpu.memory_space<hbm>>) target(%arg25 : memref<80x128xf32, #tpu.memory_space<vmem>>) target_semaphore(%arg38 : memref<!tpu.dma_semaphore, #tpu.memory_space<semaphore_mem>>)
      %add3A_228 = arith.constant 1 : i32
      %add3A_229 = arith.addi %add3A_208, %add3A_228 : i32
      %mul3A_230 = arith.constant 80 : i32
      %mul3A_231 = arith.muli %add3A_208, %mul3A_230 : i32
      %add3A_232 = arith.addi %mul3A_2, %mul3A_231 : i32
      %dma_wait3A_233 = tpu.memref_slice %arg3[%add3A_232] : memref<320000xi32, #tpu.memory_space<hbm>> -> memref<80xi32, #tpu.memory_space<hbm>>
      %dma_wait3A_234 = tpu.memref_slice %arg3[%add3A_232] : memref<320000xi32, #tpu.memory_space<hbm>> -> memref<80xi32, #tpu.memory_space<hbm>>
      tpu.wait_dma2 semaphore(%arg32 : memref<!tpu.dma_semaphore, #tpu.memory_space<semaphore_mem>>) src(%dma_wait3A_234 : memref<80xi32, #tpu.memory_space<hbm>>) dst(%arg19 : memref<80xi32, #tpu.memory_space<vmem>>)
      %mul3A_235 = arith.constant 80 : i32
      %mul3A_236 = arith.muli %add3A_208, %mul3A_235 : i32
      %add3A_237 = arith.addi %mul3A_2, %mul3A_236 : i32
      %dma_wait3A_238 = arith.constant 0 : i32
      %dma_wait3A_239 = tpu.memref_slice %arg4[%add3A_237, %dma_wait3A_238] : memref<320000x128xf32, #tpu.memory_space<hbm>> -> memref<80x128xf32, #tpu.memory_space<hbm>>
      %dma_wait3A_240 = arith.constant 0 : i32
      %dma_wait3A_241 = tpu.memref_slice %arg4[%add3A_237, %dma_wait3A_240] : memref<320000x128xf32, #tpu.memory_space<hbm>> -> memref<80x128xf32, #tpu.memory_space<hbm>>
      tpu.wait_dma2 semaphore(%arg36 : memref<!tpu.dma_semaphore, #tpu.memory_space<semaphore_mem>>) src(%dma_wait3A_241 : memref<80x128xf32, #tpu.memory_space<hbm>>) dst(%arg23 : memref<80x128xf32, #tpu.memory_space<vmem>>)
      %dma_start3A_242 = arith.constant 0 : i32
      %dma_start3A_243 = arith.constant 0 : i32
      %dma_start3A_244 = tpu.memref_slice %arg26[%dma_start3A_242, %dma_start3A_243] : memref<10000x128xf32, #tpu.memory_space<vmem_shared>> -> memref<10000x128xf32, #tpu.memory_space<vmem_shared>>
      tpu.enqueue_indirect_dma source(%arg23 : memref<80x128xf32, #tpu.memory_space<vmem>>) target(%dma_start3A_244 : memref<10000x128xf32, #tpu.memory_space<vmem_shared>>) offsets(%arg19 : memref<80xi32, #tpu.memory_space<vmem>>) semaphore(%arg40 : memref<!tpu.dma_semaphore, #tpu.memory_space<semaphore_mem>>) {add = true}
      %add3A_245 = arith.constant 2 : i32
      %add3A_246 = arith.addi %mul3A_169, %add3A_245 : i32
      %add3A_247 = arith.constant 2 : i32
      %add3A_248 = arith.addi %add3A_246, %add3A_247 : i32
      %sub3A = arith.constant 4 : i32
      %sub3A_249 = arith.subi %add3A_248, %sub3A : i32
      %dma_wait3A_250 = arith.constant 0 : i32
      %dma_wait3A_251 = arith.constant 0 : i32
      %dma_wait3A_252 = tpu.memref_slice %arg26[%dma_wait3A_250, %dma_wait3A_251] : memref<10000x128xf32, #tpu.memory_space<vmem_shared>> -> memref<10000x128xf32, #tpu.memory_space<vmem_shared>>
      tpu.wait_indirect_dma semaphore(%arg39 : memref<!tpu.dma_semaphore, #tpu.memory_space<semaphore_mem>>) src(%arg22 : memref<80x128xf32, #tpu.memory_space<vmem>>) dst(%dma_wait3A_252 : memref<10000x128xf32, #tpu.memory_space<vmem_shared>>)
      %mul3A_253 = arith.constant 80 : i32
      %mul3A_254 = arith.muli %add3A_248, %mul3A_253 : i32
      %add3A_255 = arith.addi %mul3A_2, %mul3A_254 : i32
      %dma_start3A_256 = tpu.memref_slice %arg3[%add3A_255] : memref<320000xi32, #tpu.memory_space<hbm>> -> memref<80xi32, #tpu.memory_space<hbm>>
      %dma_start3A_257 = tpu.memref_slice %arg3[%add3A_255] : memref<320000xi32, #tpu.memory_space<hbm>> -> memref<80xi32, #tpu.memory_space<hbm>>
      tpu.enqueue_dma source(%dma_start3A_257 : memref<80xi32, #tpu.memory_space<hbm>>) target(%arg18 : memref<80xi32, #tpu.memory_space<vmem>>) target_semaphore(%arg31 : memref<!tpu.dma_semaphore, #tpu.memory_space<semaphore_mem>>)
      %mul3A_258 = arith.constant 80 : i32
      %mul3A_259 = arith.muli %add3A_248, %mul3A_258 : i32
      %add3A_260 = arith.addi %mul3A_2, %mul3A_259 : i32
      %dma_start3A_261 = arith.constant 0 : i32
      %dma_start3A_262 = tpu.memref_slice %arg4[%add3A_260, %dma_start3A_261] : memref<320000x128xf32, #tpu.memory_space<hbm>> -> memref<80x128xf32, #tpu.memory_space<hbm>>
      %dma_start3A_263 = arith.constant 0 : i32
      %dma_start3A_264 = tpu.memref_slice %arg4[%add3A_260, %dma_start3A_263] : memref<320000x128xf32, #tpu.memory_space<hbm>> -> memref<80x128xf32, #tpu.memory_space<hbm>>
      tpu.enqueue_dma source(%dma_start3A_264 : memref<80x128xf32, #tpu.memory_space<hbm>>) target(%arg22 : memref<80x128xf32, #tpu.memory_space<vmem>>) target_semaphore(%arg35 : memref<!tpu.dma_semaphore, #tpu.memory_space<semaphore_mem>>)
      %add3A_265 = arith.constant 1 : i32
      %add3A_266 = arith.addi %add3A_246, %add3A_265 : i32
      %mul3A_267 = arith.constant 80 : i32
      %mul3A_268 = arith.muli %add3A_246, %mul3A_267 : i32
      %add3A_269 = arith.addi %mul3A_2, %mul3A_268 : i32
      %dma_wait3A_270 = tpu.memref_slice %arg3[%add3A_269] : memref<320000xi32, #tpu.memory_space<hbm>> -> memref<80xi32, #tpu.memory_space<hbm>>
      %dma_wait3A_271 = tpu.memref_slice %arg3[%add3A_269] : memref<320000xi32, #tpu.memory_space<hbm>> -> memref<80xi32, #tpu.memory_space<hbm>>
      tpu.wait_dma2 semaphore(%arg33 : memref<!tpu.dma_semaphore, #tpu.memory_space<semaphore_mem>>) src(%dma_wait3A_271 : memref<80xi32, #tpu.memory_space<hbm>>) dst(%arg20 : memref<80xi32, #tpu.memory_space<vmem>>)
      %mul3A_272 = arith.constant 80 : i32
      %mul3A_273 = arith.muli %add3A_246, %mul3A_272 : i32
      %add3A_274 = arith.addi %mul3A_2, %mul3A_273 : i32
      %dma_wait3A_275 = arith.constant 0 : i32
      %dma_wait3A_276 = tpu.memref_slice %arg4[%add3A_274, %dma_wait3A_275] : memref<320000x128xf32, #tpu.memory_space<hbm>> -> memref<80x128xf32, #tpu.memory_space<hbm>>
      %dma_wait3A_277 = arith.constant 0 : i32
      %dma_wait3A_278 = tpu.memref_slice %arg4[%add3A_274, %dma_wait3A_277] : memref<320000x128xf32, #tpu.memory_space<hbm>> -> memref<80x128xf32, #tpu.memory_space<hbm>>
      tpu.wait_dma2 semaphore(%arg37 : memref<!tpu.dma_semaphore, #tpu.memory_space<semaphore_mem>>) src(%dma_wait3A_278 : memref<80x128xf32, #tpu.memory_space<hbm>>) dst(%arg24 : memref<80x128xf32, #tpu.memory_space<vmem>>)
      %dma_start3A_279 = arith.constant 0 : i32
      %dma_start3A_280 = arith.constant 0 : i32
      %dma_start3A_281 = tpu.memref_slice %arg26[%dma_start3A_279, %dma_start3A_280] : memref<10000x128xf32, #tpu.memory_space<vmem_shared>> -> memref<10000x128xf32, #tpu.memory_space<vmem_shared>>
      tpu.enqueue_indirect_dma source(%arg24 : memref<80x128xf32, #tpu.memory_space<vmem>>) target(%dma_start3A_281 : memref<10000x128xf32, #tpu.memory_space<vmem_shared>>) offsets(%arg20 : memref<80xi32, #tpu.memory_space<vmem>>) semaphore(%arg41 : memref<!tpu.dma_semaphore, #tpu.memory_space<semaphore_mem>>) {add = true}
      %add3A_282 = arith.constant 3 : i32
      %add3A_283 = arith.addi %mul3A_169, %add3A_282 : i32
      %add3A_284 = arith.constant 2 : i32
      %add3A_285 = arith.addi %add3A_283, %add3A_284 : i32
      %sub3A_286 = arith.constant 4 : i32
      %sub3A_287 = arith.subi %add3A_285, %sub3A_286 : i32
      %dma_wait3A_288 = arith.constant 0 : i32
      %dma_wait3A_289 = arith.constant 0 : i32
      %dma_wait3A_290 = tpu.memref_slice %arg26[%dma_wait3A_288, %dma_wait3A_289] : memref<10000x128xf32, #tpu.memory_space<vmem_shared>> -> memref<10000x128xf32, #tpu.memory_space<vmem_shared>>
      tpu.wait_indirect_dma semaphore(%arg40 : memref<!tpu.dma_semaphore, #tpu.memory_space<semaphore_mem>>) src(%arg23 : memref<80x128xf32, #tpu.memory_space<vmem>>) dst(%dma_wait3A_290 : memref<10000x128xf32, #tpu.memory_space<vmem_shared>>)
      %lt3A_291 = arith.constant 125 : i32
      %lt3A_292 = arith.cmpi slt, %add3A_285, %lt3A_291 : i32
      %convert_element_type3A_293 = arith.extui %lt3A_292 : i1 to i32
      %cond3A_294 = arith.constant 0 : i32
      %cond3A_295 = arith.cmpi ne, %convert_element_type3A_293, %cond3A_294 : i32
      scf.if %cond3A_295 {
        %mul3A_313 = arith.constant 80 : i32
        %mul3A_314 = arith.muli %add3A_285, %mul3A_313 : i32
        %add3A_315 = arith.addi %mul3A_2, %mul3A_314 : i32
        %dma_start3A_316 = tpu.memref_slice %arg3[%add3A_315] : memref<320000xi32, #tpu.memory_space<hbm>> -> memref<80xi32, #tpu.memory_space<hbm>>
        %dma_start3A_317 = tpu.memref_slice %arg3[%add3A_315] : memref<320000xi32, #tpu.memory_space<hbm>> -> memref<80xi32, #tpu.memory_space<hbm>>
        tpu.enqueue_dma source(%dma_start3A_317 : memref<80xi32, #tpu.memory_space<hbm>>) target(%arg19 : memref<80xi32, #tpu.memory_space<vmem>>) target_semaphore(%arg32 : memref<!tpu.dma_semaphore, #tpu.memory_space<semaphore_mem>>)
        %mul3A_318 = arith.constant 80 : i32
        %mul3A_319 = arith.muli %add3A_285, %mul3A_318 : i32
        %add3A_320 = arith.addi %mul3A_2, %mul3A_319 : i32
        %dma_start3A_321 = arith.constant 0 : i32
        %dma_start3A_322 = tpu.memref_slice %arg4[%add3A_320, %dma_start3A_321] : memref<320000x128xf32, #tpu.memory_space<hbm>> -> memref<80x128xf32, #tpu.memory_space<hbm>>
        %dma_start3A_323 = arith.constant 0 : i32
        %dma_start3A_324 = tpu.memref_slice %arg4[%add3A_320, %dma_start3A_323] : memref<320000x128xf32, #tpu.memory_space<hbm>> -> memref<80x128xf32, #tpu.memory_space<hbm>>
        tpu.enqueue_dma source(%dma_start3A_324 : memref<80x128xf32, #tpu.memory_space<hbm>>) target(%arg23 : memref<80x128xf32, #tpu.memory_space<vmem>>) target_semaphore(%arg36 : memref<!tpu.dma_semaphore, #tpu.memory_space<semaphore_mem>>)
      } else {
      }
      %add3A_296 = arith.constant 1 : i32
      %add3A_297 = arith.addi %add3A_283, %add3A_296 : i32
      %mul3A_298 = arith.constant 80 : i32
      %mul3A_299 = arith.muli %add3A_283, %mul3A_298 : i32
      %add3A_300 = arith.addi %mul3A_2, %mul3A_299 : i32
      %dma_wait3A_301 = tpu.memref_slice %arg3[%add3A_300] : memref<320000xi32, #tpu.memory_space<hbm>> -> memref<80xi32, #tpu.memory_space<hbm>>
      %dma_wait3A_302 = tpu.memref_slice %arg3[%add3A_300] : memref<320000xi32, #tpu.memory_space<hbm>> -> memref<80xi32, #tpu.memory_space<hbm>>
      tpu.wait_dma2 semaphore(%arg34 : memref<!tpu.dma_semaphore, #tpu.memory_space<semaphore_mem>>) src(%dma_wait3A_302 : memref<80xi32, #tpu.memory_space<hbm>>) dst(%arg21 : memref<80xi32, #tpu.memory_space<vmem>>)
      %mul3A_303 = arith.constant 80 : i32
      %mul3A_304 = arith.muli %add3A_283, %mul3A_303 : i32
      %add3A_305 = arith.addi %mul3A_2, %mul3A_304 : i32
      %dma_wait3A_306 = arith.constant 0 : i32
      %dma_wait3A_307 = tpu.memref_slice %arg4[%add3A_305, %dma_wait3A_306] : memref<320000x128xf32, #tpu.memory_space<hbm>> -> memref<80x128xf32, #tpu.memory_space<hbm>>
      %dma_wait3A_308 = arith.constant 0 : i32
      %dma_wait3A_309 = tpu.memref_slice %arg4[%add3A_305, %dma_wait3A_308] : memref<320000x128xf32, #tpu.memory_space<hbm>> -> memref<80x128xf32, #tpu.memory_space<hbm>>
      tpu.wait_dma2 semaphore(%arg38 : memref<!tpu.dma_semaphore, #tpu.memory_space<semaphore_mem>>) src(%dma_wait3A_309 : memref<80x128xf32, #tpu.memory_space<hbm>>) dst(%arg25 : memref<80x128xf32, #tpu.memory_space<vmem>>)
      %dma_start3A_310 = arith.constant 0 : i32
      %dma_start3A_311 = arith.constant 0 : i32
      %dma_start3A_312 = tpu.memref_slice %arg26[%dma_start3A_310, %dma_start3A_311] : memref<10000x128xf32, #tpu.memory_space<vmem_shared>> -> memref<10000x128xf32, #tpu.memory_space<vmem_shared>>
      tpu.enqueue_indirect_dma source(%arg25 : memref<80x128xf32, #tpu.memory_space<vmem>>) target(%dma_start3A_312 : memref<10000x128xf32, #tpu.memory_space<vmem_shared>>) offsets(%arg21 : memref<80xi32, #tpu.memory_space<vmem>>) semaphore(%arg42 : memref<!tpu.dma_semaphore, #tpu.memory_space<semaphore_mem>>) {add = true}
    }
    %scan3A_73 = arith.constant 31 : i32
    %add3A_74 = arith.constant 9920 : i32
    %add3A_75 = arith.addi %mul3A_2, %add3A_74 : i32
    %dma_wait3A_76 = tpu.memref_slice %arg3[%add3A_75] : memref<320000xi32, #tpu.memory_space<hbm>> -> memref<80xi32, #tpu.memory_space<hbm>>
    %dma_wait3A_77 = tpu.memref_slice %arg3[%add3A_75] : memref<320000xi32, #tpu.memory_space<hbm>> -> memref<80xi32, #tpu.memory_space<hbm>>
    tpu.wait_dma2 semaphore(%arg31 : memref<!tpu.dma_semaphore, #tpu.memory_space<semaphore_mem>>) src(%dma_wait3A_77 : memref<80xi32, #tpu.memory_space<hbm>>) dst(%arg18 : memref<80xi32, #tpu.memory_space<vmem>>)
    %add3A_78 = arith.constant 9920 : i32
    %add3A_79 = arith.addi %mul3A_2, %add3A_78 : i32
    %dma_wait3A_80 = arith.constant 0 : i32
    %dma_wait3A_81 = tpu.memref_slice %arg4[%add3A_79, %dma_wait3A_80] : memref<320000x128xf32, #tpu.memory_space<hbm>> -> memref<80x128xf32, #tpu.memory_space<hbm>>
    %dma_wait3A_82 = arith.constant 0 : i32
    %dma_wait3A_83 = tpu.memref_slice %arg4[%add3A_79, %dma_wait3A_82] : memref<320000x128xf32, #tpu.memory_space<hbm>> -> memref<80x128xf32, #tpu.memory_space<hbm>>
    tpu.wait_dma2 semaphore(%arg35 : memref<!tpu.dma_semaphore, #tpu.memory_space<semaphore_mem>>) src(%dma_wait3A_83 : memref<80x128xf32, #tpu.memory_space<hbm>>) dst(%arg22 : memref<80x128xf32, #tpu.memory_space<vmem>>)
    %dma_start3A_84 = arith.constant 0 : i32
    %dma_start3A_85 = arith.constant 0 : i32
    %dma_start3A_86 = tpu.memref_slice %arg26[%dma_start3A_84, %dma_start3A_85] : memref<10000x128xf32, #tpu.memory_space<vmem_shared>> -> memref<10000x128xf32, #tpu.memory_space<vmem_shared>>
    tpu.enqueue_indirect_dma source(%arg22 : memref<80x128xf32, #tpu.memory_space<vmem>>) target(%dma_start3A_86 : memref<10000x128xf32, #tpu.memory_space<vmem_shared>>) offsets(%arg18 : memref<80xi32, #tpu.memory_space<vmem>>) semaphore(%arg39 : memref<!tpu.dma_semaphore, #tpu.memory_space<semaphore_mem>>) {add = true}
    %dma_wait3A_87 = arith.constant 0 : i32
    %dma_wait3A_88 = arith.constant 0 : i32
    %dma_wait3A_89 = tpu.memref_slice %arg26[%dma_wait3A_87, %dma_wait3A_88] : memref<10000x128xf32, #tpu.memory_space<vmem_shared>> -> memref<10000x128xf32, #tpu.memory_space<vmem_shared>>
    tpu.wait_indirect_dma semaphore(%arg39 : memref<!tpu.dma_semaphore, #tpu.memory_space<semaphore_mem>>) src(%arg22 : memref<80x128xf32, #tpu.memory_space<vmem>>) dst(%dma_wait3A_89 : memref<10000x128xf32, #tpu.memory_space<vmem_shared>>)
    %dma_wait3A_90 = arith.constant 0 : i32
    %dma_wait3A_91 = arith.constant 0 : i32
    %dma_wait3A_92 = tpu.memref_slice %arg26[%dma_wait3A_90, %dma_wait3A_91] : memref<10000x128xf32, #tpu.memory_space<vmem_shared>> -> memref<10000x128xf32, #tpu.memory_space<vmem_shared>>
    tpu.wait_indirect_dma semaphore(%arg42 : memref<!tpu.dma_semaphore, #tpu.memory_space<semaphore_mem>>) src(%arg25 : memref<80x128xf32, #tpu.memory_space<vmem>>) dst(%dma_wait3A_92 : memref<10000x128xf32, #tpu.memory_space<vmem_shared>>)
    %dma_wait3A_93 = arith.constant 0 : i32
    %dma_wait3A_94 = arith.constant 0 : i32
    %dma_wait3A_95 = tpu.memref_slice %arg26[%dma_wait3A_93, %dma_wait3A_94] : memref<10000x128xf32, #tpu.memory_space<vmem_shared>> -> memref<10000x128xf32, #tpu.memory_space<vmem_shared>>
    tpu.wait_indirect_dma semaphore(%arg41 : memref<!tpu.dma_semaphore, #tpu.memory_space<semaphore_mem>>) src(%arg24 : memref<80x128xf32, #tpu.memory_space<vmem>>) dst(%dma_wait3A_95 : memref<10000x128xf32, #tpu.memory_space<vmem_shared>>)
    %barrier3A_96 = arith.constant 0 : index
    tpu.barrier barrier_id(%barrier3A_96)
    %lt3A_97 = arith.constant 15 : i32
    %lt3A_98 = arith.cmpi slt, %arg1, %lt3A_97 : i32
    %convert_element_type3A_99 = arith.extui %lt3A_98 : i1 to i32
    %cond3A_100 = arith.constant 0 : i32
    %cond3A_101 = arith.cmpi ne, %convert_element_type3A_99, %cond3A_100 : i32
    scf.if %cond3A_101 {
      %mul3A_167 = arith.constant 632 : i32
      %mul3A_168 = arith.muli %arg1, %mul3A_167 : i32
      %eq3A_169 = arith.constant 0 : i32
      %eq3A_170 = arith.cmpi eq, %arg0, %eq3A_169 : i32
      %convert_element_type3A_171 = arith.extui %eq3A_170 : i1 to i32
      %cond3A_172 = arith.constant 0 : i32
      %cond3A_173 = arith.cmpi ne, %convert_element_type3A_171, %cond3A_172 : i32
      scf.if %cond3A_173 {
        "tpu.region"() ({
          %run_scoped3A = tpu.sem_alloc : memref<!tpu.dma_semaphore, #tpu.memory_space<semaphore_mem>>
          %dma_start3A_179 = arith.constant 0 : i32
          %dma_start3A_180 = tpu.memref_slice %arg10[%mul3A_168, %dma_start3A_179] : memref<10000x128xf32, #tpu.memory_space<hbm>> -> memref<632x128xf32, #tpu.memory_space<hbm>>
          %dma_start3A_181 = arith.constant 0 : i32
          %dma_start3A_182 = tpu.memref_slice %arg26[%mul3A_168, %dma_start3A_181] : memref<10000x128xf32, #tpu.memory_space<vmem_shared>> -> memref<632x128xf32, #tpu.memory_space<vmem_shared>>
          tpu.enqueue_dma source(%dma_start3A_182 : memref<632x128xf32, #tpu.memory_space<vmem_shared>>) target(%dma_start3A_180 : memref<632x128xf32, #tpu.memory_space<hbm>>) target_semaphore(%run_scoped3A : memref<!tpu.dma_semaphore, #tpu.memory_space<semaphore_mem>>)
          %dma_wait3A_183 = arith.constant 0 : i32
          %dma_wait3A_184 = tpu.memref_slice %arg10[%mul3A_168, %dma_wait3A_183] : memref<10000x128xf32, #tpu.memory_space<hbm>> -> memref<632x128xf32, #tpu.memory_space<hbm>>
          %dma_wait3A_185 = arith.constant 0 : i32
          %dma_wait3A_186 = tpu.memref_slice %arg26[%mul3A_168, %dma_wait3A_185] : memref<10000x128xf32, #tpu.memory_space<vmem_shared>> -> memref<632x128xf32, #tpu.memory_space<vmem_shared>>
          tpu.wait_dma2 semaphore(%run_scoped3A : memref<!tpu.dma_semaphore, #tpu.memory_space<semaphore_mem>>) src(%dma_wait3A_186 : memref<632x128xf32, #tpu.memory_space<vmem_shared>>) dst(%dma_wait3A_184 : memref<632x128xf32, #tpu.memory_space<hbm>>)
          tpu.yield
        }) : () -> ()
      } else {
      }
      %eq3A_174 = arith.constant 1 : i32
      %eq3A_175 = arith.cmpi eq, %arg0, %eq3A_174 : i32
      %convert_element_type3A_176 = arith.extui %eq3A_175 : i1 to i32
      %cond3A_177 = arith.constant 0 : i32
      %cond3A_178 = arith.cmpi ne, %convert_element_type3A_176, %cond3A_177 : i32
      scf.if %cond3A_178 {
        "tpu.region"() ({
          %run_scoped3A = tpu.sem_alloc : memref<!tpu.dma_semaphore, #tpu.memory_space<semaphore_mem>>
          %dma_start3A_179 = arith.constant 0 : i32
          %dma_start3A_180 = tpu.memref_slice %arg11[%mul3A_168, %dma_start3A_179] : memref<10000x128xf32, #tpu.memory_space<hbm>> -> memref<632x128xf32, #tpu.memory_space<hbm>>
          %dma_start3A_181 = arith.constant 0 : i32
          %dma_start3A_182 = tpu.memref_slice %arg26[%mul3A_168, %dma_start3A_181] : memref<10000x128xf32, #tpu.memory_space<vmem_shared>> -> memref<632x128xf32, #tpu.memory_space<vmem_shared>>
          tpu.enqueue_dma source(%dma_start3A_182 : memref<632x128xf32, #tpu.memory_space<vmem_shared>>) target(%dma_start3A_180 : memref<632x128xf32, #tpu.memory_space<hbm>>) target_semaphore(%run_scoped3A : memref<!tpu.dma_semaphore, #tpu.memory_space<semaphore_mem>>)
          %dma_wait3A_183 = arith.constant 0 : i32
          %dma_wait3A_184 = tpu.memref_slice %arg11[%mul3A_168, %dma_wait3A_183] : memref<10000x128xf32, #tpu.memory_space<hbm>> -> memref<632x128xf32, #tpu.memory_space<hbm>>
          %dma_wait3A_185 = arith.constant 0 : i32
          %dma_wait3A_186 = tpu.memref_slice %arg26[%mul3A_168, %dma_wait3A_185] : memref<10000x128xf32, #tpu.memory_space<vmem_shared>> -> memref<632x128xf32, #tpu.memory_space<vmem_shared>>
          tpu.wait_dma2 semaphore(%run_scoped3A : memref<!tpu.dma_semaphore, #tpu.memory_space<semaphore_mem>>) src(%dma_wait3A_186 : memref<632x128xf32, #tpu.memory_space<vmem_shared>>) dst(%dma_wait3A_184 : memref<632x128xf32, #tpu.memory_space<hbm>>)
          tpu.yield
        }) : () -> ()
      } else {
      }
    } else {
    }
    %eq3A_102 = arith.constant 15 : i32
    %eq3A_103 = arith.cmpi eq, %arg1, %eq3A_102 : i32
    %convert_element_type3A_104 = arith.extui %eq3A_103 : i1 to i32
    %cond3A_105 = arith.constant 0 : i32
    %cond3A_106 = arith.cmpi ne, %convert_element_type3A_104, %cond3A_105 : i32
    scf.if %cond3A_106 {
      %eq3A_167 = arith.constant 0 : i32
      %eq3A_168 = arith.cmpi eq, %arg0, %eq3A_167 : i32
      %convert_element_type3A_169 = arith.extui %eq3A_168 : i1 to i32
      %cond3A_170 = arith.constant 0 : i32
      %cond3A_171 = arith.cmpi ne, %convert_element_type3A_169, %cond3A_170 : i32
      scf.if %cond3A_171 {
        "tpu.region"() ({
          %run_scoped3A = tpu.sem_alloc : memref<!tpu.dma_semaphore, #tpu.memory_space<semaphore_mem>>
          %dma_start3A_177 = arith.constant 9480 : i32
          %dma_start3A_178 = arith.constant 0 : i32
          %dma_start3A_179 = tpu.memref_slice %arg10[%dma_start3A_177, %dma_start3A_178] : memref<10000x128xf32, #tpu.memory_space<hbm>> -> memref<520x128xf32, #tpu.memory_space<hbm>>
          %dma_start3A_180 = arith.constant 9480 : i32
          %dma_start3A_181 = arith.constant 0 : i32
          %dma_start3A_182 = tpu.memref_slice %arg26[%dma_start3A_180, %dma_start3A_181] : memref<10000x128xf32, #tpu.memory_space<vmem_shared>> -> memref<520x128xf32, #tpu.memory_space<vmem_shared>>
          tpu.enqueue_dma source(%dma_start3A_182 : memref<520x128xf32, #tpu.memory_space<vmem_shared>>) target(%dma_start3A_179 : memref<520x128xf32, #tpu.memory_space<hbm>>) target_semaphore(%run_scoped3A : memref<!tpu.dma_semaphore, #tpu.memory_space<semaphore_mem>>)
          %dma_wait3A_183 = arith.constant 9480 : i32
          %dma_wait3A_184 = arith.constant 0 : i32
          %dma_wait3A_185 = tpu.memref_slice %arg10[%dma_wait3A_183, %dma_wait3A_184] : memref<10000x128xf32, #tpu.memory_space<hbm>> -> memref<520x128xf32, #tpu.memory_space<hbm>>
          %dma_wait3A_186 = arith.constant 9480 : i32
          %dma_wait3A_187 = arith.constant 0 : i32
          %dma_wait3A_188 = tpu.memref_slice %arg26[%dma_wait3A_186, %dma_wait3A_187] : memref<10000x128xf32, #tpu.memory_space<vmem_shared>> -> memref<520x128xf32, #tpu.memory_space<vmem_shared>>
          tpu.wait_dma2 semaphore(%run_scoped3A : memref<!tpu.dma_semaphore, #tpu.memory_space<semaphore_mem>>) src(%dma_wait3A_188 : memref<520x128xf32, #tpu.memory_space<vmem_shared>>) dst(%dma_wait3A_185 : memref<520x128xf32, #tpu.memory_space<hbm>>)
          tpu.yield
        }) : () -> ()
      } else {
      }
      %eq3A_172 = arith.constant 1 : i32
      %eq3A_173 = arith.cmpi eq, %arg0, %eq3A_172 : i32
      %convert_element_type3A_174 = arith.extui %eq3A_173 : i1 to i32
      %cond3A_175 = arith.constant 0 : i32
      %cond3A_176 = arith.cmpi ne, %convert_element_type3A_174, %cond3A_175 : i32
      scf.if %cond3A_176 {
        "tpu.region"() ({
          %run_scoped3A = tpu.sem_alloc : memref<!tpu.dma_semaphore, #tpu.memory_space<semaphore_mem>>
          %dma_start3A_177 = arith.constant 9480 : i32
          %dma_start3A_178 = arith.constant 0 : i32
          %dma_start3A_179 = tpu.memref_slice %arg11[%dma_start3A_177, %dma_start3A_178] : memref<10000x128xf32, #tpu.memory_space<hbm>> -> memref<520x128xf32, #tpu.memory_space<hbm>>
          %dma_start3A_180 = arith.constant 9480 : i32
          %dma_start3A_181 = arith.constant 0 : i32
          %dma_start3A_182 = tpu.memref_slice %arg26[%dma_start3A_180, %dma_start3A_181] : memref<10000x128xf32, #tpu.memory_space<vmem_shared>> -> memref<520x128xf32, #tpu.memory_space<vmem_shared>>
          tpu.enqueue_dma source(%dma_start3A_182 : memref<520x128xf32, #tpu.memory_space<vmem_shared>>) target(%dma_start3A_179 : memref<520x128xf32, #tpu.memory_space<hbm>>) target_semaphore(%run_scoped3A : memref<!tpu.dma_semaphore, #tpu.memory_space<semaphore_mem>>)
          %dma_wait3A_183 = arith.constant 9480 : i32
          %dma_wait3A_184 = arith.constant 0 : i32
          %dma_wait3A_185 = tpu.memref_slice %arg11[%dma_wait3A_183, %dma_wait3A_184] : memref<10000x128xf32, #tpu.memory_space<hbm>> -> memref<520x128xf32, #tpu.memory_space<hbm>>
          %dma_wait3A_186 = arith.constant 9480 : i32
          %dma_wait3A_187 = arith.constant 0 : i32
          %dma_wait3A_188 = tpu.memref_slice %arg26[%dma_wait3A_186, %dma_wait3A_187] : memref<10000x128xf32, #tpu.memory_space<vmem_shared>> -> memref<520x128xf32, #tpu.memory_space<vmem_shared>>
          tpu.wait_dma2 semaphore(%run_scoped3A : memref<!tpu.dma_semaphore, #tpu.memory_space<semaphore_mem>>) src(%dma_wait3A_188 : memref<520x128xf32, #tpu.memory_space<vmem_shared>>) dst(%dma_wait3A_185 : memref<520x128xf32, #tpu.memory_space<hbm>>)
          tpu.yield
        }) : () -> ()
      } else {
      }
    } else {
    }
    %barrier3A_107 = arith.constant 0 : index
    tpu.barrier barrier_id(%barrier3A_107)
    %add3A_108 = arith.constant 0 : i32
    %add3A_109 = arith.addi %mul3A_2, %add3A_108 : i32
    %dma_start3A_110 = tpu.memref_slice %arg3[%add3A_109] : memref<320000xi32, #tpu.memory_space<hbm>> -> memref<80xi32, #tpu.memory_space<hbm>>
    %dma_start3A_111 = tpu.memref_slice %arg3[%add3A_109] : memref<320000xi32, #tpu.memory_space<hbm>> -> memref<80xi32, #tpu.memory_space<hbm>>
    tpu.enqueue_dma source(%dma_start3A_111 : memref<80xi32, #tpu.memory_space<hbm>>) target(%arg18 : memref<80xi32, #tpu.memory_space<vmem>>) target_semaphore(%arg31 : memref<!tpu.dma_semaphore, #tpu.memory_space<semaphore_mem>>)
    %add3A_112 = arith.constant 0 : i32
    %add3A_113 = arith.addi %mul3A_2, %add3A_112 : i32
    %dma_start3A_114 = tpu.memref_slice %arg2[%add3A_113] : memref<320000xi32, #tpu.memory_space<hbm>> -> memref<80xi32, #tpu.memory_space<hbm>>
    %dma_start3A_115 = tpu.memref_slice %arg2[%add3A_113] : memref<320000xi32, #tpu.memory_space<hbm>> -> memref<80xi32, #tpu.memory_space<hbm>>
    tpu.enqueue_dma source(%dma_start3A_115 : memref<80xi32, #tpu.memory_space<hbm>>) target(%arg14 : memref<80xi32, #tpu.memory_space<vmem>>) target_semaphore(%arg27 : memref<!tpu.dma_semaphore, #tpu.memory_space<semaphore_mem>>)
    %add3A_116 = arith.constant 80 : i32
    %add3A_117 = arith.addi %mul3A_2, %add3A_116 : i32
    %dma_start3A_118 = tpu.memref_slice %arg3[%add3A_117] : memref<320000xi32, #tpu.memory_space<hbm>> -> memref<80xi32, #tpu.memory_space<hbm>>
    %dma_start3A_119 = tpu.memref_slice %arg3[%add3A_117] : memref<320000xi32, #tpu.memory_space<hbm>> -> memref<80xi32, #tpu.memory_space<hbm>>
    tpu.enqueue_dma source(%dma_start3A_119 : memref<80xi32, #tpu.memory_space<hbm>>) target(%arg19 : memref<80xi32, #tpu.memory_space<vmem>>) target_semaphore(%arg32 : memref<!tpu.dma_semaphore, #tpu.memory_space<semaphore_mem>>)
    %add3A_120 = arith.constant 80 : i32
    %add3A_121 = arith.addi %mul3A_2, %add3A_120 : i32
    %dma_start3A_122 = tpu.memref_slice %arg2[%add3A_121] : memref<320000xi32, #tpu.memory_space<hbm>> -> memref<80xi32, #tpu.memory_space<hbm>>
    %dma_start3A_123 = tpu.memref_slice %arg2[%add3A_121] : memref<320000xi32, #tpu.memory_space<hbm>> -> memref<80xi32, #tpu.memory_space<hbm>>
    tpu.enqueue_dma source(%dma_start3A_123 : memref<80xi32, #tpu.memory_space<hbm>>) target(%arg15 : memref<80xi32, #tpu.memory_space<vmem>>) target_semaphore(%arg28 : memref<!tpu.dma_semaphore, #tpu.memory_space<semaphore_mem>>)
    %add3A_124 = arith.constant 0 : i32
    %add3A_125 = arith.addi %mul3A_2, %add3A_124 : i32
    %dma_wait3A_126 = tpu.memref_slice %arg2[%add3A_125] : memref<320000xi32, #tpu.memory_space<hbm>> -> memref<80xi32, #tpu.memory_space<hbm>>
    %dma_wait3A_127 = tpu.memref_slice %arg2[%add3A_125] : memref<320000xi32, #tpu.memory_space<hbm>> -> memref<80xi32, #tpu.memory_space<hbm>>
    tpu.wait_dma2 semaphore(%arg27 : memref<!tpu.dma_semaphore, #tpu.memory_space<semaphore_mem>>) src(%dma_wait3A_127 : memref<80xi32, #tpu.memory_space<hbm>>) dst(%arg14 : memref<80xi32, #tpu.memory_space<vmem>>)
    %dma_start3A_128 = arith.constant 0 : i32
    %dma_start3A_129 = arith.constant 0 : i32
    %dma_start3A_130 = tpu.memref_slice %arg5[%dma_start3A_128, %dma_start3A_129] : memref<10000x128xf32, #tpu.memory_space<hbm>> -> memref<10000x128xf32, #tpu.memory_space<hbm>>
    tpu.enqueue_indirect_dma source(%dma_start3A_130 : memref<10000x128xf32, #tpu.memory_space<hbm>>) target(%arg22 : memref<80x128xf32, #tpu.memory_space<vmem>>) offsets(%arg14 : memref<80xi32, #tpu.memory_space<vmem>>) semaphore(%arg35 : memref<!tpu.dma_semaphore, #tpu.memory_space<semaphore_mem>>)
    %scan3A_131 = arith.constant 0 : i32
    %scan3A_132 = arith.constant 0 : i32
    %scan3A_133 = arith.constant 31 : i32
    %scan3A_134 = arith.addi %scan3A_132, %scan3A_133 : i32
    %scan3A_135 = arith.constant 1 : i32
    scf.for %scan3A_167 = %scan3A_132 to %scan3A_134 step %scan3A_135  : i32 {
      %mul3A_168 = arith.constant 4 : i32
      %mul3A_169 = arith.muli %mul3A_168, %scan3A_167 : i32
      %add3A_170 = arith.constant 0 : i32
      %add3A_171 = arith.addi %mul3A_169, %add3A_170 : i32
      %add3A_172 = arith.constant 2 : i32
      %add3A_173 = arith.addi %add3A_171, %add3A_172 : i32
      %ge3A = arith.constant 4 : i32
      %ge3A_174 = arith.cmpi sge, %add3A_173, %ge3A : i32
      %convert_element_type3A_175 = arith.extui %ge3A_174 : i1 to i32
      %cond3A_176 = arith.constant 0 : i32
      %cond3A_177 = arith.cmpi ne, %convert_element_type3A_175, %cond3A_176 : i32
      scf.if %cond3A_177 {
        %sub3A_323 = arith.constant 4 : i32
        %sub3A_324 = arith.subi %add3A_173, %sub3A_323 : i32
        %dma_wait3A_325 = arith.constant 0 : i32
        %dma_wait3A_326 = arith.constant 0 : i32
        %dma_wait3A_327 = tpu.memref_slice %arg26[%dma_wait3A_325, %dma_wait3A_326] : memref<10000x128xf32, #tpu.memory_space<vmem_shared>> -> memref<10000x128xf32, #tpu.memory_space<vmem_shared>>
        tpu.wait_indirect_dma semaphore(%arg41 : memref<!tpu.dma_semaphore, #tpu.memory_space<semaphore_mem>>) src(%arg24 : memref<80x128xf32, #tpu.memory_space<vmem>>) dst(%dma_wait3A_327 : memref<10000x128xf32, #tpu.memory_space<vmem_shared>>)
      } else {
      }
      %mul3A_178 = arith.constant 80 : i32
      %mul3A_179 = arith.muli %add3A_173, %mul3A_178 : i32
      %add3A_180 = arith.addi %mul3A_2, %mul3A_179 : i32
      %dma_start3A_181 = tpu.memref_slice %arg3[%add3A_180] : memref<320000xi32, #tpu.memory_space<hbm>> -> memref<80xi32, #tpu.memory_space<hbm>>
      %dma_start3A_182 = tpu.memref_slice %arg3[%add3A_180] : memref<320000xi32, #tpu.memory_space<hbm>> -> memref<80xi32, #tpu.memory_space<hbm>>
      tpu.enqueue_dma source(%dma_start3A_182 : memref<80xi32, #tpu.memory_space<hbm>>) target(%arg20 : memref<80xi32, #tpu.memory_space<vmem>>) target_semaphore(%arg33 : memref<!tpu.dma_semaphore, #tpu.memory_space<semaphore_mem>>)
      %mul3A_183 = arith.constant 80 : i32
      %mul3A_184 = arith.muli %add3A_173, %mul3A_183 : i32
      %add3A_185 = arith.addi %mul3A_2, %mul3A_184 : i32
      %dma_start3A_186 = tpu.memref_slice %arg2[%add3A_185] : memref<320000xi32, #tpu.memory_space<hbm>> -> memref<80xi32, #tpu.memory_space<hbm>>
      %dma_start3A_187 = tpu.memref_slice %arg2[%add3A_185] : memref<320000xi32, #tpu.memory_space<hbm>> -> memref<80xi32, #tpu.memory_space<hbm>>
      tpu.enqueue_dma source(%dma_start3A_187 : memref<80xi32, #tpu.memory_space<hbm>>) target(%arg16 : memref<80xi32, #tpu.memory_space<vmem>>) target_semaphore(%arg29 : memref<!tpu.dma_semaphore, #tpu.memory_space<semaphore_mem>>)
      %add3A_188 = arith.constant 1 : i32
      %add3A_189 = arith.addi %add3A_171, %add3A_188 : i32
      %mul3A_190 = arith.constant 80 : i32
      %mul3A_191 = arith.muli %add3A_189, %mul3A_190 : i32
      %add3A_192 = arith.addi %mul3A_2, %mul3A_191 : i32
      %dma_wait3A_193 = tpu.memref_slice %arg2[%add3A_192] : memref<320000xi32, #tpu.memory_space<hbm>> -> memref<80xi32, #tpu.memory_space<hbm>>
      %dma_wait3A_194 = tpu.memref_slice %arg2[%add3A_192] : memref<320000xi32, #tpu.memory_space<hbm>> -> memref<80xi32, #tpu.memory_space<hbm>>
      tpu.wait_dma2 semaphore(%arg28 : memref<!tpu.dma_semaphore, #tpu.memory_space<semaphore_mem>>) src(%dma_wait3A_194 : memref<80xi32, #tpu.memory_space<hbm>>) dst(%arg15 : memref<80xi32, #tpu.memory_space<vmem>>)
      %dma_start3A_195 = arith.constant 0 : i32
      %dma_start3A_196 = arith.constant 0 : i32
      %dma_start3A_197 = tpu.memref_slice %arg5[%dma_start3A_195, %dma_start3A_196] : memref<10000x128xf32, #tpu.memory_space<hbm>> -> memref<10000x128xf32, #tpu.memory_space<hbm>>
      tpu.enqueue_indirect_dma source(%dma_start3A_197 : memref<10000x128xf32, #tpu.memory_space<hbm>>) target(%arg23 : memref<80x128xf32, #tpu.memory_space<vmem>>) offsets(%arg15 : memref<80xi32, #tpu.memory_space<vmem>>) semaphore(%arg36 : memref<!tpu.dma_semaphore, #tpu.memory_space<semaphore_mem>>)
      %mul3A_198 = arith.constant 80 : i32
      %mul3A_199 = arith.muli %add3A_171, %mul3A_198 : i32
      %add3A_200 = arith.addi %mul3A_2, %mul3A_199 : i32
      %dma_wait3A_201 = tpu.memref_slice %arg3[%add3A_200] : memref<320000xi32, #tpu.memory_space<hbm>> -> memref<80xi32, #tpu.memory_space<hbm>>
      %dma_wait3A_202 = tpu.memref_slice %arg3[%add3A_200] : memref<320000xi32, #tpu.memory_space<hbm>> -> memref<80xi32, #tpu.memory_space<hbm>>
      tpu.wait_dma2 semaphore(%arg31 : memref<!tpu.dma_semaphore, #tpu.memory_space<semaphore_mem>>) src(%dma_wait3A_202 : memref<80xi32, #tpu.memory_space<hbm>>) dst(%arg18 : memref<80xi32, #tpu.memory_space<vmem>>)
      %dma_wait3A_203 = arith.constant 0 : i32
      %dma_wait3A_204 = arith.constant 0 : i32
      %dma_wait3A_205 = tpu.memref_slice %arg5[%dma_wait3A_203, %dma_wait3A_204] : memref<10000x128xf32, #tpu.memory_space<hbm>> -> memref<10000x128xf32, #tpu.memory_space<hbm>>
      tpu.wait_indirect_dma semaphore(%arg35 : memref<!tpu.dma_semaphore, #tpu.memory_space<semaphore_mem>>) src(%dma_wait3A_205 : memref<10000x128xf32, #tpu.memory_space<hbm>>) dst(%arg22 : memref<80x128xf32, #tpu.memory_space<vmem>>)
      %dma_start3A_206 = arith.constant 0 : i32
      %dma_start3A_207 = arith.constant 0 : i32
      %dma_start3A_208 = tpu.memref_slice %arg26[%dma_start3A_206, %dma_start3A_207] : memref<10000x128xf32, #tpu.memory_space<vmem_shared>> -> memref<10000x128xf32, #tpu.memory_space<vmem_shared>>
      tpu.enqueue_indirect_dma source(%arg22 : memref<80x128xf32, #tpu.memory_space<vmem>>) target(%dma_start3A_208 : memref<10000x128xf32, #tpu.memory_space<vmem_shared>>) offsets(%arg18 : memref<80xi32, #tpu.memory_space<vmem>>) semaphore(%arg39 : memref<!tpu.dma_semaphore, #tpu.memory_space<semaphore_mem>>) {add = true}
      %add3A_209 = arith.constant 1 : i32
      %add3A_210 = arith.addi %mul3A_169, %add3A_209 : i32
      %add3A_211 = arith.constant 2 : i32
      %add3A_212 = arith.addi %add3A_210, %add3A_211 : i32
      %ge3A_213 = arith.constant 4 : i32
      %ge3A_214 = arith.cmpi sge, %add3A_212, %ge3A_213 : i32
      %convert_element_type3A_215 = arith.extui %ge3A_214 : i1 to i32
      %cond3A_216 = arith.constant 0 : i32
      %cond3A_217 = arith.cmpi ne, %convert_element_type3A_215, %cond3A_216 : i32
      scf.if %cond3A_217 {
        %sub3A_323 = arith.constant 4 : i32
        %sub3A_324 = arith.subi %add3A_212, %sub3A_323 : i32
        %dma_wait3A_325 = arith.constant 0 : i32
        %dma_wait3A_326 = arith.constant 0 : i32
        %dma_wait3A_327 = tpu.memref_slice %arg26[%dma_wait3A_325, %dma_wait3A_326] : memref<10000x128xf32, #tpu.memory_space<vmem_shared>> -> memref<10000x128xf32, #tpu.memory_space<vmem_shared>>
        tpu.wait_indirect_dma semaphore(%arg42 : memref<!tpu.dma_semaphore, #tpu.memory_space<semaphore_mem>>) src(%arg25 : memref<80x128xf32, #tpu.memory_space<vmem>>) dst(%dma_wait3A_327 : memref<10000x128xf32, #tpu.memory_space<vmem_shared>>)
      } else {
      }
      %mul3A_218 = arith.constant 80 : i32
      %mul3A_219 = arith.muli %add3A_212, %mul3A_218 : i32
      %add3A_220 = arith.addi %mul3A_2, %mul3A_219 : i32
      %dma_start3A_221 = tpu.memref_slice %arg3[%add3A_220] : memref<320000xi32, #tpu.memory_space<hbm>> -> memref<80xi32, #tpu.memory_space<hbm>>
      %dma_start3A_222 = tpu.memref_slice %arg3[%add3A_220] : memref<320000xi32, #tpu.memory_space<hbm>> -> memref<80xi32, #tpu.memory_space<hbm>>
      tpu.enqueue_dma source(%dma_start3A_222 : memref<80xi32, #tpu.memory_space<hbm>>) target(%arg21 : memref<80xi32, #tpu.memory_space<vmem>>) target_semaphore(%arg34 : memref<!tpu.dma_semaphore, #tpu.memory_space<semaphore_mem>>)
      %mul3A_223 = arith.constant 80 : i32
      %mul3A_224 = arith.muli %add3A_212, %mul3A_223 : i32
      %add3A_225 = arith.addi %mul3A_2, %mul3A_224 : i32
      %dma_start3A_226 = tpu.memref_slice %arg2[%add3A_225] : memref<320000xi32, #tpu.memory_space<hbm>> -> memref<80xi32, #tpu.memory_space<hbm>>
      %dma_start3A_227 = tpu.memref_slice %arg2[%add3A_225] : memref<320000xi32, #tpu.memory_space<hbm>> -> memref<80xi32, #tpu.memory_space<hbm>>
      tpu.enqueue_dma source(%dma_start3A_227 : memref<80xi32, #tpu.memory_space<hbm>>) target(%arg17 : memref<80xi32, #tpu.memory_space<vmem>>) target_semaphore(%arg30 : memref<!tpu.dma_semaphore, #tpu.memory_space<semaphore_mem>>)
      %add3A_228 = arith.constant 1 : i32
      %add3A_229 = arith.addi %add3A_210, %add3A_228 : i32
      %mul3A_230 = arith.constant 80 : i32
      %mul3A_231 = arith.muli %add3A_229, %mul3A_230 : i32
      %add3A_232 = arith.addi %mul3A_2, %mul3A_231 : i32
      %dma_wait3A_233 = tpu.memref_slice %arg2[%add3A_232] : memref<320000xi32, #tpu.memory_space<hbm>> -> memref<80xi32, #tpu.memory_space<hbm>>
      %dma_wait3A_234 = tpu.memref_slice %arg2[%add3A_232] : memref<320000xi32, #tpu.memory_space<hbm>> -> memref<80xi32, #tpu.memory_space<hbm>>
      tpu.wait_dma2 semaphore(%arg29 : memref<!tpu.dma_semaphore, #tpu.memory_space<semaphore_mem>>) src(%dma_wait3A_234 : memref<80xi32, #tpu.memory_space<hbm>>) dst(%arg16 : memref<80xi32, #tpu.memory_space<vmem>>)
      %dma_start3A_235 = arith.constant 0 : i32
      %dma_start3A_236 = arith.constant 0 : i32
      %dma_start3A_237 = tpu.memref_slice %arg5[%dma_start3A_235, %dma_start3A_236] : memref<10000x128xf32, #tpu.memory_space<hbm>> -> memref<10000x128xf32, #tpu.memory_space<hbm>>
      tpu.enqueue_indirect_dma source(%dma_start3A_237 : memref<10000x128xf32, #tpu.memory_space<hbm>>) target(%arg24 : memref<80x128xf32, #tpu.memory_space<vmem>>) offsets(%arg16 : memref<80xi32, #tpu.memory_space<vmem>>) semaphore(%arg37 : memref<!tpu.dma_semaphore, #tpu.memory_space<semaphore_mem>>)
      %mul3A_238 = arith.constant 80 : i32
      %mul3A_239 = arith.muli %add3A_210, %mul3A_238 : i32
      %add3A_240 = arith.addi %mul3A_2, %mul3A_239 : i32
      %dma_wait3A_241 = tpu.memref_slice %arg3[%add3A_240] : memref<320000xi32, #tpu.memory_space<hbm>> -> memref<80xi32, #tpu.memory_space<hbm>>
      %dma_wait3A_242 = tpu.memref_slice %arg3[%add3A_240] : memref<320000xi32, #tpu.memory_space<hbm>> -> memref<80xi32, #tpu.memory_space<hbm>>
      tpu.wait_dma2 semaphore(%arg32 : memref<!tpu.dma_semaphore, #tpu.memory_space<semaphore_mem>>) src(%dma_wait3A_242 : memref<80xi32, #tpu.memory_space<hbm>>) dst(%arg19 : memref<80xi32, #tpu.memory_space<vmem>>)
      %dma_wait3A_243 = arith.constant 0 : i32
      %dma_wait3A_244 = arith.constant 0 : i32
      %dma_wait3A_245 = tpu.memref_slice %arg5[%dma_wait3A_243, %dma_wait3A_244] : memref<10000x128xf32, #tpu.memory_space<hbm>> -> memref<10000x128xf32, #tpu.memory_space<hbm>>
      tpu.wait_indirect_dma semaphore(%arg36 : memref<!tpu.dma_semaphore, #tpu.memory_space<semaphore_mem>>) src(%dma_wait3A_245 : memref<10000x128xf32, #tpu.memory_space<hbm>>) dst(%arg23 : memref<80x128xf32, #tpu.memory_space<vmem>>)
      %dma_start3A_246 = arith.constant 0 : i32
      %dma_start3A_247 = arith.constant 0 : i32
      %dma_start3A_248 = tpu.memref_slice %arg26[%dma_start3A_246, %dma_start3A_247] : memref<10000x128xf32, #tpu.memory_space<vmem_shared>> -> memref<10000x128xf32, #tpu.memory_space<vmem_shared>>
      tpu.enqueue_indirect_dma source(%arg23 : memref<80x128xf32, #tpu.memory_space<vmem>>) target(%dma_start3A_248 : memref<10000x128xf32, #tpu.memory_space<vmem_shared>>) offsets(%arg19 : memref<80xi32, #tpu.memory_space<vmem>>) semaphore(%arg40 : memref<!tpu.dma_semaphore, #tpu.memory_space<semaphore_mem>>) {add = true}
      %add3A_249 = arith.constant 2 : i32
      %add3A_250 = arith.addi %mul3A_169, %add3A_249 : i32
      %add3A_251 = arith.constant 2 : i32
      %add3A_252 = arith.addi %add3A_250, %add3A_251 : i32
      %sub3A = arith.constant 4 : i32
      %sub3A_253 = arith.subi %add3A_252, %sub3A : i32
      %dma_wait3A_254 = arith.constant 0 : i32
      %dma_wait3A_255 = arith.constant 0 : i32
      %dma_wait3A_256 = tpu.memref_slice %arg26[%dma_wait3A_254, %dma_wait3A_255] : memref<10000x128xf32, #tpu.memory_space<vmem_shared>> -> memref<10000x128xf32, #tpu.memory_space<vmem_shared>>
      tpu.wait_indirect_dma semaphore(%arg39 : memref<!tpu.dma_semaphore, #tpu.memory_space<semaphore_mem>>) src(%arg22 : memref<80x128xf32, #tpu.memory_space<vmem>>) dst(%dma_wait3A_256 : memref<10000x128xf32, #tpu.memory_space<vmem_shared>>)
      %mul3A_257 = arith.constant 80 : i32
      %mul3A_258 = arith.muli %add3A_252, %mul3A_257 : i32
      %add3A_259 = arith.addi %mul3A_2, %mul3A_258 : i32
      %dma_start3A_260 = tpu.memref_slice %arg3[%add3A_259] : memref<320000xi32, #tpu.memory_space<hbm>> -> memref<80xi32, #tpu.memory_space<hbm>>
      %dma_start3A_261 = tpu.memref_slice %arg3[%add3A_259] : memref<320000xi32, #tpu.memory_space<hbm>> -> memref<80xi32, #tpu.memory_space<hbm>>
      tpu.enqueue_dma source(%dma_start3A_261 : memref<80xi32, #tpu.memory_space<hbm>>) target(%arg18 : memref<80xi32, #tpu.memory_space<vmem>>) target_semaphore(%arg31 : memref<!tpu.dma_semaphore, #tpu.memory_space<semaphore_mem>>)
      %mul3A_262 = arith.constant 80 : i32
      %mul3A_263 = arith.muli %add3A_252, %mul3A_262 : i32
      %add3A_264 = arith.addi %mul3A_2, %mul3A_263 : i32
      %dma_start3A_265 = tpu.memref_slice %arg2[%add3A_264] : memref<320000xi32, #tpu.memory_space<hbm>> -> memref<80xi32, #tpu.memory_space<hbm>>
      %dma_start3A_266 = tpu.memref_slice %arg2[%add3A_264] : memref<320000xi32, #tpu.memory_space<hbm>> -> memref<80xi32, #tpu.memory_space<hbm>>
      tpu.enqueue_dma source(%dma_start3A_266 : memref<80xi32, #tpu.memory_space<hbm>>) target(%arg14 : memref<80xi32, #tpu.memory_space<vmem>>) target_semaphore(%arg27 : memref<!tpu.dma_semaphore, #tpu.memory_space<semaphore_mem>>)
      %add3A_267 = arith.constant 1 : i32
      %add3A_268 = arith.addi %add3A_250, %add3A_267 : i32
      %mul3A_269 = arith.constant 80 : i32
      %mul3A_270 = arith.muli %add3A_268, %mul3A_269 : i32
      %add3A_271 = arith.addi %mul3A_2, %mul3A_270 : i32
      %dma_wait3A_272 = tpu.memref_slice %arg2[%add3A_271] : memref<320000xi32, #tpu.memory_space<hbm>> -> memref<80xi32, #tpu.memory_space<hbm>>
      %dma_wait3A_273 = tpu.memref_slice %arg2[%add3A_271] : memref<320000xi32, #tpu.memory_space<hbm>> -> memref<80xi32, #tpu.memory_space<hbm>>
      tpu.wait_dma2 semaphore(%arg30 : memref<!tpu.dma_semaphore, #tpu.memory_space<semaphore_mem>>) src(%dma_wait3A_273 : memref<80xi32, #tpu.memory_space<hbm>>) dst(%arg17 : memref<80xi32, #tpu.memory_space<vmem>>)
      %dma_start3A_274 = arith.constant 0 : i32
      %dma_start3A_275 = arith.constant 0 : i32
      %dma_start3A_276 = tpu.memref_slice %arg5[%dma_start3A_274, %dma_start3A_275] : memref<10000x128xf32, #tpu.memory_space<hbm>> -> memref<10000x128xf32, #tpu.memory_space<hbm>>
      tpu.enqueue_indirect_dma source(%dma_start3A_276 : memref<10000x128xf32, #tpu.memory_space<hbm>>) target(%arg25 : memref<80x128xf32, #tpu.memory_space<vmem>>) offsets(%arg17 : memref<80xi32, #tpu.memory_space<vmem>>) semaphore(%arg38 : memref<!tpu.dma_semaphore, #tpu.memory_space<semaphore_mem>>)
      %mul3A_277 = arith.constant 80 : i32
      %mul3A_278 = arith.muli %add3A_250, %mul3A_277 : i32
      %add3A_279 = arith.addi %mul3A_2, %mul3A_278 : i32
      %dma_wait3A_280 = tpu.memref_slice %arg3[%add3A_279] : memref<320000xi32, #tpu.memory_space<hbm>> -> memref<80xi32, #tpu.memory_space<hbm>>
      %dma_wait3A_281 = tpu.memref_slice %arg3[%add3A_279] : memref<320000xi32, #tpu.memory_space<hbm>> -> memref<80xi32, #tpu.memory_space<hbm>>
      tpu.wait_dma2 semaphore(%arg33 : memref<!tpu.dma_semaphore, #tpu.memory_space<semaphore_mem>>) src(%dma_wait3A_281 : memref<80xi32, #tpu.memory_space<hbm>>) dst(%arg20 : memref<80xi32, #tpu.memory_space<vmem>>)
      %dma_wait3A_282 = arith.constant 0 : i32
      %dma_wait3A_283 = arith.constant 0 : i32
      %dma_wait3A_284 = tpu.memref_slice %arg5[%dma_wait3A_282, %dma_wait3A_283] : memref<10000x128xf32, #tpu.memory_space<hbm>> -> memref<10000x128xf32, #tpu.memory_space<hbm>>
      tpu.wait_indirect_dma semaphore(%arg37 : memref<!tpu.dma_semaphore, #tpu.memory_space<semaphore_mem>>) src(%dma_wait3A_284 : memref<10000x128xf32, #tpu.memory_space<hbm>>) dst(%arg24 : memref<80x128xf32, #tpu.memory_space<vmem>>)
      %dma_start3A_285 = arith.constant 0 : i32
      %dma_start3A_286 = arith.constant 0 : i32
      %dma_start3A_287 = tpu.memref_slice %arg26[%dma_start3A_285, %dma_start3A_286] : memref<10000x128xf32, #tpu.memory_space<vmem_shared>> -> memref<10000x128xf32, #tpu.memory_space<vmem_shared>>
      tpu.enqueue_indirect_dma source(%arg24 : memref<80x128xf32, #tpu.memory_space<vmem>>) target(%dma_start3A_287 : memref<10000x128xf32, #tpu.memory_space<vmem_shared>>) offsets(%arg20 : memref<80xi32, #tpu.memory_space<vmem>>) semaphore(%arg41 : memref<!tpu.dma_semaphore, #tpu.memory_space<semaphore_mem>>) {add = true}
      %add3A_288 = arith.constant 3 : i32
      %add3A_289 = arith.addi %mul3A_169, %add3A_288 : i32
      %add3A_290 = arith.constant 2 : i32
      %add3A_291 = arith.addi %add3A_289, %add3A_290 : i32
      %sub3A_292 = arith.constant 4 : i32
      %sub3A_293 = arith.subi %add3A_291, %sub3A_292 : i32
      %dma_wait3A_294 = arith.constant 0 : i32
      %dma_wait3A_295 = arith.constant 0 : i32
      %dma_wait3A_296 = tpu.memref_slice %arg26[%dma_wait3A_294, %dma_wait3A_295] : memref<10000x128xf32, #tpu.memory_space<vmem_shared>> -> memref<10000x128xf32, #tpu.memory_space<vmem_shared>>
      tpu.wait_indirect_dma semaphore(%arg40 : memref<!tpu.dma_semaphore, #tpu.memory_space<semaphore_mem>>) src(%arg23 : memref<80x128xf32, #tpu.memory_space<vmem>>) dst(%dma_wait3A_296 : memref<10000x128xf32, #tpu.memory_space<vmem_shared>>)
      %lt3A_297 = arith.constant 125 : i32
      %lt3A_298 = arith.cmpi slt, %add3A_291, %lt3A_297 : i32
      %convert_element_type3A_299 = arith.extui %lt3A_298 : i1 to i32
      %cond3A_300 = arith.constant 0 : i32
      %cond3A_301 = arith.cmpi ne, %convert_element_type3A_299, %cond3A_300 : i32
      scf.if %cond3A_301 {
        %mul3A_323 = arith.constant 80 : i32
        %mul3A_324 = arith.muli %add3A_291, %mul3A_323 : i32
        %add3A_325 = arith.addi %mul3A_2, %mul3A_324 : i32
        %dma_start3A_326 = tpu.memref_slice %arg3[%add3A_325] : memref<320000xi32, #tpu.memory_space<hbm>> -> memref<80xi32, #tpu.memory_space<hbm>>
        %dma_start3A_327 = tpu.memref_slice %arg3[%add3A_325] : memref<320000xi32, #tpu.memory_space<hbm>> -> memref<80xi32, #tpu.memory_space<hbm>>
        tpu.enqueue_dma source(%dma_start3A_327 : memref<80xi32, #tpu.memory_space<hbm>>) target(%arg19 : memref<80xi32, #tpu.memory_space<vmem>>) target_semaphore(%arg32 : memref<!tpu.dma_semaphore, #tpu.memory_space<semaphore_mem>>)
        %mul3A_328 = arith.constant 80 : i32
        %mul3A_329 = arith.muli %add3A_291, %mul3A_328 : i32
        %add3A_330 = arith.addi %mul3A_2, %mul3A_329 : i32
        %dma_start3A_331 = tpu.memref_slice %arg2[%add3A_330] : memref<320000xi32, #tpu.memory_space<hbm>> -> memref<80xi32, #tpu.memory_space<hbm>>
        %dma_start3A_332 = tpu.memref_slice %arg2[%add3A_330] : memref<320000xi32, #tpu.memory_space<hbm>> -> memref<80xi32, #tpu.memory_space<hbm>>
        tpu.enqueue_dma source(%dma_start3A_332 : memref<80xi32, #tpu.memory_space<hbm>>) target(%arg15 : memref<80xi32, #tpu.memory_space<vmem>>) target_semaphore(%arg28 : memref<!tpu.dma_semaphore, #tpu.memory_space<semaphore_mem>>)
      } else {
      }
      %add3A_302 = arith.constant 1 : i32
      %add3A_303 = arith.addi %add3A_289, %add3A_302 : i32
      %mul3A_304 = arith.constant 80 : i32
      %mul3A_305 = arith.muli %add3A_303, %mul3A_304 : i32
      %add3A_306 = arith.addi %mul3A_2, %mul3A_305 : i32
      %dma_wait3A_307 = tpu.memref_slice %arg2[%add3A_306] : memref<320000xi32, #tpu.memory_space<hbm>> -> memref<80xi32, #tpu.memory_space<hbm>>
      %dma_wait3A_308 = tpu.memref_slice %arg2[%add3A_306] : memref<320000xi32, #tpu.memory_space<hbm>> -> memref<80xi32, #tpu.memory_space<hbm>>
      tpu.wait_dma2 semaphore(%arg27 : memref<!tpu.dma_semaphore, #tpu.memory_space<semaphore_mem>>) src(%dma_wait3A_308 : memref<80xi32, #tpu.memory_space<hbm>>) dst(%arg14 : memref<80xi32, #tpu.memory_space<vmem>>)
      %dma_start3A_309 = arith.constant 0 : i32
      %dma_start3A_310 = arith.constant 0 : i32
      %dma_start3A_311 = tpu.memref_slice %arg5[%dma_start3A_309, %dma_start3A_310] : memref<10000x128xf32, #tpu.memory_space<hbm>> -> memref<10000x128xf32, #tpu.memory_space<hbm>>
      tpu.enqueue_indirect_dma source(%dma_start3A_311 : memref<10000x128xf32, #tpu.memory_space<hbm>>) target(%arg22 : memref<80x128xf32, #tpu.memory_space<vmem>>) offsets(%arg14 : memref<80xi32, #tpu.memory_space<vmem>>) semaphore(%arg35 : memref<!tpu.dma_semaphore, #tpu.memory_space<semaphore_mem>>)
      %mul3A_312 = arith.constant 80 : i32
      %mul3A_313 = arith.muli %add3A_289, %mul3A_312 : i32
      %add3A_314 = arith.addi %mul3A_2, %mul3A_313 : i32
      %dma_wait3A_315 = tpu.memref_slice %arg3[%add3A_314] : memref<320000xi32, #tpu.memory_space<hbm>> -> memref<80xi32, #tpu.memory_space<hbm>>
      %dma_wait3A_316 = tpu.memref_slice %arg3[%add3A_314] : memref<320000xi32, #tpu.memory_space<hbm>> -> memref<80xi32, #tpu.memory_space<hbm>>
      tpu.wait_dma2 semaphore(%arg34 : memref<!tpu.dma_semaphore, #tpu.memory_space<semaphore_mem>>) src(%dma_wait3A_316 : memref<80xi32, #tpu.memory_space<hbm>>) dst(%arg21 : memref<80xi32, #tpu.memory_space<vmem>>)
      %dma_wait3A_317 = arith.constant 0 : i32
      %dma_wait3A_318 = arith.constant 0 : i32
      %dma_wait3A_319 = tpu.memref_slice %arg5[%dma_wait3A_317, %dma_wait3A_318] : memref<10000x128xf32, #tpu.memory_space<hbm>> -> memref<10000x128xf32, #tpu.memory_space<hbm>>
      tpu.wait_indirect_dma semaphore(%arg38 : memref<!tpu.dma_semaphore, #tpu.memory_space<semaphore_mem>>) src(%dma_wait3A_319 : memref<10000x128xf32, #tpu.memory_space<hbm>>) dst(%arg25 : memref<80x128xf32, #tpu.memory_space<vmem>>)
      %dma_start3A_320 = arith.constant 0 : i32
      %dma_start3A_321 = arith.constant 0 : i32
      %dma_start3A_322 = tpu.memref_slice %arg26[%dma_start3A_320, %dma_start3A_321] : memref<10000x128xf32, #tpu.memory_space<vmem_shared>> -> memref<10000x128xf32, #tpu.memory_space<vmem_shared>>
      tpu.enqueue_indirect_dma source(%arg25 : memref<80x128xf32, #tpu.memory_space<vmem>>) target(%dma_start3A_322 : memref<10000x128xf32, #tpu.memory_space<vmem_shared>>) offsets(%arg21 : memref<80xi32, #tpu.memory_space<vmem>>) semaphore(%arg42 : memref<!tpu.dma_semaphore, #tpu.memory_space<semaphore_mem>>) {add = true}
    }
    %scan3A_136 = arith.constant 31 : i32
    %add3A_137 = arith.constant 9920 : i32
    %add3A_138 = arith.addi %mul3A_2, %add3A_137 : i32
    %dma_wait3A_139 = tpu.memref_slice %arg3[%add3A_138] : memref<320000xi32, #tpu.memory_space<hbm>> -> memref<80xi32, #tpu.memory_space<hbm>>
    %dma_wait3A_140 = tpu.memref_slice %arg3[%add3A_138] : memref<320000xi32, #tpu.memory_space<hbm>> -> memref<80xi32, #tpu.memory_space<hbm>>
    tpu.wait_dma2 semaphore(%arg31 : memref<!tpu.dma_semaphore, #tpu.memory_space<semaphore_mem>>) src(%dma_wait3A_140 : memref<80xi32, #tpu.memory_space<hbm>>) dst(%arg18 : memref<80xi32, #tpu.memory_space<vmem>>)
    %dma_wait3A_141 = arith.constant 0 : i32
    %dma_wait3A_142 = arith.constant 0 : i32
    %dma_wait3A_143 = tpu.memref_slice %arg5[%dma_wait3A_141, %dma_wait3A_142] : memref<10000x128xf32, #tpu.memory_space<hbm>> -> memref<10000x128xf32, #tpu.memory_space<hbm>>
    tpu.wait_indirect_dma semaphore(%arg35 : memref<!tpu.dma_semaphore, #tpu.memory_space<semaphore_mem>>) src(%dma_wait3A_143 : memref<10000x128xf32, #tpu.memory_space<hbm>>) dst(%arg22 : memref<80x128xf32, #tpu.memory_space<vmem>>)
    %dma_start3A_144 = arith.constant 0 : i32
    %dma_start3A_145 = arith.constant 0 : i32
    %dma_start3A_146 = tpu.memref_slice %arg26[%dma_start3A_144, %dma_start3A_145] : memref<10000x128xf32, #tpu.memory_space<vmem_shared>> -> memref<10000x128xf32, #tpu.memory_space<vmem_shared>>
    tpu.enqueue_indirect_dma source(%arg22 : memref<80x128xf32, #tpu.memory_space<vmem>>) target(%dma_start3A_146 : memref<10000x128xf32, #tpu.memory_space<vmem_shared>>) offsets(%arg18 : memref<80xi32, #tpu.memory_space<vmem>>) semaphore(%arg39 : memref<!tpu.dma_semaphore, #tpu.memory_space<semaphore_mem>>) {add = true}
    %dma_wait3A_147 = arith.constant 0 : i32
    %dma_wait3A_148 = arith.constant 0 : i32
    %dma_wait3A_149 = tpu.memref_slice %arg26[%dma_wait3A_147, %dma_wait3A_148] : memref<10000x128xf32, #tpu.memory_space<vmem_shared>> -> memref<10000x128xf32, #tpu.memory_space<vmem_shared>>
    tpu.wait_indirect_dma semaphore(%arg39 : memref<!tpu.dma_semaphore, #tpu.memory_space<semaphore_mem>>) src(%arg22 : memref<80x128xf32, #tpu.memory_space<vmem>>) dst(%dma_wait3A_149 : memref<10000x128xf32, #tpu.memory_space<vmem_shared>>)
    %dma_wait3A_150 = arith.constant 0 : i32
    %dma_wait3A_151 = arith.constant 0 : i32
    %dma_wait3A_152 = tpu.memref_slice %arg26[%dma_wait3A_150, %dma_wait3A_151] : memref<10000x128xf32, #tpu.memory_space<vmem_shared>> -> memref<10000x128xf32, #tpu.memory_space<vmem_shared>>
    tpu.wait_indirect_dma semaphore(%arg42 : memref<!tpu.dma_semaphore, #tpu.memory_space<semaphore_mem>>) src(%arg25 : memref<80x128xf32, #tpu.memory_space<vmem>>) dst(%dma_wait3A_152 : memref<10000x128xf32, #tpu.memory_space<vmem_shared>>)
    %dma_wait3A_153 = arith.constant 0 : i32
    %dma_wait3A_154 = arith.constant 0 : i32
    %dma_wait3A_155 = tpu.memref_slice %arg26[%dma_wait3A_153, %dma_wait3A_154] : memref<10000x128xf32, #tpu.memory_space<vmem_shared>> -> memref<10000x128xf32, #tpu.memory_space<vmem_shared>>
    tpu.wait_indirect_dma semaphore(%arg41 : memref<!tpu.dma_semaphore, #tpu.memory_space<semaphore_mem>>) src(%arg24 : memref<80x128xf32, #tpu.memory_space<vmem>>) dst(%dma_wait3A_155 : memref<10000x128xf32, #tpu.memory_space<vmem_shared>>)
    %barrier3A_156 = arith.constant 0 : index
    tpu.barrier barrier_id(%barrier3A_156)
    %lt3A_157 = arith.constant 15 : i32
    %lt3A_158 = arith.cmpi slt, %arg1, %lt3A_157 : i32
    %convert_element_type3A_159 = arith.extui %lt3A_158 : i1 to i32
    %cond3A_160 = arith.constant 0 : i32
    %cond3A_161 = arith.cmpi ne, %convert_element_type3A_159, %cond3A_160 : i32
    scf.if %cond3A_161 {
      %mul3A_167 = arith.constant 632 : i32
      %mul3A_168 = arith.muli %arg1, %mul3A_167 : i32
      %eq3A_169 = arith.constant 0 : i32
      %eq3A_170 = arith.cmpi eq, %arg0, %eq3A_169 : i32
      %convert_element_type3A_171 = arith.extui %eq3A_170 : i1 to i32
      %cond3A_172 = arith.constant 0 : i32
      %cond3A_173 = arith.cmpi ne, %convert_element_type3A_171, %cond3A_172 : i32
      scf.if %cond3A_173 {
        "tpu.region"() ({
          %run_scoped3A = tpu.sem_alloc : memref<!tpu.dma_semaphore, #tpu.memory_space<semaphore_mem>>
          %dma_start3A_179 = arith.constant 0 : i32
          %dma_start3A_180 = tpu.memref_slice %arg12[%mul3A_168, %dma_start3A_179] : memref<10000x128xf32, #tpu.memory_space<hbm>> -> memref<632x128xf32, #tpu.memory_space<hbm>>
          %dma_start3A_181 = arith.constant 0 : i32
          %dma_start3A_182 = tpu.memref_slice %arg26[%mul3A_168, %dma_start3A_181] : memref<10000x128xf32, #tpu.memory_space<vmem_shared>> -> memref<632x128xf32, #tpu.memory_space<vmem_shared>>
          tpu.enqueue_dma source(%dma_start3A_182 : memref<632x128xf32, #tpu.memory_space<vmem_shared>>) target(%dma_start3A_180 : memref<632x128xf32, #tpu.memory_space<hbm>>) target_semaphore(%run_scoped3A : memref<!tpu.dma_semaphore, #tpu.memory_space<semaphore_mem>>)
          %dma_wait3A_183 = arith.constant 0 : i32
          %dma_wait3A_184 = tpu.memref_slice %arg12[%mul3A_168, %dma_wait3A_183] : memref<10000x128xf32, #tpu.memory_space<hbm>> -> memref<632x128xf32, #tpu.memory_space<hbm>>
          %dma_wait3A_185 = arith.constant 0 : i32
          %dma_wait3A_186 = tpu.memref_slice %arg26[%mul3A_168, %dma_wait3A_185] : memref<10000x128xf32, #tpu.memory_space<vmem_shared>> -> memref<632x128xf32, #tpu.memory_space<vmem_shared>>
          tpu.wait_dma2 semaphore(%run_scoped3A : memref<!tpu.dma_semaphore, #tpu.memory_space<semaphore_mem>>) src(%dma_wait3A_186 : memref<632x128xf32, #tpu.memory_space<vmem_shared>>) dst(%dma_wait3A_184 : memref<632x128xf32, #tpu.memory_space<hbm>>)
          tpu.yield
        }) : () -> ()
      } else {
      }
      %eq3A_174 = arith.constant 1 : i32
      %eq3A_175 = arith.cmpi eq, %arg0, %eq3A_174 : i32
      %convert_element_type3A_176 = arith.extui %eq3A_175 : i1 to i32
      %cond3A_177 = arith.constant 0 : i32
      %cond3A_178 = arith.cmpi ne, %convert_element_type3A_176, %cond3A_177 : i32
      scf.if %cond3A_178 {
        "tpu.region"() ({
          %run_scoped3A = tpu.sem_alloc : memref<!tpu.dma_semaphore, #tpu.memory_space<semaphore_mem>>
          %dma_start3A_179 = arith.constant 0 : i32
          %dma_start3A_180 = tpu.memref_slice %arg13[%mul3A_168, %dma_start3A_179] : memref<10000x128xf32, #tpu.memory_space<hbm>> -> memref<632x128xf32, #tpu.memory_space<hbm>>
          %dma_start3A_181 = arith.constant 0 : i32
          %dma_start3A_182 = tpu.memref_slice %arg26[%mul3A_168, %dma_start3A_181] : memref<10000x128xf32, #tpu.memory_space<vmem_shared>> -> memref<632x128xf32, #tpu.memory_space<vmem_shared>>
          tpu.enqueue_dma source(%dma_start3A_182 : memref<632x128xf32, #tpu.memory_space<vmem_shared>>) target(%dma_start3A_180 : memref<632x128xf32, #tpu.memory_space<hbm>>) target_semaphore(%run_scoped3A : memref<!tpu.dma_semaphore, #tpu.memory_space<semaphore_mem>>)
          %dma_wait3A_183 = arith.constant 0 : i32
          %dma_wait3A_184 = tpu.memref_slice %arg13[%mul3A_168, %dma_wait3A_183] : memref<10000x128xf32, #tpu.memory_space<hbm>> -> memref<632x128xf32, #tpu.memory_space<hbm>>
          %dma_wait3A_185 = arith.constant 0 : i32
          %dma_wait3A_186 = tpu.memref_slice %arg26[%mul3A_168, %dma_wait3A_185] : memref<10000x128xf32, #tpu.memory_space<vmem_shared>> -> memref<632x128xf32, #tpu.memory_space<vmem_shared>>
          tpu.wait_dma2 semaphore(%run_scoped3A : memref<!tpu.dma_semaphore, #tpu.memory_space<semaphore_mem>>) src(%dma_wait3A_186 : memref<632x128xf32, #tpu.memory_space<vmem_shared>>) dst(%dma_wait3A_184 : memref<632x128xf32, #tpu.memory_space<hbm>>)
          tpu.yield
        }) : () -> ()
      } else {
      }
    } else {
    }
    %eq3A_162 = arith.constant 15 : i32
    %eq3A_163 = arith.cmpi eq, %arg1, %eq3A_162 : i32
    %convert_element_type3A_164 = arith.extui %eq3A_163 : i1 to i32
    %cond3A_165 = arith.constant 0 : i32
    %cond3A_166 = arith.cmpi ne, %convert_element_type3A_164, %cond3A_165 : i32
    scf.if %cond3A_166 {
      %eq3A_167 = arith.constant 0 : i32
      %eq3A_168 = arith.cmpi eq, %arg0, %eq3A_167 : i32
      %convert_element_type3A_169 = arith.extui %eq3A_168 : i1 to i32
      %cond3A_170 = arith.constant 0 : i32
      %cond3A_171 = arith.cmpi ne, %convert_element_type3A_169, %cond3A_170 : i32
      scf.if %cond3A_171 {
        "tpu.region"() ({
          %run_scoped3A = tpu.sem_alloc : memref<!tpu.dma_semaphore, #tpu.memory_space<semaphore_mem>>
          %dma_start3A_177 = arith.constant 9480 : i32
          %dma_start3A_178 = arith.constant 0 : i32
          %dma_start3A_179 = tpu.memref_slice %arg12[%dma_start3A_177, %dma_start3A_178] : memref<10000x128xf32, #tpu.memory_space<hbm>> -> memref<520x128xf32, #tpu.memory_space<hbm>>
          %dma_start3A_180 = arith.constant 9480 : i32
          %dma_start3A_181 = arith.constant 0 : i32
          %dma_start3A_182 = tpu.memref_slice %arg26[%dma_start3A_180, %dma_start3A_181] : memref<10000x128xf32, #tpu.memory_space<vmem_shared>> -> memref<520x128xf32, #tpu.memory_space<vmem_shared>>
          tpu.enqueue_dma source(%dma_start3A_182 : memref<520x128xf32, #tpu.memory_space<vmem_shared>>) target(%dma_start3A_179 : memref<520x128xf32, #tpu.memory_space<hbm>>) target_semaphore(%run_scoped3A : memref<!tpu.dma_semaphore, #tpu.memory_space<semaphore_mem>>)
          %dma_wait3A_183 = arith.constant 9480 : i32
          %dma_wait3A_184 = arith.constant 0 : i32
          %dma_wait3A_185 = tpu.memref_slice %arg12[%dma_wait3A_183, %dma_wait3A_184] : memref<10000x128xf32, #tpu.memory_space<hbm>> -> memref<520x128xf32, #tpu.memory_space<hbm>>
          %dma_wait3A_186 = arith.constant 9480 : i32
          %dma_wait3A_187 = arith.constant 0 : i32
          %dma_wait3A_188 = tpu.memref_slice %arg26[%dma_wait3A_186, %dma_wait3A_187] : memref<10000x128xf32, #tpu.memory_space<vmem_shared>> -> memref<520x128xf32, #tpu.memory_space<vmem_shared>>
          tpu.wait_dma2 semaphore(%run_scoped3A : memref<!tpu.dma_semaphore, #tpu.memory_space<semaphore_mem>>) src(%dma_wait3A_188 : memref<520x128xf32, #tpu.memory_space<vmem_shared>>) dst(%dma_wait3A_185 : memref<520x128xf32, #tpu.memory_space<hbm>>)
          tpu.yield
        }) : () -> ()
      } else {
      }
      %eq3A_172 = arith.constant 1 : i32
      %eq3A_173 = arith.cmpi eq, %arg0, %eq3A_172 : i32
      %convert_element_type3A_174 = arith.extui %eq3A_173 : i1 to i32
      %cond3A_175 = arith.constant 0 : i32
      %cond3A_176 = arith.cmpi ne, %convert_element_type3A_174, %cond3A_175 : i32
      scf.if %cond3A_176 {
        "tpu.region"() ({
          %run_scoped3A = tpu.sem_alloc : memref<!tpu.dma_semaphore, #tpu.memory_space<semaphore_mem>>
          %dma_start3A_177 = arith.constant 9480 : i32
          %dma_start3A_178 = arith.constant 0 : i32
          %dma_start3A_179 = tpu.memref_slice %arg13[%dma_start3A_177, %dma_start3A_178] : memref<10000x128xf32, #tpu.memory_space<hbm>> -> memref<520x128xf32, #tpu.memory_space<hbm>>
          %dma_start3A_180 = arith.constant 9480 : i32
          %dma_start3A_181 = arith.constant 0 : i32
          %dma_start3A_182 = tpu.memref_slice %arg26[%dma_start3A_180, %dma_start3A_181] : memref<10000x128xf32, #tpu.memory_space<vmem_shared>> -> memref<520x128xf32, #tpu.memory_space<vmem_shared>>
          tpu.enqueue_dma source(%dma_start3A_182 : memref<520x128xf32, #tpu.memory_space<vmem_shared>>) target(%dma_start3A_179 : memref<520x128xf32, #tpu.memory_space<hbm>>) target_semaphore(%run_scoped3A : memref<!tpu.dma_semaphore, #tpu.memory_space<semaphore_mem>>)
          %dma_wait3A_183 = arith.constant 9480 : i32
          %dma_wait3A_184 = arith.constant 0 : i32
          %dma_wait3A_185 = tpu.memref_slice %arg13[%dma_wait3A_183, %dma_wait3A_184] : memref<10000x128xf32, #tpu.memory_space<hbm>> -> memref<520x128xf32, #tpu.memory_space<hbm>>
          %dma_wait3A_186 = arith.constant 9480 : i32
          %dma_wait3A_187 = arith.constant 0 : i32
          %dma_wait3A_188 = tpu.memref_slice %arg26[%dma_wait3A_186, %dma_wait3A_187] : memref<10000x128xf32, #tpu.memory_space<vmem_shared>> -> memref<520x128xf32, #tpu.memory_space<vmem_shared>>
          tpu.wait_dma2 semaphore(%run_scoped3A : memref<!tpu.dma_semaphore, #tpu.memory_space<semaphore_mem>>) src(%dma_wait3A_188 : memref<520x128xf32, #tpu.memory_space<vmem_shared>>) dst(%dma_wait3A_185 : memref<520x128xf32, #tpu.memory_space<hbm>>)
          tpu.yield
        }) : () -> ()
      } else {
      }
    } else {
    }
    return
  }
}

#map = affine_map<(d0, d1) -> (0)>
#map1 = affine_map<(d0, d1) -> (0, 0)>
module attributes {stable_mosaic.version = 14 : i64} {
  func.func @body(%arg0: i32, %arg1: i32, %arg2: memref<320000xi32, #tpu.memory_space<hbm>>, %arg3: memref<320000xi32, #tpu.memory_space<hbm>>, %arg4: memref<10000x128xf32, #tpu.memory_space<hbm>>, %arg5: memref<10000x128xf32, #tpu.memory_space<hbm>>, %arg6: memref<10000x128xf32, #tpu.memory_space<hbm>>, %arg7: memref<10000x128xf32, #tpu.memory_space<hbm>>, %arg8: memref<10000x128xf32, #tpu.memory_space<hbm>>, %arg9: memref<80xi32, #tpu.memory_space<vmem>>, %arg10: memref<80xi32, #tpu.memory_space<vmem>>, %arg11: memref<80xi32, #tpu.memory_space<vmem>>, %arg12: memref<80xi32, #tpu.memory_space<vmem>>, %arg13: memref<80xi32, #tpu.memory_space<vmem>>, %arg14: memref<80xi32, #tpu.memory_space<vmem>>, %arg15: memref<80xi32, #tpu.memory_space<vmem>>, %arg16: memref<80xi32, #tpu.memory_space<vmem>>, %arg17: memref<80x128xf32, #tpu.memory_space<vmem>>, %arg18: memref<80x128xf32, #tpu.memory_space<vmem>>, %arg19: memref<80x128xf32, #tpu.memory_space<vmem>>, %arg20: memref<80x128xf32, #tpu.memory_space<vmem>>, %arg21: memref<10000x128xf32, #tpu.memory_space<vmem_shared>>, %arg22: memref<!tpu.dma_semaphore, #tpu.memory_space<semaphore_mem>>, %arg23: memref<!tpu.dma_semaphore, #tpu.memory_space<semaphore_mem>>, %arg24: memref<!tpu.dma_semaphore, #tpu.memory_space<semaphore_mem>>, %arg25: memref<!tpu.dma_semaphore, #tpu.memory_space<semaphore_mem>>, %arg26: memref<!tpu.dma_semaphore, #tpu.memory_space<semaphore_mem>>, %arg27: memref<!tpu.dma_semaphore, #tpu.memory_space<semaphore_mem>>, %arg28: memref<!tpu.dma_semaphore, #tpu.memory_space<semaphore_mem>>, %arg29: memref<!tpu.dma_semaphore, #tpu.memory_space<semaphore_mem>>, %arg30: memref<!tpu.dma_semaphore, #tpu.memory_space<semaphore_mem>>, %arg31: memref<!tpu.dma_semaphore, #tpu.memory_space<semaphore_mem>>, %arg32: memref<!tpu.dma_semaphore, #tpu.memory_space<semaphore_mem>>, %arg33: memref<!tpu.dma_semaphore, #tpu.memory_space<semaphore_mem>>, %arg34: memref<!tpu.dma_semaphore, #tpu.memory_space<semaphore_mem>>, %arg35: memref<!tpu.dma_semaphore, #tpu.memory_space<semaphore_mem>>, %arg36: memref<!tpu.dma_semaphore, #tpu.memory_space<semaphore_mem>>, %arg37: memref<!tpu.dma_semaphore, #tpu.memory_space<semaphore_mem>>) attributes {dimension_semantics = [#tpu.dimension_semantics<core_parallel>, #tpu.dimension_semantics<subcore_parallel>], iteration_bounds = array<i64: 2, 16>, scalar_prefetch = 0 : i64, scratch_operands = 29 : i64, tpu.core_type = #tpu.core_type<sc_vector_subcore>, window_params = [{transform_indices = #map}, {transform_indices = #map}, {transform_indices = #map1}, {transform_indices = #map1}, {transform_indices = #map1}, {transform_indices = #map1}, {transform_indices = #map1}]} {
    %mul3A = arith.constant 16 : i32
    %mul3A_0 = arith.muli %arg0, %mul3A : i32
    %add3A = arith.addi %mul3A_0, %arg1 : i32
    %mul3A_1 = arith.constant 10000 : i32
    %mul3A_2 = arith.muli %add3A, %mul3A_1 : i32
    %lt3A = arith.constant 15 : i32
    %lt3A_3 = arith.cmpi slt, %arg1, %lt3A : i32
    %convert_element_type3A = arith.extui %lt3A_3 : i1 to i32
    %cond3A = arith.constant 0 : i32
    %cond3A_4 = arith.cmpi ne, %convert_element_type3A, %cond3A : i32
    scf.if %cond3A_4 {
      %mul3A_65 = arith.constant 632 : i32
      %mul3A_66 = arith.muli %arg1, %mul3A_65 : i32
      %eq3A_67 = arith.constant 0 : i32
      %eq3A_68 = arith.cmpi eq, %arg0, %eq3A_67 : i32
      %convert_element_type3A_69 = arith.extui %eq3A_68 : i1 to i32
      %cond3A_70 = arith.constant 0 : i32
      %cond3A_71 = arith.cmpi ne, %convert_element_type3A_69, %cond3A_70 : i32
      scf.if %cond3A_71 {
        "tpu.region"() ({
          %run_scoped3A = tpu.sem_alloc : memref<!tpu.dma_semaphore, #tpu.memory_space<semaphore_mem>>
          %dma_start3A_77 = arith.constant 0 : i32
          %dma_start3A_78 = tpu.memref_slice %arg21[%mul3A_66, %dma_start3A_77] : memref<10000x128xf32, #tpu.memory_space<vmem_shared>> -> memref<632x128xf32, #tpu.memory_space<vmem_shared>>
          %dma_start3A_79 = arith.constant 0 : i32
          %dma_start3A_80 = tpu.memref_slice %arg5[%mul3A_66, %dma_start3A_79] : memref<10000x128xf32, #tpu.memory_space<hbm>> -> memref<632x128xf32, #tpu.memory_space<hbm>>
          tpu.enqueue_dma source(%dma_start3A_80 : memref<632x128xf32, #tpu.memory_space<hbm>>) target(%dma_start3A_78 : memref<632x128xf32, #tpu.memory_space<vmem_shared>>) target_semaphore(%run_scoped3A : memref<!tpu.dma_semaphore, #tpu.memory_space<semaphore_mem>>)
          %dma_wait3A_81 = arith.constant 0 : i32
          %dma_wait3A_82 = tpu.memref_slice %arg21[%mul3A_66, %dma_wait3A_81] : memref<10000x128xf32, #tpu.memory_space<vmem_shared>> -> memref<632x128xf32, #tpu.memory_space<vmem_shared>>
          %dma_wait3A_83 = arith.constant 0 : i32
          %dma_wait3A_84 = tpu.memref_slice %arg5[%mul3A_66, %dma_wait3A_83] : memref<10000x128xf32, #tpu.memory_space<hbm>> -> memref<632x128xf32, #tpu.memory_space<hbm>>
          tpu.wait_dma2 semaphore(%run_scoped3A : memref<!tpu.dma_semaphore, #tpu.memory_space<semaphore_mem>>) src(%dma_wait3A_84 : memref<632x128xf32, #tpu.memory_space<hbm>>) dst(%dma_wait3A_82 : memref<632x128xf32, #tpu.memory_space<vmem_shared>>)
          tpu.yield
        }) : () -> ()
      } else {
      }
      %eq3A_72 = arith.constant 1 : i32
      %eq3A_73 = arith.cmpi eq, %arg0, %eq3A_72 : i32
      %convert_element_type3A_74 = arith.extui %eq3A_73 : i1 to i32
      %cond3A_75 = arith.constant 0 : i32
      %cond3A_76 = arith.cmpi ne, %convert_element_type3A_74, %cond3A_75 : i32
      scf.if %cond3A_76 {
        "tpu.region"() ({
          %run_scoped3A = tpu.sem_alloc : memref<!tpu.dma_semaphore, #tpu.memory_space<semaphore_mem>>
          %dma_start3A_77 = arith.constant 0 : i32
          %dma_start3A_78 = tpu.memref_slice %arg21[%mul3A_66, %dma_start3A_77] : memref<10000x128xf32, #tpu.memory_space<vmem_shared>> -> memref<632x128xf32, #tpu.memory_space<vmem_shared>>
          %dma_start3A_79 = arith.constant 0 : i32
          %dma_start3A_80 = tpu.memref_slice %arg6[%mul3A_66, %dma_start3A_79] : memref<10000x128xf32, #tpu.memory_space<hbm>> -> memref<632x128xf32, #tpu.memory_space<hbm>>
          tpu.enqueue_dma source(%dma_start3A_80 : memref<632x128xf32, #tpu.memory_space<hbm>>) target(%dma_start3A_78 : memref<632x128xf32, #tpu.memory_space<vmem_shared>>) target_semaphore(%run_scoped3A : memref<!tpu.dma_semaphore, #tpu.memory_space<semaphore_mem>>)
          %dma_wait3A_81 = arith.constant 0 : i32
          %dma_wait3A_82 = tpu.memref_slice %arg21[%mul3A_66, %dma_wait3A_81] : memref<10000x128xf32, #tpu.memory_space<vmem_shared>> -> memref<632x128xf32, #tpu.memory_space<vmem_shared>>
          %dma_wait3A_83 = arith.constant 0 : i32
          %dma_wait3A_84 = tpu.memref_slice %arg6[%mul3A_66, %dma_wait3A_83] : memref<10000x128xf32, #tpu.memory_space<hbm>> -> memref<632x128xf32, #tpu.memory_space<hbm>>
          tpu.wait_dma2 semaphore(%run_scoped3A : memref<!tpu.dma_semaphore, #tpu.memory_space<semaphore_mem>>) src(%dma_wait3A_84 : memref<632x128xf32, #tpu.memory_space<hbm>>) dst(%dma_wait3A_82 : memref<632x128xf32, #tpu.memory_space<vmem_shared>>)
          tpu.yield
        }) : () -> ()
      } else {
      }
    } else {
    }
    %eq3A = arith.constant 15 : i32
    %eq3A_5 = arith.cmpi eq, %arg1, %eq3A : i32
    %convert_element_type3A_6 = arith.extui %eq3A_5 : i1 to i32
    %cond3A_7 = arith.constant 0 : i32
    %cond3A_8 = arith.cmpi ne, %convert_element_type3A_6, %cond3A_7 : i32
    scf.if %cond3A_8 {
      %eq3A_65 = arith.constant 0 : i32
      %eq3A_66 = arith.cmpi eq, %arg0, %eq3A_65 : i32
      %convert_element_type3A_67 = arith.extui %eq3A_66 : i1 to i32
      %cond3A_68 = arith.constant 0 : i32
      %cond3A_69 = arith.cmpi ne, %convert_element_type3A_67, %cond3A_68 : i32
      scf.if %cond3A_69 {
        "tpu.region"() ({
          %run_scoped3A = tpu.sem_alloc : memref<!tpu.dma_semaphore, #tpu.memory_space<semaphore_mem>>
          %dma_start3A_75 = arith.constant 9480 : i32
          %dma_start3A_76 = arith.constant 0 : i32
          %dma_start3A_77 = tpu.memref_slice %arg21[%dma_start3A_75, %dma_start3A_76] : memref<10000x128xf32, #tpu.memory_space<vmem_shared>> -> memref<520x128xf32, #tpu.memory_space<vmem_shared>>
          %dma_start3A_78 = arith.constant 9480 : i32
          %dma_start3A_79 = arith.constant 0 : i32
          %dma_start3A_80 = tpu.memref_slice %arg5[%dma_start3A_78, %dma_start3A_79] : memref<10000x128xf32, #tpu.memory_space<hbm>> -> memref<520x128xf32, #tpu.memory_space<hbm>>
          tpu.enqueue_dma source(%dma_start3A_80 : memref<520x128xf32, #tpu.memory_space<hbm>>) target(%dma_start3A_77 : memref<520x128xf32, #tpu.memory_space<vmem_shared>>) target_semaphore(%run_scoped3A : memref<!tpu.dma_semaphore, #tpu.memory_space<semaphore_mem>>)
          %dma_wait3A_81 = arith.constant 9480 : i32
          %dma_wait3A_82 = arith.constant 0 : i32
          %dma_wait3A_83 = tpu.memref_slice %arg21[%dma_wait3A_81, %dma_wait3A_82] : memref<10000x128xf32, #tpu.memory_space<vmem_shared>> -> memref<520x128xf32, #tpu.memory_space<vmem_shared>>
          %dma_wait3A_84 = arith.constant 9480 : i32
          %dma_wait3A_85 = arith.constant 0 : i32
          %dma_wait3A_86 = tpu.memref_slice %arg5[%dma_wait3A_84, %dma_wait3A_85] : memref<10000x128xf32, #tpu.memory_space<hbm>> -> memref<520x128xf32, #tpu.memory_space<hbm>>
          tpu.wait_dma2 semaphore(%run_scoped3A : memref<!tpu.dma_semaphore, #tpu.memory_space<semaphore_mem>>) src(%dma_wait3A_86 : memref<520x128xf32, #tpu.memory_space<hbm>>) dst(%dma_wait3A_83 : memref<520x128xf32, #tpu.memory_space<vmem_shared>>)
          tpu.yield
        }) : () -> ()
      } else {
      }
      %eq3A_70 = arith.constant 1 : i32
      %eq3A_71 = arith.cmpi eq, %arg0, %eq3A_70 : i32
      %convert_element_type3A_72 = arith.extui %eq3A_71 : i1 to i32
      %cond3A_73 = arith.constant 0 : i32
      %cond3A_74 = arith.cmpi ne, %convert_element_type3A_72, %cond3A_73 : i32
      scf.if %cond3A_74 {
        "tpu.region"() ({
          %run_scoped3A = tpu.sem_alloc : memref<!tpu.dma_semaphore, #tpu.memory_space<semaphore_mem>>
          %dma_start3A_75 = arith.constant 9480 : i32
          %dma_start3A_76 = arith.constant 0 : i32
          %dma_start3A_77 = tpu.memref_slice %arg21[%dma_start3A_75, %dma_start3A_76] : memref<10000x128xf32, #tpu.memory_space<vmem_shared>> -> memref<520x128xf32, #tpu.memory_space<vmem_shared>>
          %dma_start3A_78 = arith.constant 9480 : i32
          %dma_start3A_79 = arith.constant 0 : i32
          %dma_start3A_80 = tpu.memref_slice %arg6[%dma_start3A_78, %dma_start3A_79] : memref<10000x128xf32, #tpu.memory_space<hbm>> -> memref<520x128xf32, #tpu.memory_space<hbm>>
          tpu.enqueue_dma source(%dma_start3A_80 : memref<520x128xf32, #tpu.memory_space<hbm>>) target(%dma_start3A_77 : memref<520x128xf32, #tpu.memory_space<vmem_shared>>) target_semaphore(%run_scoped3A : memref<!tpu.dma_semaphore, #tpu.memory_space<semaphore_mem>>)
          %dma_wait3A_81 = arith.constant 9480 : i32
          %dma_wait3A_82 = arith.constant 0 : i32
          %dma_wait3A_83 = tpu.memref_slice %arg21[%dma_wait3A_81, %dma_wait3A_82] : memref<10000x128xf32, #tpu.memory_space<vmem_shared>> -> memref<520x128xf32, #tpu.memory_space<vmem_shared>>
          %dma_wait3A_84 = arith.constant 9480 : i32
          %dma_wait3A_85 = arith.constant 0 : i32
          %dma_wait3A_86 = tpu.memref_slice %arg6[%dma_wait3A_84, %dma_wait3A_85] : memref<10000x128xf32, #tpu.memory_space<hbm>> -> memref<520x128xf32, #tpu.memory_space<hbm>>
          tpu.wait_dma2 semaphore(%run_scoped3A : memref<!tpu.dma_semaphore, #tpu.memory_space<semaphore_mem>>) src(%dma_wait3A_86 : memref<520x128xf32, #tpu.memory_space<hbm>>) dst(%dma_wait3A_83 : memref<520x128xf32, #tpu.memory_space<vmem_shared>>)
          tpu.yield
        }) : () -> ()
      } else {
      }
    } else {
    }
    %barrier3A = arith.constant 0 : index
    tpu.barrier barrier_id(%barrier3A)
    %add3A_9 = arith.constant 0 : i32
    %add3A_10 = arith.addi %mul3A_2, %add3A_9 : i32
    %dma_start3A = tpu.memref_slice %arg3[%add3A_10] : memref<320000xi32, #tpu.memory_space<hbm>> -> memref<80xi32, #tpu.memory_space<hbm>>
    %dma_start3A_11 = tpu.memref_slice %arg3[%add3A_10] : memref<320000xi32, #tpu.memory_space<hbm>> -> memref<80xi32, #tpu.memory_space<hbm>>
    tpu.enqueue_dma source(%dma_start3A_11 : memref<80xi32, #tpu.memory_space<hbm>>) target(%arg13 : memref<80xi32, #tpu.memory_space<vmem>>) target_semaphore(%arg26 : memref<!tpu.dma_semaphore, #tpu.memory_space<semaphore_mem>>)
    %add3A_12 = arith.constant 0 : i32
    %add3A_13 = arith.addi %mul3A_2, %add3A_12 : i32
    %dma_start3A_14 = tpu.memref_slice %arg2[%add3A_13] : memref<320000xi32, #tpu.memory_space<hbm>> -> memref<80xi32, #tpu.memory_space<hbm>>
    %dma_start3A_15 = tpu.memref_slice %arg2[%add3A_13] : memref<320000xi32, #tpu.memory_space<hbm>> -> memref<80xi32, #tpu.memory_space<hbm>>
    tpu.enqueue_dma source(%dma_start3A_15 : memref<80xi32, #tpu.memory_space<hbm>>) target(%arg9 : memref<80xi32, #tpu.memory_space<vmem>>) target_semaphore(%arg22 : memref<!tpu.dma_semaphore, #tpu.memory_space<semaphore_mem>>)
    %add3A_16 = arith.constant 80 : i32
    %add3A_17 = arith.addi %mul3A_2, %add3A_16 : i32
    %dma_start3A_18 = tpu.memref_slice %arg3[%add3A_17] : memref<320000xi32, #tpu.memory_space<hbm>> -> memref<80xi32, #tpu.memory_space<hbm>>
    %dma_start3A_19 = tpu.memref_slice %arg3[%add3A_17] : memref<320000xi32, #tpu.memory_space<hbm>> -> memref<80xi32, #tpu.memory_space<hbm>>
    tpu.enqueue_dma source(%dma_start3A_19 : memref<80xi32, #tpu.memory_space<hbm>>) target(%arg14 : memref<80xi32, #tpu.memory_space<vmem>>) target_semaphore(%arg27 : memref<!tpu.dma_semaphore, #tpu.memory_space<semaphore_mem>>)
    %add3A_20 = arith.constant 80 : i32
    %add3A_21 = arith.addi %mul3A_2, %add3A_20 : i32
    %dma_start3A_22 = tpu.memref_slice %arg2[%add3A_21] : memref<320000xi32, #tpu.memory_space<hbm>> -> memref<80xi32, #tpu.memory_space<hbm>>
    %dma_start3A_23 = tpu.memref_slice %arg2[%add3A_21] : memref<320000xi32, #tpu.memory_space<hbm>> -> memref<80xi32, #tpu.memory_space<hbm>>
    tpu.enqueue_dma source(%dma_start3A_23 : memref<80xi32, #tpu.memory_space<hbm>>) target(%arg10 : memref<80xi32, #tpu.memory_space<vmem>>) target_semaphore(%arg23 : memref<!tpu.dma_semaphore, #tpu.memory_space<semaphore_mem>>)
    %add3A_24 = arith.constant 0 : i32
    %add3A_25 = arith.addi %mul3A_2, %add3A_24 : i32
    %dma_wait3A = tpu.memref_slice %arg2[%add3A_25] : memref<320000xi32, #tpu.memory_space<hbm>> -> memref<80xi32, #tpu.memory_space<hbm>>
    %dma_wait3A_26 = tpu.memref_slice %arg2[%add3A_25] : memref<320000xi32, #tpu.memory_space<hbm>> -> memref<80xi32, #tpu.memory_space<hbm>>
    tpu.wait_dma2 semaphore(%arg22 : memref<!tpu.dma_semaphore, #tpu.memory_space<semaphore_mem>>) src(%dma_wait3A_26 : memref<80xi32, #tpu.memory_space<hbm>>) dst(%arg9 : memref<80xi32, #tpu.memory_space<vmem>>)
    %dma_start3A_27 = arith.constant 0 : i32
    %dma_start3A_28 = arith.constant 0 : i32
    %dma_start3A_29 = tpu.memref_slice %arg4[%dma_start3A_27, %dma_start3A_28] : memref<10000x128xf32, #tpu.memory_space<hbm>> -> memref<10000x128xf32, #tpu.memory_space<hbm>>
    tpu.enqueue_indirect_dma source(%dma_start3A_29 : memref<10000x128xf32, #tpu.memory_space<hbm>>) target(%arg17 : memref<80x128xf32, #tpu.memory_space<vmem>>) offsets(%arg9 : memref<80xi32, #tpu.memory_space<vmem>>) semaphore(%arg30 : memref<!tpu.dma_semaphore, #tpu.memory_space<semaphore_mem>>)
    %scan3A = arith.constant 0 : i32
    %scan3A_30 = arith.constant 0 : i32
    %scan3A_31 = arith.constant 31 : i32
    %scan3A_32 = arith.addi %scan3A_30, %scan3A_31 : i32
    %scan3A_33 = arith.constant 1 : i32
    scf.for %scan3A_65 = %scan3A_30 to %scan3A_32 step %scan3A_33  : i32 {
      %mul3A_66 = arith.constant 4 : i32
      %mul3A_67 = arith.muli %mul3A_66, %scan3A_65 : i32
      %add3A_68 = arith.constant 0 : i32
      %add3A_69 = arith.addi %mul3A_67, %add3A_68 : i32
      %add3A_70 = arith.constant 2 : i32
      %add3A_71 = arith.addi %add3A_69, %add3A_70 : i32
      %ge3A = arith.constant 4 : i32
      %ge3A_72 = arith.cmpi sge, %add3A_71, %ge3A : i32
      %convert_element_type3A_73 = arith.extui %ge3A_72 : i1 to i32
      %cond3A_74 = arith.constant 0 : i32
      %cond3A_75 = arith.cmpi ne, %convert_element_type3A_73, %cond3A_74 : i32
      scf.if %cond3A_75 {
        %sub3A_221 = arith.constant 4 : i32
        %sub3A_222 = arith.subi %add3A_71, %sub3A_221 : i32
        %dma_wait3A_223 = arith.constant 0 : i32
        %dma_wait3A_224 = arith.constant 0 : i32
        %dma_wait3A_225 = tpu.memref_slice %arg21[%dma_wait3A_223, %dma_wait3A_224] : memref<10000x128xf32, #tpu.memory_space<vmem_shared>> -> memref<10000x128xf32, #tpu.memory_space<vmem_shared>>
        tpu.wait_indirect_dma semaphore(%arg36 : memref<!tpu.dma_semaphore, #tpu.memory_space<semaphore_mem>>) src(%arg19 : memref<80x128xf32, #tpu.memory_space<vmem>>) dst(%dma_wait3A_225 : memref<10000x128xf32, #tpu.memory_space<vmem_shared>>)
      } else {
      }
      %mul3A_76 = arith.constant 80 : i32
      %mul3A_77 = arith.muli %add3A_71, %mul3A_76 : i32
      %add3A_78 = arith.addi %mul3A_2, %mul3A_77 : i32
      %dma_start3A_79 = tpu.memref_slice %arg3[%add3A_78] : memref<320000xi32, #tpu.memory_space<hbm>> -> memref<80xi32, #tpu.memory_space<hbm>>
      %dma_start3A_80 = tpu.memref_slice %arg3[%add3A_78] : memref<320000xi32, #tpu.memory_space<hbm>> -> memref<80xi32, #tpu.memory_space<hbm>>
      tpu.enqueue_dma source(%dma_start3A_80 : memref<80xi32, #tpu.memory_space<hbm>>) target(%arg15 : memref<80xi32, #tpu.memory_space<vmem>>) target_semaphore(%arg28 : memref<!tpu.dma_semaphore, #tpu.memory_space<semaphore_mem>>)
      %mul3A_81 = arith.constant 80 : i32
      %mul3A_82 = arith.muli %add3A_71, %mul3A_81 : i32
      %add3A_83 = arith.addi %mul3A_2, %mul3A_82 : i32
      %dma_start3A_84 = tpu.memref_slice %arg2[%add3A_83] : memref<320000xi32, #tpu.memory_space<hbm>> -> memref<80xi32, #tpu.memory_space<hbm>>
      %dma_start3A_85 = tpu.memref_slice %arg2[%add3A_83] : memref<320000xi32, #tpu.memory_space<hbm>> -> memref<80xi32, #tpu.memory_space<hbm>>
      tpu.enqueue_dma source(%dma_start3A_85 : memref<80xi32, #tpu.memory_space<hbm>>) target(%arg11 : memref<80xi32, #tpu.memory_space<vmem>>) target_semaphore(%arg24 : memref<!tpu.dma_semaphore, #tpu.memory_space<semaphore_mem>>)
      %add3A_86 = arith.constant 1 : i32
      %add3A_87 = arith.addi %add3A_69, %add3A_86 : i32
      %mul3A_88 = arith.constant 80 : i32
      %mul3A_89 = arith.muli %add3A_87, %mul3A_88 : i32
      %add3A_90 = arith.addi %mul3A_2, %mul3A_89 : i32
      %dma_wait3A_91 = tpu.memref_slice %arg2[%add3A_90] : memref<320000xi32, #tpu.memory_space<hbm>> -> memref<80xi32, #tpu.memory_space<hbm>>
      %dma_wait3A_92 = tpu.memref_slice %arg2[%add3A_90] : memref<320000xi32, #tpu.memory_space<hbm>> -> memref<80xi32, #tpu.memory_space<hbm>>
      tpu.wait_dma2 semaphore(%arg23 : memref<!tpu.dma_semaphore, #tpu.memory_space<semaphore_mem>>) src(%dma_wait3A_92 : memref<80xi32, #tpu.memory_space<hbm>>) dst(%arg10 : memref<80xi32, #tpu.memory_space<vmem>>)
      %dma_start3A_93 = arith.constant 0 : i32
      %dma_start3A_94 = arith.constant 0 : i32
      %dma_start3A_95 = tpu.memref_slice %arg4[%dma_start3A_93, %dma_start3A_94] : memref<10000x128xf32, #tpu.memory_space<hbm>> -> memref<10000x128xf32, #tpu.memory_space<hbm>>
      tpu.enqueue_indirect_dma source(%dma_start3A_95 : memref<10000x128xf32, #tpu.memory_space<hbm>>) target(%arg18 : memref<80x128xf32, #tpu.memory_space<vmem>>) offsets(%arg10 : memref<80xi32, #tpu.memory_space<vmem>>) semaphore(%arg31 : memref<!tpu.dma_semaphore, #tpu.memory_space<semaphore_mem>>)
      %mul3A_96 = arith.constant 80 : i32
      %mul3A_97 = arith.muli %add3A_69, %mul3A_96 : i32
      %add3A_98 = arith.addi %mul3A_2, %mul3A_97 : i32
      %dma_wait3A_99 = tpu.memref_slice %arg3[%add3A_98] : memref<320000xi32, #tpu.memory_space<hbm>> -> memref<80xi32, #tpu.memory_space<hbm>>
      %dma_wait3A_100 = tpu.memref_slice %arg3[%add3A_98] : memref<320000xi32, #tpu.memory_space<hbm>> -> memref<80xi32, #tpu.memory_space<hbm>>
      tpu.wait_dma2 semaphore(%arg26 : memref<!tpu.dma_semaphore, #tpu.memory_space<semaphore_mem>>) src(%dma_wait3A_100 : memref<80xi32, #tpu.memory_space<hbm>>) dst(%arg13 : memref<80xi32, #tpu.memory_space<vmem>>)
      %dma_wait3A_101 = arith.constant 0 : i32
      %dma_wait3A_102 = arith.constant 0 : i32
      %dma_wait3A_103 = tpu.memref_slice %arg4[%dma_wait3A_101, %dma_wait3A_102] : memref<10000x128xf32, #tpu.memory_space<hbm>> -> memref<10000x128xf32, #tpu.memory_space<hbm>>
      tpu.wait_indirect_dma semaphore(%arg30 : memref<!tpu.dma_semaphore, #tpu.memory_space<semaphore_mem>>) src(%dma_wait3A_103 : memref<10000x128xf32, #tpu.memory_space<hbm>>) dst(%arg17 : memref<80x128xf32, #tpu.memory_space<vmem>>)
      %dma_start3A_104 = arith.constant 0 : i32
      %dma_start3A_105 = arith.constant 0 : i32
      %dma_start3A_106 = tpu.memref_slice %arg21[%dma_start3A_104, %dma_start3A_105] : memref<10000x128xf32, #tpu.memory_space<vmem_shared>> -> memref<10000x128xf32, #tpu.memory_space<vmem_shared>>
      tpu.enqueue_indirect_dma source(%arg17 : memref<80x128xf32, #tpu.memory_space<vmem>>) target(%dma_start3A_106 : memref<10000x128xf32, #tpu.memory_space<vmem_shared>>) offsets(%arg13 : memref<80xi32, #tpu.memory_space<vmem>>) semaphore(%arg34 : memref<!tpu.dma_semaphore, #tpu.memory_space<semaphore_mem>>) {add = true}
      %add3A_107 = arith.constant 1 : i32
      %add3A_108 = arith.addi %mul3A_67, %add3A_107 : i32
      %add3A_109 = arith.constant 2 : i32
      %add3A_110 = arith.addi %add3A_108, %add3A_109 : i32
      %ge3A_111 = arith.constant 4 : i32
      %ge3A_112 = arith.cmpi sge, %add3A_110, %ge3A_111 : i32
      %convert_element_type3A_113 = arith.extui %ge3A_112 : i1 to i32
      %cond3A_114 = arith.constant 0 : i32
      %cond3A_115 = arith.cmpi ne, %convert_element_type3A_113, %cond3A_114 : i32
      scf.if %cond3A_115 {
        %sub3A_221 = arith.constant 4 : i32
        %sub3A_222 = arith.subi %add3A_110, %sub3A_221 : i32
        %dma_wait3A_223 = arith.constant 0 : i32
        %dma_wait3A_224 = arith.constant 0 : i32
        %dma_wait3A_225 = tpu.memref_slice %arg21[%dma_wait3A_223, %dma_wait3A_224] : memref<10000x128xf32, #tpu.memory_space<vmem_shared>> -> memref<10000x128xf32, #tpu.memory_space<vmem_shared>>
        tpu.wait_indirect_dma semaphore(%arg37 : memref<!tpu.dma_semaphore, #tpu.memory_space<semaphore_mem>>) src(%arg20 : memref<80x128xf32, #tpu.memory_space<vmem>>) dst(%dma_wait3A_225 : memref<10000x128xf32, #tpu.memory_space<vmem_shared>>)
      } else {
      }
      %mul3A_116 = arith.constant 80 : i32
      %mul3A_117 = arith.muli %add3A_110, %mul3A_116 : i32
      %add3A_118 = arith.addi %mul3A_2, %mul3A_117 : i32
      %dma_start3A_119 = tpu.memref_slice %arg3[%add3A_118] : memref<320000xi32, #tpu.memory_space<hbm>> -> memref<80xi32, #tpu.memory_space<hbm>>
      %dma_start3A_120 = tpu.memref_slice %arg3[%add3A_118] : memref<320000xi32, #tpu.memory_space<hbm>> -> memref<80xi32, #tpu.memory_space<hbm>>
      tpu.enqueue_dma source(%dma_start3A_120 : memref<80xi32, #tpu.memory_space<hbm>>) target(%arg16 : memref<80xi32, #tpu.memory_space<vmem>>) target_semaphore(%arg29 : memref<!tpu.dma_semaphore, #tpu.memory_space<semaphore_mem>>)
      %mul3A_121 = arith.constant 80 : i32
      %mul3A_122 = arith.muli %add3A_110, %mul3A_121 : i32
      %add3A_123 = arith.addi %mul3A_2, %mul3A_122 : i32
      %dma_start3A_124 = tpu.memref_slice %arg2[%add3A_123] : memref<320000xi32, #tpu.memory_space<hbm>> -> memref<80xi32, #tpu.memory_space<hbm>>
      %dma_start3A_125 = tpu.memref_slice %arg2[%add3A_123] : memref<320000xi32, #tpu.memory_space<hbm>> -> memref<80xi32, #tpu.memory_space<hbm>>
      tpu.enqueue_dma source(%dma_start3A_125 : memref<80xi32, #tpu.memory_space<hbm>>) target(%arg12 : memref<80xi32, #tpu.memory_space<vmem>>) target_semaphore(%arg25 : memref<!tpu.dma_semaphore, #tpu.memory_space<semaphore_mem>>)
      %add3A_126 = arith.constant 1 : i32
      %add3A_127 = arith.addi %add3A_108, %add3A_126 : i32
      %mul3A_128 = arith.constant 80 : i32
      %mul3A_129 = arith.muli %add3A_127, %mul3A_128 : i32
      %add3A_130 = arith.addi %mul3A_2, %mul3A_129 : i32
      %dma_wait3A_131 = tpu.memref_slice %arg2[%add3A_130] : memref<320000xi32, #tpu.memory_space<hbm>> -> memref<80xi32, #tpu.memory_space<hbm>>
      %dma_wait3A_132 = tpu.memref_slice %arg2[%add3A_130] : memref<320000xi32, #tpu.memory_space<hbm>> -> memref<80xi32, #tpu.memory_space<hbm>>
      tpu.wait_dma2 semaphore(%arg24 : memref<!tpu.dma_semaphore, #tpu.memory_space<semaphore_mem>>) src(%dma_wait3A_132 : memref<80xi32, #tpu.memory_space<hbm>>) dst(%arg11 : memref<80xi32, #tpu.memory_space<vmem>>)
      %dma_start3A_133 = arith.constant 0 : i32
      %dma_start3A_134 = arith.constant 0 : i32
      %dma_start3A_135 = tpu.memref_slice %arg4[%dma_start3A_133, %dma_start3A_134] : memref<10000x128xf32, #tpu.memory_space<hbm>> -> memref<10000x128xf32, #tpu.memory_space<hbm>>
      tpu.enqueue_indirect_dma source(%dma_start3A_135 : memref<10000x128xf32, #tpu.memory_space<hbm>>) target(%arg19 : memref<80x128xf32, #tpu.memory_space<vmem>>) offsets(%arg11 : memref<80xi32, #tpu.memory_space<vmem>>) semaphore(%arg32 : memref<!tpu.dma_semaphore, #tpu.memory_space<semaphore_mem>>)
      %mul3A_136 = arith.constant 80 : i32
      %mul3A_137 = arith.muli %add3A_108, %mul3A_136 : i32
      %add3A_138 = arith.addi %mul3A_2, %mul3A_137 : i32
      %dma_wait3A_139 = tpu.memref_slice %arg3[%add3A_138] : memref<320000xi32, #tpu.memory_space<hbm>> -> memref<80xi32, #tpu.memory_space<hbm>>
      %dma_wait3A_140 = tpu.memref_slice %arg3[%add3A_138] : memref<320000xi32, #tpu.memory_space<hbm>> -> memref<80xi32, #tpu.memory_space<hbm>>
      tpu.wait_dma2 semaphore(%arg27 : memref<!tpu.dma_semaphore, #tpu.memory_space<semaphore_mem>>) src(%dma_wait3A_140 : memref<80xi32, #tpu.memory_space<hbm>>) dst(%arg14 : memref<80xi32, #tpu.memory_space<vmem>>)
      %dma_wait3A_141 = arith.constant 0 : i32
      %dma_wait3A_142 = arith.constant 0 : i32
      %dma_wait3A_143 = tpu.memref_slice %arg4[%dma_wait3A_141, %dma_wait3A_142] : memref<10000x128xf32, #tpu.memory_space<hbm>> -> memref<10000x128xf32, #tpu.memory_space<hbm>>
      tpu.wait_indirect_dma semaphore(%arg31 : memref<!tpu.dma_semaphore, #tpu.memory_space<semaphore_mem>>) src(%dma_wait3A_143 : memref<10000x128xf32, #tpu.memory_space<hbm>>) dst(%arg18 : memref<80x128xf32, #tpu.memory_space<vmem>>)
      %dma_start3A_144 = arith.constant 0 : i32
      %dma_start3A_145 = arith.constant 0 : i32
      %dma_start3A_146 = tpu.memref_slice %arg21[%dma_start3A_144, %dma_start3A_145] : memref<10000x128xf32, #tpu.memory_space<vmem_shared>> -> memref<10000x128xf32, #tpu.memory_space<vmem_shared>>
      tpu.enqueue_indirect_dma source(%arg18 : memref<80x128xf32, #tpu.memory_space<vmem>>) target(%dma_start3A_146 : memref<10000x128xf32, #tpu.memory_space<vmem_shared>>) offsets(%arg14 : memref<80xi32, #tpu.memory_space<vmem>>) semaphore(%arg35 : memref<!tpu.dma_semaphore, #tpu.memory_space<semaphore_mem>>) {add = true}
      %add3A_147 = arith.constant 2 : i32
      %add3A_148 = arith.addi %mul3A_67, %add3A_147 : i32
      %add3A_149 = arith.constant 2 : i32
      %add3A_150 = arith.addi %add3A_148, %add3A_149 : i32
      %sub3A = arith.constant 4 : i32
      %sub3A_151 = arith.subi %add3A_150, %sub3A : i32
      %dma_wait3A_152 = arith.constant 0 : i32
      %dma_wait3A_153 = arith.constant 0 : i32
      %dma_wait3A_154 = tpu.memref_slice %arg21[%dma_wait3A_152, %dma_wait3A_153] : memref<10000x128xf32, #tpu.memory_space<vmem_shared>> -> memref<10000x128xf32, #tpu.memory_space<vmem_shared>>
      tpu.wait_indirect_dma semaphore(%arg34 : memref<!tpu.dma_semaphore, #tpu.memory_space<semaphore_mem>>) src(%arg17 : memref<80x128xf32, #tpu.memory_space<vmem>>) dst(%dma_wait3A_154 : memref<10000x128xf32, #tpu.memory_space<vmem_shared>>)
      %mul3A_155 = arith.constant 80 : i32
      %mul3A_156 = arith.muli %add3A_150, %mul3A_155 : i32
      %add3A_157 = arith.addi %mul3A_2, %mul3A_156 : i32
      %dma_start3A_158 = tpu.memref_slice %arg3[%add3A_157] : memref<320000xi32, #tpu.memory_space<hbm>> -> memref<80xi32, #tpu.memory_space<hbm>>
      %dma_start3A_159 = tpu.memref_slice %arg3[%add3A_157] : memref<320000xi32, #tpu.memory_space<hbm>> -> memref<80xi32, #tpu.memory_space<hbm>>
      tpu.enqueue_dma source(%dma_start3A_159 : memref<80xi32, #tpu.memory_space<hbm>>) target(%arg13 : memref<80xi32, #tpu.memory_space<vmem>>) target_semaphore(%arg26 : memref<!tpu.dma_semaphore, #tpu.memory_space<semaphore_mem>>)
      %mul3A_160 = arith.constant 80 : i32
      %mul3A_161 = arith.muli %add3A_150, %mul3A_160 : i32
      %add3A_162 = arith.addi %mul3A_2, %mul3A_161 : i32
      %dma_start3A_163 = tpu.memref_slice %arg2[%add3A_162] : memref<320000xi32, #tpu.memory_space<hbm>> -> memref<80xi32, #tpu.memory_space<hbm>>
      %dma_start3A_164 = tpu.memref_slice %arg2[%add3A_162] : memref<320000xi32, #tpu.memory_space<hbm>> -> memref<80xi32, #tpu.memory_space<hbm>>
      tpu.enqueue_dma source(%dma_start3A_164 : memref<80xi32, #tpu.memory_space<hbm>>) target(%arg9 : memref<80xi32, #tpu.memory_space<vmem>>) target_semaphore(%arg22 : memref<!tpu.dma_semaphore, #tpu.memory_space<semaphore_mem>>)
      %add3A_165 = arith.constant 1 : i32
      %add3A_166 = arith.addi %add3A_148, %add3A_165 : i32
      %mul3A_167 = arith.constant 80 : i32
      %mul3A_168 = arith.muli %add3A_166, %mul3A_167 : i32
      %add3A_169 = arith.addi %mul3A_2, %mul3A_168 : i32
      %dma_wait3A_170 = tpu.memref_slice %arg2[%add3A_169] : memref<320000xi32, #tpu.memory_space<hbm>> -> memref<80xi32, #tpu.memory_space<hbm>>
      %dma_wait3A_171 = tpu.memref_slice %arg2[%add3A_169] : memref<320000xi32, #tpu.memory_space<hbm>> -> memref<80xi32, #tpu.memory_space<hbm>>
      tpu.wait_dma2 semaphore(%arg25 : memref<!tpu.dma_semaphore, #tpu.memory_space<semaphore_mem>>) src(%dma_wait3A_171 : memref<80xi32, #tpu.memory_space<hbm>>) dst(%arg12 : memref<80xi32, #tpu.memory_space<vmem>>)
      %dma_start3A_172 = arith.constant 0 : i32
      %dma_start3A_173 = arith.constant 0 : i32
      %dma_start3A_174 = tpu.memref_slice %arg4[%dma_start3A_172, %dma_start3A_173] : memref<10000x128xf32, #tpu.memory_space<hbm>> -> memref<10000x128xf32, #tpu.memory_space<hbm>>
      tpu.enqueue_indirect_dma source(%dma_start3A_174 : memref<10000x128xf32, #tpu.memory_space<hbm>>) target(%arg20 : memref<80x128xf32, #tpu.memory_space<vmem>>) offsets(%arg12 : memref<80xi32, #tpu.memory_space<vmem>>) semaphore(%arg33 : memref<!tpu.dma_semaphore, #tpu.memory_space<semaphore_mem>>)
      %mul3A_175 = arith.constant 80 : i32
      %mul3A_176 = arith.muli %add3A_148, %mul3A_175 : i32
      %add3A_177 = arith.addi %mul3A_2, %mul3A_176 : i32
      %dma_wait3A_178 = tpu.memref_slice %arg3[%add3A_177] : memref<320000xi32, #tpu.memory_space<hbm>> -> memref<80xi32, #tpu.memory_space<hbm>>
      %dma_wait3A_179 = tpu.memref_slice %arg3[%add3A_177] : memref<320000xi32, #tpu.memory_space<hbm>> -> memref<80xi32, #tpu.memory_space<hbm>>
      tpu.wait_dma2 semaphore(%arg28 : memref<!tpu.dma_semaphore, #tpu.memory_space<semaphore_mem>>) src(%dma_wait3A_179 : memref<80xi32, #tpu.memory_space<hbm>>) dst(%arg15 : memref<80xi32, #tpu.memory_space<vmem>>)
      %dma_wait3A_180 = arith.constant 0 : i32
      %dma_wait3A_181 = arith.constant 0 : i32
      %dma_wait3A_182 = tpu.memref_slice %arg4[%dma_wait3A_180, %dma_wait3A_181] : memref<10000x128xf32, #tpu.memory_space<hbm>> -> memref<10000x128xf32, #tpu.memory_space<hbm>>
      tpu.wait_indirect_dma semaphore(%arg32 : memref<!tpu.dma_semaphore, #tpu.memory_space<semaphore_mem>>) src(%dma_wait3A_182 : memref<10000x128xf32, #tpu.memory_space<hbm>>) dst(%arg19 : memref<80x128xf32, #tpu.memory_space<vmem>>)
      %dma_start3A_183 = arith.constant 0 : i32
      %dma_start3A_184 = arith.constant 0 : i32
      %dma_start3A_185 = tpu.memref_slice %arg21[%dma_start3A_183, %dma_start3A_184] : memref<10000x128xf32, #tpu.memory_space<vmem_shared>> -> memref<10000x128xf32, #tpu.memory_space<vmem_shared>>
      tpu.enqueue_indirect_dma source(%arg19 : memref<80x128xf32, #tpu.memory_space<vmem>>) target(%dma_start3A_185 : memref<10000x128xf32, #tpu.memory_space<vmem_shared>>) offsets(%arg15 : memref<80xi32, #tpu.memory_space<vmem>>) semaphore(%arg36 : memref<!tpu.dma_semaphore, #tpu.memory_space<semaphore_mem>>) {add = true}
      %add3A_186 = arith.constant 3 : i32
      %add3A_187 = arith.addi %mul3A_67, %add3A_186 : i32
      %add3A_188 = arith.constant 2 : i32
      %add3A_189 = arith.addi %add3A_187, %add3A_188 : i32
      %sub3A_190 = arith.constant 4 : i32
      %sub3A_191 = arith.subi %add3A_189, %sub3A_190 : i32
      %dma_wait3A_192 = arith.constant 0 : i32
      %dma_wait3A_193 = arith.constant 0 : i32
      %dma_wait3A_194 = tpu.memref_slice %arg21[%dma_wait3A_192, %dma_wait3A_193] : memref<10000x128xf32, #tpu.memory_space<vmem_shared>> -> memref<10000x128xf32, #tpu.memory_space<vmem_shared>>
      tpu.wait_indirect_dma semaphore(%arg35 : memref<!tpu.dma_semaphore, #tpu.memory_space<semaphore_mem>>) src(%arg18 : memref<80x128xf32, #tpu.memory_space<vmem>>) dst(%dma_wait3A_194 : memref<10000x128xf32, #tpu.memory_space<vmem_shared>>)
      %lt3A_195 = arith.constant 125 : i32
      %lt3A_196 = arith.cmpi slt, %add3A_189, %lt3A_195 : i32
      %convert_element_type3A_197 = arith.extui %lt3A_196 : i1 to i32
      %cond3A_198 = arith.constant 0 : i32
      %cond3A_199 = arith.cmpi ne, %convert_element_type3A_197, %cond3A_198 : i32
      scf.if %cond3A_199 {
        %mul3A_221 = arith.constant 80 : i32
        %mul3A_222 = arith.muli %add3A_189, %mul3A_221 : i32
        %add3A_223 = arith.addi %mul3A_2, %mul3A_222 : i32
        %dma_start3A_224 = tpu.memref_slice %arg3[%add3A_223] : memref<320000xi32, #tpu.memory_space<hbm>> -> memref<80xi32, #tpu.memory_space<hbm>>
        %dma_start3A_225 = tpu.memref_slice %arg3[%add3A_223] : memref<320000xi32, #tpu.memory_space<hbm>> -> memref<80xi32, #tpu.memory_space<hbm>>
        tpu.enqueue_dma source(%dma_start3A_225 : memref<80xi32, #tpu.memory_space<hbm>>) target(%arg14 : memref<80xi32, #tpu.memory_space<vmem>>) target_semaphore(%arg27 : memref<!tpu.dma_semaphore, #tpu.memory_space<semaphore_mem>>)
        %mul3A_226 = arith.constant 80 : i32
        %mul3A_227 = arith.muli %add3A_189, %mul3A_226 : i32
        %add3A_228 = arith.addi %mul3A_2, %mul3A_227 : i32
        %dma_start3A_229 = tpu.memref_slice %arg2[%add3A_228] : memref<320000xi32, #tpu.memory_space<hbm>> -> memref<80xi32, #tpu.memory_space<hbm>>
        %dma_start3A_230 = tpu.memref_slice %arg2[%add3A_228] : memref<320000xi32, #tpu.memory_space<hbm>> -> memref<80xi32, #tpu.memory_space<hbm>>
        tpu.enqueue_dma source(%dma_start3A_230 : memref<80xi32, #tpu.memory_space<hbm>>) target(%arg10 : memref<80xi32, #tpu.memory_space<vmem>>) target_semaphore(%arg23 : memref<!tpu.dma_semaphore, #tpu.memory_space<semaphore_mem>>)
      } else {
      }
      %add3A_200 = arith.constant 1 : i32
      %add3A_201 = arith.addi %add3A_187, %add3A_200 : i32
      %mul3A_202 = arith.constant 80 : i32
      %mul3A_203 = arith.muli %add3A_201, %mul3A_202 : i32
      %add3A_204 = arith.addi %mul3A_2, %mul3A_203 : i32
      %dma_wait3A_205 = tpu.memref_slice %arg2[%add3A_204] : memref<320000xi32, #tpu.memory_space<hbm>> -> memref<80xi32, #tpu.memory_space<hbm>>
      %dma_wait3A_206 = tpu.memref_slice %arg2[%add3A_204] : memref<320000xi32, #tpu.memory_space<hbm>> -> memref<80xi32, #tpu.memory_space<hbm>>
      tpu.wait_dma2 semaphore(%arg22 : memref<!tpu.dma_semaphore, #tpu.memory_space<semaphore_mem>>) src(%dma_wait3A_206 : memref<80xi32, #tpu.memory_space<hbm>>) dst(%arg9 : memref<80xi32, #tpu.memory_space<vmem>>)
      %dma_start3A_207 = arith.constant 0 : i32
      %dma_start3A_208 = arith.constant 0 : i32
      %dma_start3A_209 = tpu.memref_slice %arg4[%dma_start3A_207, %dma_start3A_208] : memref<10000x128xf32, #tpu.memory_space<hbm>> -> memref<10000x128xf32, #tpu.memory_space<hbm>>
      tpu.enqueue_indirect_dma source(%dma_start3A_209 : memref<10000x128xf32, #tpu.memory_space<hbm>>) target(%arg17 : memref<80x128xf32, #tpu.memory_space<vmem>>) offsets(%arg9 : memref<80xi32, #tpu.memory_space<vmem>>) semaphore(%arg30 : memref<!tpu.dma_semaphore, #tpu.memory_space<semaphore_mem>>)
      %mul3A_210 = arith.constant 80 : i32
      %mul3A_211 = arith.muli %add3A_187, %mul3A_210 : i32
      %add3A_212 = arith.addi %mul3A_2, %mul3A_211 : i32
      %dma_wait3A_213 = tpu.memref_slice %arg3[%add3A_212] : memref<320000xi32, #tpu.memory_space<hbm>> -> memref<80xi32, #tpu.memory_space<hbm>>
      %dma_wait3A_214 = tpu.memref_slice %arg3[%add3A_212] : memref<320000xi32, #tpu.memory_space<hbm>> -> memref<80xi32, #tpu.memory_space<hbm>>
      tpu.wait_dma2 semaphore(%arg29 : memref<!tpu.dma_semaphore, #tpu.memory_space<semaphore_mem>>) src(%dma_wait3A_214 : memref<80xi32, #tpu.memory_space<hbm>>) dst(%arg16 : memref<80xi32, #tpu.memory_space<vmem>>)
      %dma_wait3A_215 = arith.constant 0 : i32
      %dma_wait3A_216 = arith.constant 0 : i32
      %dma_wait3A_217 = tpu.memref_slice %arg4[%dma_wait3A_215, %dma_wait3A_216] : memref<10000x128xf32, #tpu.memory_space<hbm>> -> memref<10000x128xf32, #tpu.memory_space<hbm>>
      tpu.wait_indirect_dma semaphore(%arg33 : memref<!tpu.dma_semaphore, #tpu.memory_space<semaphore_mem>>) src(%dma_wait3A_217 : memref<10000x128xf32, #tpu.memory_space<hbm>>) dst(%arg20 : memref<80x128xf32, #tpu.memory_space<vmem>>)
      %dma_start3A_218 = arith.constant 0 : i32
      %dma_start3A_219 = arith.constant 0 : i32
      %dma_start3A_220 = tpu.memref_slice %arg21[%dma_start3A_218, %dma_start3A_219] : memref<10000x128xf32, #tpu.memory_space<vmem_shared>> -> memref<10000x128xf32, #tpu.memory_space<vmem_shared>>
      tpu.enqueue_indirect_dma source(%arg20 : memref<80x128xf32, #tpu.memory_space<vmem>>) target(%dma_start3A_220 : memref<10000x128xf32, #tpu.memory_space<vmem_shared>>) offsets(%arg16 : memref<80xi32, #tpu.memory_space<vmem>>) semaphore(%arg37 : memref<!tpu.dma_semaphore, #tpu.memory_space<semaphore_mem>>) {add = true}
    }
    %scan3A_34 = arith.constant 31 : i32
    %add3A_35 = arith.constant 9920 : i32
    %add3A_36 = arith.addi %mul3A_2, %add3A_35 : i32
    %dma_wait3A_37 = tpu.memref_slice %arg3[%add3A_36] : memref<320000xi32, #tpu.memory_space<hbm>> -> memref<80xi32, #tpu.memory_space<hbm>>
    %dma_wait3A_38 = tpu.memref_slice %arg3[%add3A_36] : memref<320000xi32, #tpu.memory_space<hbm>> -> memref<80xi32, #tpu.memory_space<hbm>>
    tpu.wait_dma2 semaphore(%arg26 : memref<!tpu.dma_semaphore, #tpu.memory_space<semaphore_mem>>) src(%dma_wait3A_38 : memref<80xi32, #tpu.memory_space<hbm>>) dst(%arg13 : memref<80xi32, #tpu.memory_space<vmem>>)
    %dma_wait3A_39 = arith.constant 0 : i32
    %dma_wait3A_40 = arith.constant 0 : i32
    %dma_wait3A_41 = tpu.memref_slice %arg4[%dma_wait3A_39, %dma_wait3A_40] : memref<10000x128xf32, #tpu.memory_space<hbm>> -> memref<10000x128xf32, #tpu.memory_space<hbm>>
    tpu.wait_indirect_dma semaphore(%arg30 : memref<!tpu.dma_semaphore, #tpu.memory_space<semaphore_mem>>) src(%dma_wait3A_41 : memref<10000x128xf32, #tpu.memory_space<hbm>>) dst(%arg17 : memref<80x128xf32, #tpu.memory_space<vmem>>)
    %dma_start3A_42 = arith.constant 0 : i32
    %dma_start3A_43 = arith.constant 0 : i32
    %dma_start3A_44 = tpu.memref_slice %arg21[%dma_start3A_42, %dma_start3A_43] : memref<10000x128xf32, #tpu.memory_space<vmem_shared>> -> memref<10000x128xf32, #tpu.memory_space<vmem_shared>>
    tpu.enqueue_indirect_dma source(%arg17 : memref<80x128xf32, #tpu.memory_space<vmem>>) target(%dma_start3A_44 : memref<10000x128xf32, #tpu.memory_space<vmem_shared>>) offsets(%arg13 : memref<80xi32, #tpu.memory_space<vmem>>) semaphore(%arg34 : memref<!tpu.dma_semaphore, #tpu.memory_space<semaphore_mem>>) {add = true}
    %dma_wait3A_45 = arith.constant 0 : i32
    %dma_wait3A_46 = arith.constant 0 : i32
    %dma_wait3A_47 = tpu.memref_slice %arg21[%dma_wait3A_45, %dma_wait3A_46] : memref<10000x128xf32, #tpu.memory_space<vmem_shared>> -> memref<10000x128xf32, #tpu.memory_space<vmem_shared>>
    tpu.wait_indirect_dma semaphore(%arg34 : memref<!tpu.dma_semaphore, #tpu.memory_space<semaphore_mem>>) src(%arg17 : memref<80x128xf32, #tpu.memory_space<vmem>>) dst(%dma_wait3A_47 : memref<10000x128xf32, #tpu.memory_space<vmem_shared>>)
    %dma_wait3A_48 = arith.constant 0 : i32
    %dma_wait3A_49 = arith.constant 0 : i32
    %dma_wait3A_50 = tpu.memref_slice %arg21[%dma_wait3A_48, %dma_wait3A_49] : memref<10000x128xf32, #tpu.memory_space<vmem_shared>> -> memref<10000x128xf32, #tpu.memory_space<vmem_shared>>
    tpu.wait_indirect_dma semaphore(%arg37 : memref<!tpu.dma_semaphore, #tpu.memory_space<semaphore_mem>>) src(%arg20 : memref<80x128xf32, #tpu.memory_space<vmem>>) dst(%dma_wait3A_50 : memref<10000x128xf32, #tpu.memory_space<vmem_shared>>)
    %dma_wait3A_51 = arith.constant 0 : i32
    %dma_wait3A_52 = arith.constant 0 : i32
    %dma_wait3A_53 = tpu.memref_slice %arg21[%dma_wait3A_51, %dma_wait3A_52] : memref<10000x128xf32, #tpu.memory_space<vmem_shared>> -> memref<10000x128xf32, #tpu.memory_space<vmem_shared>>
    tpu.wait_indirect_dma semaphore(%arg36 : memref<!tpu.dma_semaphore, #tpu.memory_space<semaphore_mem>>) src(%arg19 : memref<80x128xf32, #tpu.memory_space<vmem>>) dst(%dma_wait3A_53 : memref<10000x128xf32, #tpu.memory_space<vmem_shared>>)
    %barrier3A_54 = arith.constant 0 : index
    tpu.barrier barrier_id(%barrier3A_54)
    %lt3A_55 = arith.constant 15 : i32
    %lt3A_56 = arith.cmpi slt, %arg1, %lt3A_55 : i32
    %convert_element_type3A_57 = arith.extui %lt3A_56 : i1 to i32
    %cond3A_58 = arith.constant 0 : i32
    %cond3A_59 = arith.cmpi ne, %convert_element_type3A_57, %cond3A_58 : i32
    scf.if %cond3A_59 {
      %mul3A_65 = arith.constant 632 : i32
      %mul3A_66 = arith.muli %arg1, %mul3A_65 : i32
      %eq3A_67 = arith.constant 0 : i32
      %eq3A_68 = arith.cmpi eq, %arg0, %eq3A_67 : i32
      %convert_element_type3A_69 = arith.extui %eq3A_68 : i1 to i32
      %cond3A_70 = arith.constant 0 : i32
      %cond3A_71 = arith.cmpi ne, %convert_element_type3A_69, %cond3A_70 : i32
      scf.if %cond3A_71 {
        "tpu.region"() ({
          %run_scoped3A = tpu.sem_alloc : memref<!tpu.dma_semaphore, #tpu.memory_space<semaphore_mem>>
          %dma_start3A_77 = arith.constant 0 : i32
          %dma_start3A_78 = tpu.memref_slice %arg7[%mul3A_66, %dma_start3A_77] : memref<10000x128xf32, #tpu.memory_space<hbm>> -> memref<632x128xf32, #tpu.memory_space<hbm>>
          %dma_start3A_79 = arith.constant 0 : i32
          %dma_start3A_80 = tpu.memref_slice %arg21[%mul3A_66, %dma_start3A_79] : memref<10000x128xf32, #tpu.memory_space<vmem_shared>> -> memref<632x128xf32, #tpu.memory_space<vmem_shared>>
          tpu.enqueue_dma source(%dma_start3A_80 : memref<632x128xf32, #tpu.memory_space<vmem_shared>>) target(%dma_start3A_78 : memref<632x128xf32, #tpu.memory_space<hbm>>) target_semaphore(%run_scoped3A : memref<!tpu.dma_semaphore, #tpu.memory_space<semaphore_mem>>)
          %dma_wait3A_81 = arith.constant 0 : i32
          %dma_wait3A_82 = tpu.memref_slice %arg7[%mul3A_66, %dma_wait3A_81] : memref<10000x128xf32, #tpu.memory_space<hbm>> -> memref<632x128xf32, #tpu.memory_space<hbm>>
          %dma_wait3A_83 = arith.constant 0 : i32
          %dma_wait3A_84 = tpu.memref_slice %arg21[%mul3A_66, %dma_wait3A_83] : memref<10000x128xf32, #tpu.memory_space<vmem_shared>> -> memref<632x128xf32, #tpu.memory_space<vmem_shared>>
          tpu.wait_dma2 semaphore(%run_scoped3A : memref<!tpu.dma_semaphore, #tpu.memory_space<semaphore_mem>>) src(%dma_wait3A_84 : memref<632x128xf32, #tpu.memory_space<vmem_shared>>) dst(%dma_wait3A_82 : memref<632x128xf32, #tpu.memory_space<hbm>>)
          tpu.yield
        }) : () -> ()
      } else {
      }
      %eq3A_72 = arith.constant 1 : i32
      %eq3A_73 = arith.cmpi eq, %arg0, %eq3A_72 : i32
      %convert_element_type3A_74 = arith.extui %eq3A_73 : i1 to i32
      %cond3A_75 = arith.constant 0 : i32
      %cond3A_76 = arith.cmpi ne, %convert_element_type3A_74, %cond3A_75 : i32
      scf.if %cond3A_76 {
        "tpu.region"() ({
          %run_scoped3A = tpu.sem_alloc : memref<!tpu.dma_semaphore, #tpu.memory_space<semaphore_mem>>
          %dma_start3A_77 = arith.constant 0 : i32
          %dma_start3A_78 = tpu.memref_slice %arg8[%mul3A_66, %dma_start3A_77] : memref<10000x128xf32, #tpu.memory_space<hbm>> -> memref<632x128xf32, #tpu.memory_space<hbm>>
          %dma_start3A_79 = arith.constant 0 : i32
          %dma_start3A_80 = tpu.memref_slice %arg21[%mul3A_66, %dma_start3A_79] : memref<10000x128xf32, #tpu.memory_space<vmem_shared>> -> memref<632x128xf32, #tpu.memory_space<vmem_shared>>
          tpu.enqueue_dma source(%dma_start3A_80 : memref<632x128xf32, #tpu.memory_space<vmem_shared>>) target(%dma_start3A_78 : memref<632x128xf32, #tpu.memory_space<hbm>>) target_semaphore(%run_scoped3A : memref<!tpu.dma_semaphore, #tpu.memory_space<semaphore_mem>>)
          %dma_wait3A_81 = arith.constant 0 : i32
          %dma_wait3A_82 = tpu.memref_slice %arg8[%mul3A_66, %dma_wait3A_81] : memref<10000x128xf32, #tpu.memory_space<hbm>> -> memref<632x128xf32, #tpu.memory_space<hbm>>
          %dma_wait3A_83 = arith.constant 0 : i32
          %dma_wait3A_84 = tpu.memref_slice %arg21[%mul3A_66, %dma_wait3A_83] : memref<10000x128xf32, #tpu.memory_space<vmem_shared>> -> memref<632x128xf32, #tpu.memory_space<vmem_shared>>
          tpu.wait_dma2 semaphore(%run_scoped3A : memref<!tpu.dma_semaphore, #tpu.memory_space<semaphore_mem>>) src(%dma_wait3A_84 : memref<632x128xf32, #tpu.memory_space<vmem_shared>>) dst(%dma_wait3A_82 : memref<632x128xf32, #tpu.memory_space<hbm>>)
          tpu.yield
        }) : () -> ()
      } else {
      }
    } else {
    }
    %eq3A_60 = arith.constant 15 : i32
    %eq3A_61 = arith.cmpi eq, %arg1, %eq3A_60 : i32
    %convert_element_type3A_62 = arith.extui %eq3A_61 : i1 to i32
    %cond3A_63 = arith.constant 0 : i32
    %cond3A_64 = arith.cmpi ne, %convert_element_type3A_62, %cond3A_63 : i32
    scf.if %cond3A_64 {
      %eq3A_65 = arith.constant 0 : i32
      %eq3A_66 = arith.cmpi eq, %arg0, %eq3A_65 : i32
      %convert_element_type3A_67 = arith.extui %eq3A_66 : i1 to i32
      %cond3A_68 = arith.constant 0 : i32
      %cond3A_69 = arith.cmpi ne, %convert_element_type3A_67, %cond3A_68 : i32
      scf.if %cond3A_69 {
        "tpu.region"() ({
          %run_scoped3A = tpu.sem_alloc : memref<!tpu.dma_semaphore, #tpu.memory_space<semaphore_mem>>
          %dma_start3A_75 = arith.constant 9480 : i32
          %dma_start3A_76 = arith.constant 0 : i32
          %dma_start3A_77 = tpu.memref_slice %arg7[%dma_start3A_75, %dma_start3A_76] : memref<10000x128xf32, #tpu.memory_space<hbm>> -> memref<520x128xf32, #tpu.memory_space<hbm>>
          %dma_start3A_78 = arith.constant 9480 : i32
          %dma_start3A_79 = arith.constant 0 : i32
          %dma_start3A_80 = tpu.memref_slice %arg21[%dma_start3A_78, %dma_start3A_79] : memref<10000x128xf32, #tpu.memory_space<vmem_shared>> -> memref<520x128xf32, #tpu.memory_space<vmem_shared>>
          tpu.enqueue_dma source(%dma_start3A_80 : memref<520x128xf32, #tpu.memory_space<vmem_shared>>) target(%dma_start3A_77 : memref<520x128xf32, #tpu.memory_space<hbm>>) target_semaphore(%run_scoped3A : memref<!tpu.dma_semaphore, #tpu.memory_space<semaphore_mem>>)
          %dma_wait3A_81 = arith.constant 9480 : i32
          %dma_wait3A_82 = arith.constant 0 : i32
          %dma_wait3A_83 = tpu.memref_slice %arg7[%dma_wait3A_81, %dma_wait3A_82] : memref<10000x128xf32, #tpu.memory_space<hbm>> -> memref<520x128xf32, #tpu.memory_space<hbm>>
          %dma_wait3A_84 = arith.constant 9480 : i32
          %dma_wait3A_85 = arith.constant 0 : i32
          %dma_wait3A_86 = tpu.memref_slice %arg21[%dma_wait3A_84, %dma_wait3A_85] : memref<10000x128xf32, #tpu.memory_space<vmem_shared>> -> memref<520x128xf32, #tpu.memory_space<vmem_shared>>
          tpu.wait_dma2 semaphore(%run_scoped3A : memref<!tpu.dma_semaphore, #tpu.memory_space<semaphore_mem>>) src(%dma_wait3A_86 : memref<520x128xf32, #tpu.memory_space<vmem_shared>>) dst(%dma_wait3A_83 : memref<520x128xf32, #tpu.memory_space<hbm>>)
          tpu.yield
        }) : () -> ()
      } else {
      }
      %eq3A_70 = arith.constant 1 : i32
      %eq3A_71 = arith.cmpi eq, %arg0, %eq3A_70 : i32
      %convert_element_type3A_72 = arith.extui %eq3A_71 : i1 to i32
      %cond3A_73 = arith.constant 0 : i32
      %cond3A_74 = arith.cmpi ne, %convert_element_type3A_72, %cond3A_73 : i32
      scf.if %cond3A_74 {
        "tpu.region"() ({
          %run_scoped3A = tpu.sem_alloc : memref<!tpu.dma_semaphore, #tpu.memory_space<semaphore_mem>>
          %dma_start3A_75 = arith.constant 9480 : i32
          %dma_start3A_76 = arith.constant 0 : i32
          %dma_start3A_77 = tpu.memref_slice %arg8[%dma_start3A_75, %dma_start3A_76] : memref<10000x128xf32, #tpu.memory_space<hbm>> -> memref<520x128xf32, #tpu.memory_space<hbm>>
          %dma_start3A_78 = arith.constant 9480 : i32
          %dma_start3A_79 = arith.constant 0 : i32
          %dma_start3A_80 = tpu.memref_slice %arg21[%dma_start3A_78, %dma_start3A_79] : memref<10000x128xf32, #tpu.memory_space<vmem_shared>> -> memref<520x128xf32, #tpu.memory_space<vmem_shared>>
          tpu.enqueue_dma source(%dma_start3A_80 : memref<520x128xf32, #tpu.memory_space<vmem_shared>>) target(%dma_start3A_77 : memref<520x128xf32, #tpu.memory_space<hbm>>) target_semaphore(%run_scoped3A : memref<!tpu.dma_semaphore, #tpu.memory_space<semaphore_mem>>)
          %dma_wait3A_81 = arith.constant 9480 : i32
          %dma_wait3A_82 = arith.constant 0 : i32
          %dma_wait3A_83 = tpu.memref_slice %arg8[%dma_wait3A_81, %dma_wait3A_82] : memref<10000x128xf32, #tpu.memory_space<hbm>> -> memref<520x128xf32, #tpu.memory_space<hbm>>
          %dma_wait3A_84 = arith.constant 9480 : i32
          %dma_wait3A_85 = arith.constant 0 : i32
          %dma_wait3A_86 = tpu.memref_slice %arg21[%dma_wait3A_84, %dma_wait3A_85] : memref<10000x128xf32, #tpu.memory_space<vmem_shared>> -> memref<520x128xf32, #tpu.memory_space<vmem_shared>>
          tpu.wait_dma2 semaphore(%run_scoped3A : memref<!tpu.dma_semaphore, #tpu.memory_space<semaphore_mem>>) src(%dma_wait3A_86 : memref<520x128xf32, #tpu.memory_space<vmem_shared>>) dst(%dma_wait3A_83 : memref<520x128xf32, #tpu.memory_space<hbm>>)
          tpu.yield
        }) : () -> ()
      } else {
      }
    } else {
    }
    return
  }
}

module attributes {stable_mosaic.version = 14 : i64} {
  func.func @_mlp_body(%arg0: i32, %arg1: memref<1000x128xf32, #tpu.memory_space<vmem>>, %arg2: memref<1000x128xf32, #tpu.memory_space<vmem>>, %arg3: memref<1000x128xf32, #tpu.memory_space<vmem>>, %arg4: memref<1000x128xf32, #tpu.memory_space<vmem>>, %arg5: memref<1000x128xf32, #tpu.memory_space<vmem>>, %arg6: memref<1000x128xf32, #tpu.memory_space<vmem>>, %arg7: memref<1000x128xf32, #tpu.memory_space<vmem>>, %arg8: memref<384x128xf32, #tpu.memory_space<vmem>>, %arg9: memref<1x128xf32, #tpu.memory_space<vmem>>, %arg10: memref<1000x128xf32, #tpu.memory_space<vmem>>) attributes {dimension_semantics = [#tpu.dimension_semantics<arbitrary>], iteration_bounds = array<i64: 10>, scalar_prefetch = 0 : i64, scratch_operands = 0 : i64, tpu.core_type = #tpu.core_type<tc>, window_params = [{transform_indices = @transform_0, window_bounds = array<i64: 1000, 128>}, {transform_indices = @transform_1, window_bounds = array<i64: 1000, 128>}, {transform_indices = @transform_2, window_bounds = array<i64: 1000, 128>}, {transform_indices = @transform_3, window_bounds = array<i64: 1000, 128>}, {transform_indices = @transform_4, window_bounds = array<i64: 1000, 128>}, {transform_indices = @transform_5, window_bounds = array<i64: 1000, 128>}, {transform_indices = @transform_6, window_bounds = array<i64: 1000, 128>}, {pipeline_mode = #tpu.pipeline_mode<synchronous>, transform_indices = @transform_7, window_bounds = array<i64: 384, 128>}, {pipeline_mode = #tpu.pipeline_mode<synchronous>, transform_indices = @transform_8, window_bounds = array<i64: 1, 128>}, {transform_indices = @transform_9, window_bounds = array<i64: 1000, 128>}]} {
    %get3A = arith.constant 0 : index
    %get3A_0 = arith.constant 0 : index
    %get3A_1 = vector.load %arg6[%get3A, %get3A_0] : memref<1000x128xf32, #tpu.memory_space<vmem>>, vector<1000x128xf32>
    %get3A_2 = arith.constant 0 : index
    %get3A_3 = arith.constant 0 : index
    %get3A_4 = vector.load %arg7[%get3A_2, %get3A_3] : memref<1000x128xf32, #tpu.memory_space<vmem>>, vector<1000x128xf32>
    %add3A = arith.addf %get3A_1, %get3A_4 : vector<1000x128xf32>
    %get3A_5 = arith.constant 0 : index
    %get3A_6 = arith.constant 0 : index
    %get3A_7 = vector.load %arg4[%get3A_5, %get3A_6] : memref<1000x128xf32, #tpu.memory_space<vmem>>, vector<1000x128xf32>
    %get3A_8 = arith.constant 0 : index
    %get3A_9 = arith.constant 0 : index
    %get3A_10 = vector.load %arg5[%get3A_8, %get3A_9] : memref<1000x128xf32, #tpu.memory_space<vmem>>, vector<1000x128xf32>
    %add3A_11 = arith.addf %get3A_7, %get3A_10 : vector<1000x128xf32>
    %get3A_12 = arith.constant 0 : index
    %get3A_13 = arith.constant 0 : index
    %get3A_14 = vector.load %arg2[%get3A_12, %get3A_13] : memref<1000x128xf32, #tpu.memory_space<vmem>>, vector<1000x128xf32>
    %get3A_15 = arith.constant 0 : index
    %get3A_16 = arith.constant 0 : index
    %get3A_17 = vector.load %arg3[%get3A_15, %get3A_16] : memref<1000x128xf32, #tpu.memory_space<vmem>>, vector<1000x128xf32>
    %add3A_18 = arith.addf %get3A_14, %get3A_17 : vector<1000x128xf32>
    %slice3A = vector.extract_strided_slice %add3A {offsets = [0, 0], sizes = [1000, 1], strides = [1, 1]} : vector<1000x128xf32> to vector<1000x1xf32>
    %max3A = arith.constant 1.000000e+00 : f32
    %max3A_19 = vector.broadcast %max3A : f32 to vector<1000x1xf32>
    %max3A_20 = arith.maximumf %slice3A, %max3A_19 : vector<1000x1xf32>
    %div3A = arith.constant 1.000000e+00 : f32
    %div3A_21 = vector.broadcast %div3A : f32 to vector<1000x1xf32>
    %div3A_22 = arith.divf %div3A_21, %max3A_20 : vector<1000x1xf32>
    %sub3A = arith.subf %add3A_18, %add3A_11 : vector<1000x128xf32>
    %mul3A = vector.broadcast %div3A_22 : vector<1000x1xf32> to vector<1000x128xf32>
    %mul3A_23 = arith.mulf %sub3A, %mul3A : vector<1000x128xf32>
    %sub3A_24 = arith.subf %add3A_11, %add3A : vector<1000x128xf32>
    %mul3A_25 = vector.broadcast %div3A_22 : vector<1000x1xf32> to vector<1000x128xf32>
    %mul3A_26 = arith.mulf %sub3A_24, %mul3A_25 : vector<1000x128xf32>
    %get3A_27 = arith.constant 0 : index
    %get3A_28 = arith.constant 0 : index
    %get3A_29 = vector.load %arg8[%get3A_27, %get3A_28] : memref<384x128xf32, #tpu.memory_space<vmem>>, vector<384x128xf32>
    %get3A_30 = arith.constant 0 : index
    %get3A_31 = arith.constant 0 : index
    %get3A_32 = vector.load %arg1[%get3A_30, %get3A_31] : memref<1000x128xf32, #tpu.memory_space<vmem>>, vector<1000x128xf32>
    %slice3A_33 = vector.extract_strided_slice %get3A_29 {offsets = [0, 0], sizes = [128, 128], strides = [1, 1]} : vector<384x128xf32> to vector<128x128xf32>
    %dot_general3A = arith.constant dense<0.000000e+00> : vector<1000x128xf32>
    %dot_general3A_34 = tpu.matmul %get3A_32, %slice3A_33, %dot_general3A {dimension_numbers = #tpu.dot_dimension_numbers<[1], [0], [0], [1], [0, 0, 1, 1], [], []>, precision = #tpu.contract_precision<fp32>, transpose_lhs_hint = false} : vector<1000x128xf32>, vector<128x128xf32>, vector<1000x128xf32> -> vector<1000x128xf32>
    %slice3A_35 = vector.extract_strided_slice %get3A_29 {offsets = [128, 0], sizes = [128, 128], strides = [1, 1]} : vector<384x128xf32> to vector<128x128xf32>
    %dot_general3A_36 = arith.constant dense<0.000000e+00> : vector<1000x128xf32>
    %dot_general3A_37 = tpu.matmul %mul3A_23, %slice3A_35, %dot_general3A_36 {dimension_numbers = #tpu.dot_dimension_numbers<[1], [0], [0], [1], [0, 0, 1, 1], [], []>, precision = #tpu.contract_precision<fp32>, transpose_lhs_hint = false} : vector<1000x128xf32>, vector<128x128xf32>, vector<1000x128xf32> -> vector<1000x128xf32>
    %add3A_38 = arith.addf %dot_general3A_34, %dot_general3A_37 : vector<1000x128xf32>
    %slice3A_39 = vector.extract_strided_slice %get3A_29 {offsets = [256, 0], sizes = [128, 128], strides = [1, 1]} : vector<384x128xf32> to vector<128x128xf32>
    %dot_general3A_40 = arith.constant dense<0.000000e+00> : vector<1000x128xf32>
    %dot_general3A_41 = tpu.matmul %mul3A_26, %slice3A_39, %dot_general3A_40 {dimension_numbers = #tpu.dot_dimension_numbers<[1], [0], [0], [1], [0, 0, 1, 1], [], []>, precision = #tpu.contract_precision<fp32>, transpose_lhs_hint = false} : vector<1000x128xf32>, vector<128x128xf32>, vector<1000x128xf32> -> vector<1000x128xf32>
    %add3A_42 = arith.addf %add3A_38, %dot_general3A_41 : vector<1000x128xf32>
    %get3A_43 = arith.constant 0 : index
    %get3A_44 = arith.constant 0 : index
    %get3A_45 = vector.load %arg9[%get3A_43, %get3A_44] : memref<1x128xf32, #tpu.memory_space<vmem>>, vector<1x128xf32>
    %add3A_46 = vector.broadcast %get3A_45 : vector<1x128xf32> to vector<1000x128xf32>
    %add3A_47 = arith.addf %add3A_42, %add3A_46 : vector<1000x128xf32>
    %max3A_48 = arith.constant 0.000000e+00 : f32
    %max3A_49 = vector.broadcast %max3A_48 : f32 to vector<1000x128xf32>
    %max3A_50 = arith.maximumf %add3A_47, %max3A_49 : vector<1000x128xf32>
    %swap3A = arith.constant 0 : index
    %swap3A_51 = arith.constant 0 : index
    %swap3A_52 = vector.load %arg10[%swap3A, %swap3A_51] : memref<1000x128xf32, #tpu.memory_space<vmem>>, vector<1000x128xf32>
    tpu.vector_store %arg10[%swap3A, %swap3A_51], %max3A_50 {strides = array<i32>} : memref<1000x128xf32, #tpu.memory_space<vmem>>, vector<1000x128xf32>,
    return
  }
  func.func @transform_0(%arg0: i32) -> (i32, i32) {
    %c0_i32 = arith.constant 0 : i32
    %c0_i32_0 = arith.constant 0 : i32
    return %arg0, %c0_i32 : i32, i32
  }
  func.func @transform_1(%arg0: i32) -> (i32, i32) {
    %c0_i32 = arith.constant 0 : i32
    %c0_i32_0 = arith.constant 0 : i32
    return %arg0, %c0_i32 : i32, i32
  }
  func.func @transform_2(%arg0: i32) -> (i32, i32) {
    %c0_i32 = arith.constant 0 : i32
    %c0_i32_0 = arith.constant 0 : i32
    return %arg0, %c0_i32 : i32, i32
  }
  func.func @transform_3(%arg0: i32) -> (i32, i32) {
    %c0_i32 = arith.constant 0 : i32
    %c0_i32_0 = arith.constant 0 : i32
    return %arg0, %c0_i32 : i32, i32
  }
  func.func @transform_4(%arg0: i32) -> (i32, i32) {
    %c0_i32 = arith.constant 0 : i32
    %c0_i32_0 = arith.constant 0 : i32
    return %arg0, %c0_i32 : i32, i32
  }
  func.func @transform_5(%arg0: i32) -> (i32, i32) {
    %c0_i32 = arith.constant 0 : i32
    %c0_i32_0 = arith.constant 0 : i32
    return %arg0, %c0_i32 : i32, i32
  }
  func.func @transform_6(%arg0: i32) -> (i32, i32) {
    %c0_i32 = arith.constant 0 : i32
    %c0_i32_0 = arith.constant 0 : i32
    return %arg0, %c0_i32 : i32, i32
  }
  func.func @transform_7(%arg0: i32) -> (i32, i32) {
    %c0_i32 = arith.constant 0 : i32
    %c0_i32_0 = arith.constant 0 : i32
    %c0_i32_1 = arith.constant 0 : i32
    return %c0_i32, %c0_i32_0 : i32, i32
  }
  func.func @transform_8(%arg0: i32) -> (i32, i32) {
    %c0_i32 = arith.constant 0 : i32
    %c0_i32_0 = arith.constant 0 : i32
    %c0_i32_1 = arith.constant 0 : i32
    return %c0_i32, %c0_i32_0 : i32, i32
  }
  func.func @transform_9(%arg0: i32) -> (i32, i32) {
    %c0_i32 = arith.constant 0 : i32
    %c0_i32_0 = arith.constant 0 : i32
    return %arg0, %c0_i32 : i32, i32
  }
}

module attributes {stable_mosaic.version = 14 : i64} {
  func.func @_mlp_body(%arg0: i32, %arg1: memref<1000x128xf32, #tpu.memory_space<vmem>>, %arg2: memref<1000x128xf32, #tpu.memory_space<vmem>>, %arg3: memref<1000x128xf32, #tpu.memory_space<vmem>>, %arg4: memref<1000x128xf32, #tpu.memory_space<vmem>>, %arg5: memref<1000x128xf32, #tpu.memory_space<vmem>>, %arg6: memref<1000x128xf32, #tpu.memory_space<vmem>>, %arg7: memref<1000x128xf32, #tpu.memory_space<vmem>>, %arg8: memref<384x128xf32, #tpu.memory_space<vmem>>, %arg9: memref<1x128xf32, #tpu.memory_space<vmem>>, %arg10: memref<1000x128xf32, #tpu.memory_space<vmem>>) attributes {dimension_semantics = [#tpu.dimension_semantics<arbitrary>], iteration_bounds = array<i64: 10>, scalar_prefetch = 0 : i64, scratch_operands = 0 : i64, tpu.core_type = #tpu.core_type<tc>, window_params = [{transform_indices = @transform_0, window_bounds = array<i64: 1000, 128>}, {transform_indices = @transform_1, window_bounds = array<i64: 1000, 128>}, {transform_indices = @transform_2, window_bounds = array<i64: 1000, 128>}, {transform_indices = @transform_3, window_bounds = array<i64: 1000, 128>}, {transform_indices = @transform_4, window_bounds = array<i64: 1000, 128>}, {transform_indices = @transform_5, window_bounds = array<i64: 1000, 128>}, {transform_indices = @transform_6, window_bounds = array<i64: 1000, 128>}, {pipeline_mode = #tpu.pipeline_mode<synchronous>, transform_indices = @transform_7, window_bounds = array<i64: 384, 128>}, {pipeline_mode = #tpu.pipeline_mode<synchronous>, transform_indices = @transform_8, window_bounds = array<i64: 1, 128>}, {transform_indices = @transform_9, window_bounds = array<i64: 1000, 128>}]} {
    %get3A = arith.constant 0 : index
    %get3A_0 = arith.constant 0 : index
    %get3A_1 = vector.load %arg6[%get3A, %get3A_0] : memref<1000x128xf32, #tpu.memory_space<vmem>>, vector<1000x128xf32>
    %get3A_2 = arith.constant 0 : index
    %get3A_3 = arith.constant 0 : index
    %get3A_4 = vector.load %arg7[%get3A_2, %get3A_3] : memref<1000x128xf32, #tpu.memory_space<vmem>>, vector<1000x128xf32>
    %add3A = arith.addf %get3A_1, %get3A_4 : vector<1000x128xf32>
    %get3A_5 = arith.constant 0 : index
    %get3A_6 = arith.constant 0 : index
    %get3A_7 = vector.load %arg4[%get3A_5, %get3A_6] : memref<1000x128xf32, #tpu.memory_space<vmem>>, vector<1000x128xf32>
    %get3A_8 = arith.constant 0 : index
    %get3A_9 = arith.constant 0 : index
    %get3A_10 = vector.load %arg5[%get3A_8, %get3A_9] : memref<1000x128xf32, #tpu.memory_space<vmem>>, vector<1000x128xf32>
    %add3A_11 = arith.addf %get3A_7, %get3A_10 : vector<1000x128xf32>
    %get3A_12 = arith.constant 0 : index
    %get3A_13 = arith.constant 0 : index
    %get3A_14 = vector.load %arg2[%get3A_12, %get3A_13] : memref<1000x128xf32, #tpu.memory_space<vmem>>, vector<1000x128xf32>
    %get3A_15 = arith.constant 0 : index
    %get3A_16 = arith.constant 0 : index
    %get3A_17 = vector.load %arg3[%get3A_15, %get3A_16] : memref<1000x128xf32, #tpu.memory_space<vmem>>, vector<1000x128xf32>
    %add3A_18 = arith.addf %get3A_14, %get3A_17 : vector<1000x128xf32>
    %slice3A = vector.extract_strided_slice %add3A {offsets = [0, 0], sizes = [1000, 1], strides = [1, 1]} : vector<1000x128xf32> to vector<1000x1xf32>
    %max3A = arith.constant 1.000000e+00 : f32
    %max3A_19 = vector.broadcast %max3A : f32 to vector<1000x1xf32>
    %max3A_20 = arith.maximumf %slice3A, %max3A_19 : vector<1000x1xf32>
    %div3A = arith.constant 1.000000e+00 : f32
    %div3A_21 = vector.broadcast %div3A : f32 to vector<1000x1xf32>
    %div3A_22 = arith.divf %div3A_21, %max3A_20 : vector<1000x1xf32>
    %sub3A = arith.subf %add3A_18, %add3A_11 : vector<1000x128xf32>
    %mul3A = vector.broadcast %div3A_22 : vector<1000x1xf32> to vector<1000x128xf32>
    %mul3A_23 = arith.mulf %sub3A, %mul3A : vector<1000x128xf32>
    %sub3A_24 = arith.subf %add3A_11, %add3A : vector<1000x128xf32>
    %mul3A_25 = vector.broadcast %div3A_22 : vector<1000x1xf32> to vector<1000x128xf32>
    %mul3A_26 = arith.mulf %sub3A_24, %mul3A_25 : vector<1000x128xf32>
    %get3A_27 = arith.constant 0 : index
    %get3A_28 = arith.constant 0 : index
    %get3A_29 = vector.load %arg8[%get3A_27, %get3A_28] : memref<384x128xf32, #tpu.memory_space<vmem>>, vector<384x128xf32>
    %get3A_30 = arith.constant 0 : index
    %get3A_31 = arith.constant 0 : index
    %get3A_32 = vector.load %arg1[%get3A_30, %get3A_31] : memref<1000x128xf32, #tpu.memory_space<vmem>>, vector<1000x128xf32>
    %slice3A_33 = vector.extract_strided_slice %get3A_29 {offsets = [0, 0], sizes = [128, 128], strides = [1, 1]} : vector<384x128xf32> to vector<128x128xf32>
    %dot_general3A = arith.constant dense<0.000000e+00> : vector<1000x128xf32>
    %dot_general3A_34 = tpu.matmul %get3A_32, %slice3A_33, %dot_general3A {dimension_numbers = #tpu.dot_dimension_numbers<[1], [0], [0], [1], [0, 0, 1, 1], [], []>, precision = #tpu.contract_precision<fp32>, transpose_lhs_hint = false} : vector<1000x128xf32>, vector<128x128xf32>, vector<1000x128xf32> -> vector<1000x128xf32>
    %slice3A_35 = vector.extract_strided_slice %get3A_29 {offsets = [128, 0], sizes = [128, 128], strides = [1, 1]} : vector<384x128xf32> to vector<128x128xf32>
    %dot_general3A_36 = arith.constant dense<0.000000e+00> : vector<1000x128xf32>
    %dot_general3A_37 = tpu.matmul %mul3A_23, %slice3A_35, %dot_general3A_36 {dimension_numbers = #tpu.dot_dimension_numbers<[1], [0], [0], [1], [0, 0, 1, 1], [], []>, precision = #tpu.contract_precision<fp32>, transpose_lhs_hint = false} : vector<1000x128xf32>, vector<128x128xf32>, vector<1000x128xf32> -> vector<1000x128xf32>
    %add3A_38 = arith.addf %dot_general3A_34, %dot_general3A_37 : vector<1000x128xf32>
    %slice3A_39 = vector.extract_strided_slice %get3A_29 {offsets = [256, 0], sizes = [128, 128], strides = [1, 1]} : vector<384x128xf32> to vector<128x128xf32>
    %dot_general3A_40 = arith.constant dense<0.000000e+00> : vector<1000x128xf32>
    %dot_general3A_41 = tpu.matmul %mul3A_26, %slice3A_39, %dot_general3A_40 {dimension_numbers = #tpu.dot_dimension_numbers<[1], [0], [0], [1], [0, 0, 1, 1], [], []>, precision = #tpu.contract_precision<fp32>, transpose_lhs_hint = false} : vector<1000x128xf32>, vector<128x128xf32>, vector<1000x128xf32> -> vector<1000x128xf32>
    %add3A_42 = arith.addf %add3A_38, %dot_general3A_41 : vector<1000x128xf32>
    %get3A_43 = arith.constant 0 : index
    %get3A_44 = arith.constant 0 : index
    %get3A_45 = vector.load %arg9[%get3A_43, %get3A_44] : memref<1x128xf32, #tpu.memory_space<vmem>>, vector<1x128xf32>
    %add3A_46 = vector.broadcast %get3A_45 : vector<1x128xf32> to vector<1000x128xf32>
    %add3A_47 = arith.addf %add3A_42, %add3A_46 : vector<1000x128xf32>
    %max3A_48 = arith.constant 0.000000e+00 : f32
    %max3A_49 = vector.broadcast %max3A_48 : f32 to vector<1000x128xf32>
    %max3A_50 = arith.maximumf %add3A_47, %max3A_49 : vector<1000x128xf32>
    %swap3A = arith.constant 0 : index
    %swap3A_51 = arith.constant 0 : index
    %swap3A_52 = vector.load %arg10[%swap3A, %swap3A_51] : memref<1000x128xf32, #tpu.memory_space<vmem>>, vector<1000x128xf32>
    tpu.vector_store %arg10[%swap3A, %swap3A_51], %max3A_50 {strides = array<i32>} : memref<1000x128xf32, #tpu.memory_space<vmem>>, vector<1000x128xf32>,
    return
  }
  func.func @transform_0(%arg0: i32) -> (i32, i32) {
    %c0_i32 = arith.constant 0 : i32
    %c0_i32_0 = arith.constant 0 : i32
    return %arg0, %c0_i32 : i32, i32
  }
  func.func @transform_1(%arg0: i32) -> (i32, i32) {
    %c0_i32 = arith.constant 0 : i32
    %c0_i32_0 = arith.constant 0 : i32
    return %arg0, %c0_i32 : i32, i32
  }
  func.func @transform_2(%arg0: i32) -> (i32, i32) {
    %c0_i32 = arith.constant 0 : i32
    %c0_i32_0 = arith.constant 0 : i32
    return %arg0, %c0_i32 : i32, i32
  }
  func.func @transform_3(%arg0: i32) -> (i32, i32) {
    %c0_i32 = arith.constant 0 : i32
    %c0_i32_0 = arith.constant 0 : i32
    return %arg0, %c0_i32 : i32, i32
  }
  func.func @transform_4(%arg0: i32) -> (i32, i32) {
    %c0_i32 = arith.constant 0 : i32
    %c0_i32_0 = arith.constant 0 : i32
    return %arg0, %c0_i32 : i32, i32
  }
  func.func @transform_5(%arg0: i32) -> (i32, i32) {
    %c0_i32 = arith.constant 0 : i32
    %c0_i32_0 = arith.constant 0 : i32
    return %arg0, %c0_i32 : i32, i32
  }
  func.func @transform_6(%arg0: i32) -> (i32, i32) {
    %c0_i32 = arith.constant 0 : i32
    %c0_i32_0 = arith.constant 0 : i32
    return %arg0, %c0_i32 : i32, i32
  }
  func.func @transform_7(%arg0: i32) -> (i32, i32) {
    %c0_i32 = arith.constant 0 : i32
    %c0_i32_0 = arith.constant 0 : i32
    %c0_i32_1 = arith.constant 0 : i32
    return %c0_i32, %c0_i32_0 : i32, i32
  }
  func.func @transform_8(%arg0: i32) -> (i32, i32) {
    %c0_i32 = arith.constant 0 : i32
    %c0_i32_0 = arith.constant 0 : i32
    %c0_i32_1 = arith.constant 0 : i32
    return %c0_i32, %c0_i32_0 : i32, i32
  }
  func.func @transform_9(%arg0: i32) -> (i32, i32) {
    %c0_i32 = arith.constant 0 : i32
    %c0_i32_0 = arith.constant 0 : i32
    return %arg0, %c0_i32 : i32, i32
  }
}

</mosaic_0001>

<sc_bundles>
// kernel: kernel.6.cloned.1.call-start
scs
__scs_entry_jumppad:
0x0: {  	(pc) =	sbr.rel $0x88, $3  }
0x1: {  	(tag) =	ssettag $0x0;
	lr =	simm.s32 $0x1  }
0x2: {  	[smem:$0x3F99] =	sst lr;
	_ =	strace $0xD0000000  }
0x3: {  	_ = 	snop  }
0x4: {  	_ = 	snop  }
0x5: {  	_ = 	snop  }
0x6: {  	_ = 	snop  }
0x7: {  	_ = 	snop  }
__scs_overlays_trampoline_lowered:
0x8: {  	[smem:$0x3FA8] =	sst s0  }
0x9: {  	[smem:$0x3FA9] =	sst s1  }
0xa: {  	[smem:$0x3FAA] =	sst s2  }
0xb: {  	[smem:$0x3FAB] =	sst s3  }
0xc: {  	[smem:$0x3FAC] =	sst s4  }
0xd: {  	[smem:$0x3FAD] =	sst s5  }
0xe: {  	[smem:$0x3FAE] =	sst s6  }
0xf: {  	[smem:$0x3FAF] =	sst s7  }
0x10: {  	[smem:$0x3FB0] =	sst s8  }
0x11: {  	[smem:$0x3FB1] =	sst s9;
	s0 =	simm.s32 @!p0 $0x0  }
0x12: {  	s1 =	sld [smem:$0x3F97];
	s0 =	simm.s32 @p0 $0x1  }
0x13: {  	[smem:$0x3FB2] =	sst s0;
	s0 =	simm.s32 @!p1 $0x0  }
0x14: {  	s2 =	sld [smem:$0x3F96];
	s0 =	simm.s32 @p1 $0x1  }
0x15: {  	[smem:$0x3FB3] =	sst s0;
	s0 =	simm.s32 @!p2 $0x0  }
0x16: {  	s3 =	sld [smem:$0x3FDB];
	s0 =	simm.s32 @p2 $0x1  }
0x17: {  	s4 =	simm.s32 $0x1BF5;
	[smem:$0x3FB5] =	sst s0  }
0x18: {  	s0 =	sld [smem:$0x3F98];
	_ =	swait.ge [sflag:s4], $0x0  }
0x19: {  	s7 =	sld [smem:$0x3F99]  }
0x1a: {  	s8 =	sadd.s32 $0xFFFFE003, lr  }
0x1b: {  	s9 =	sadd.s32 $0xFFFFFEF7, lr;
	s5 =	simm.s32 $0xFFFFFFFF;
	p2 =	slt.u32 s8, $0xFFFFF086  }
0x1c: {  	p1 =	slt.u32 s9, $0xF7A;
	s5 =	simm.s32 @!p2 $0x0  }
0x1d: {  	s5 =	simm.s32 @p1 $0x1;
	p0 =	seq.s32 s7, s2  }
0x1e: {  	s7 =	smul.u32 @!p0 $0xF7A, s2;
	p2 =	seq.s32 @!p0 s5, $0x0  }
0x1f: {  	s9 =	smul.u32 $0xF7A, s1;
	s8 =	simm.s32 @!p0 $0x1BF5;
	p2 =	por !p2, p0  }
0x20: {  	[sflag:s8] =	ssyncset.s32 @!p0 $0xFFFFF086;
	s6 =	sadd.s32 @!p0 s3, s7;
	s7 =	simm.s32 @!p0 $0x108  }
0x21: {  	s3 =	sadd.s32 s3, s9;
	s6 =	sadd.s32 @!p0 $0x88, s6;
	s7 =	simm.s32 @p2 $0x1082  }
0x22: {  	[simem:s7], [sflag:s8] =	dma.local @!p0 [hbm:s6], $0xF7A  }
0x23: {  	s9 =	sor.u32 $0xD0000000, s2;
	s6 =	simm.s32 $0x108;
	_ =	swait.ge @!p0 [sflag:s8], $0x0  }
0x24: {  	s3 =	sadd.s32 $0x88, s3;
	s6 =	simm.s32 @!p1 $0x1082;
	[sflag:s4] =	ssyncset.s32 $0xFFFFF086  }
0x25: {  	[simem:s6], [sflag:s4] =	dma.local [hbm:s3], $0xF7A  }
0x26: {  	[smem:$0x3F99] =	sst s1;
	(tag) =	ssettag s2;
	_ =	strace s9  }
0x27: {  	s1 =	sld [smem:$0x3FA9]  }
0x28: {  	s2 =	sld [smem:$0x3FAA]  }
0x29: {  	s4 =	sld [smem:$0x3FAC]  }
0x2a: {  	p0 =	seq.s32 s5, $0x0;
	s5 =	sld [smem:$0x3FAD]  }
0x2b: {  	s6 =	sld [smem:$0x3FAE]  }
0x2c: {  	s7 =	sld [smem:$0x3FAF]  }
0x2d: {  	s3 =	simm.s32 $0x108;
	s8 =	sld [smem:$0x3FB0]  }
0x2e: {  	s3 =	simm.s32 @!p0 $0x1082;
	s9 =	sld [smem:$0x3FB1]  }
0x2f: {  	lr =	sadd.s32 s0, s3;
	s0 =	sld [smem:$0x3FA8]  }
0x30: {  	s3 =	sld [smem:$0x3FAB]  }
0x31: {  	[smem:$0x3FB4] =	sst s10  }
0x32: {  	s10 =	sld [smem:$0x3FB2];
	_ =	sdelay $0x3  }
0x33: {  	p0 =	seq.s32 s10, $0x1;
	s10 =	sld [smem:$0x3FB4];
	_ =	sdelay $0x3  }
0x34: {  	[smem:$0x3FB4] =	sst s10  }
0x35: {  	s10 =	sld [smem:$0x3FB3];
	_ =	sdelay $0x3  }
0x36: {  	p1 =	seq.s32 s10, $0x1;
	s10 =	sld [smem:$0x3FB4];
	_ =	sdelay $0x3  }
0x37: {  	[smem:$0x3FB4] =	sst s10  }
0x38: {  	s10 =	sld [smem:$0x3FB5]  }
0x39: {  	_ = 	snop;
	(pc) =	sbr.ind lr, $3  }
0x3a: {  	_ = 	snop  }
0x3b: {  	_ = 	snop  }
0x3c: {  	p2 =	seq.s32 s10, $0x1;
	s10 =	sld [smem:$0x3FB4]  }
0x3d: {  	_ =	shalt  }
0x3e: {  	_ =	shalt  }
0x3f: {  	_ =	shalt  }
0x40: {  	_ =	shalt  }
0x41: {  	_ =	shalt  }
0x42: {  	_ =	shalt  }
0x43: {  	_ =	shalt  }
0x44: {  	_ =	shalt  }
0x45: {  	_ =	shalt  }
0x46: {  	_ =	shalt  }
0x47: {  	_ =	shalt  }
0x48: {  	_ =	shalt  }
0x49: {  	_ =	shalt  }
0x4a: {  	_ =	shalt  }
0x4b: {  	_ =	shalt  }
0x4c: {  	_ =	shalt  }
0x4d: {  	_ =	shalt  }
0x4e: {  	_ =	shalt  }
0x4f: {  	_ =	shalt  }
0x50: {  	_ =	shalt  }
0x51: {  	_ =	shalt  }
0x52: {  	_ =	shalt  }
0x53: {  	_ =	shalt  }
0x54: {  	_ =	shalt  }
0x55: {  	_ =	shalt  }
0x56: {  	_ =	shalt  }
0x57: {  	_ =	shalt  }
0x58: {  	_ =	shalt  }
0x59: {  	_ =	shalt  }
0x5a: {  	_ =	shalt  }
0x5b: {  	_ =	shalt  }
0x5c: {  	_ =	shalt  }
0x5d: {  	_ =	shalt  }
0x5e: {  	_ =	shalt  }
0x5f: {  	_ =	shalt  }
0x60: {  	_ =	shalt  }
0x61: {  	_ =	shalt  }
0x62: {  	_ =	shalt  }
0x63: {  	_ =	shalt  }
0x64: {  	_ =	shalt  }
0x65: {  	_ =	shalt  }
0x66: {  	_ =	shalt  }
0x67: {  	_ =	shalt  }
0x68: {  	_ =	shalt  }
0x69: {  	_ =	shalt  }
0x6a: {  	_ =	shalt  }
0x6b: {  	_ =	shalt  }
0x6c: {  	_ =	shalt  }
0x6d: {  	_ =	shalt  }
0x6e: {  	_ =	shalt  }
0x6f: {  	_ =	shalt  }
0x70: {  	_ =	shalt  }
0x71: {  	_ =	shalt  }
0x72: {  	_ =	shalt  }
0x73: {  	_ =	shalt  }
0x74: {  	_ =	shalt  }
0x75: {  	_ =	shalt  }
0x76: {  	_ =	shalt  }
0x77: {  	_ =	shalt  }
0x78: {  	_ =	shalt  }
0x79: {  	_ =	shalt  }
0x7a: {  	_ =	shalt  }
0x7b: {  	_ =	shalt  }
0x7c: {  	_ =	shalt  }
0x7d: {  	_ =	shalt  }
0x7e: {  	_ =	shalt  }
0x7f: {  	_ =	shalt  }
0x80: {  	_ =	shalt  }
0x81: {  	_ =	shalt  }
0x82: {  	_ =	shalt  }
0x83: {  	_ =	shalt  }
0x84: {  	_ =	shalt  }
0x85: {  	_ =	shalt  }
0x86: {  	_ =	shalt  }
0x87: {  	_ =	shalt  }
.Lfunc_end0:
.L_simem_size_0:
called_computation_lowered:
.L_overlay_start_0:
0x88: {  	s2 =	sld [smem:$0x3FD9]  }
0x89: {  	s3 =	sld [smem:$0x3FFE];
	_ =	sdelay $0x1  }
0x8a: {  	s1 =	srdreg.scid  }
0x8b: {  	s0 =	sand.u32 $0x1, s1  }
0x8c: {  	s14 =	sshll.u32 s0, $0xA;
	s2 =	sadd.s32 s3, s2  }
0x8d: {  	s2 =	sadd.s32 s2, s14  }
0x8e: {  	[smem:$0x3FC0] =	sst s2  }
0x8f: {  	_ = 	snop  }
0x90: {  	s2 =	sld [smem:$0x3FD0];
	_ =	sdelay $0x1  }
0x91: {  	s15 =	sld [smem:$0x3FC7]  }
0x92: {  	s5 =	simm.s32 $0xA;
	s6 =	simm.s32 $0x10;
	s4 =	sld [smem:$0x3FC6]  }
0x93: {  	[smem:s6], [sflag:s5] =	dma.local [hbm:s2], $0x1  }
0x94: {  	_ =	swait.eq [sflag:s5], $0x1  }
0x95: {  	[sflag:s5] =	ssyncset.done $0x0  }
0x96: {  	s16 =	sld [smem:$0x10];
	[sflag:s5] =	ssyncadd.s32 $0xFFFFFFFF  }
0x97: {  	s17 =	sld [smem:$0x11];
	(tm) =	ssettm $0x1  }
0x98: {  	s18 =	sld [smem:$0x3FFB];
	_ =	sdelay $0x3  }
0x99: {  	_ =	strace s18  }
0x9a: {  	s6 =	sld [smem:$0x3FFC];
	_ =	sdelay $0x3  }
0x9b: {  	_ =	strace s6  }
0x9c: {  	s6 =	sld [smem:$0x3FFD];
	_ =	sdelay $0x3  }
0x9d: {  	_ =	strace s6  }
0x9e: {  	_ =	strace $0x8FFFFFFF  }
0x9f: {  	s19 =	sld [smem:$0x3FDB];
	_ =	sdelay $0x1  }
0xa0: {  	s7 =	simm.s32 $_scs_section_size  }
0xa1: {  	s8 =	simm.s32 $_size__tile_overlayer_lowered;
	s9 =	simm.s32 $_tile_overlayer_lowered  }
0xa2: {  	s22 =	simm.s32 $0x1BFF;
	s21 =	sshll.u32 s9, $0x1;
	s6 =	sadd.s32 s7, s19  }
0xa3: {  	s10 =	simm.s32 $0x0;
	s20 =	sshll.u32 s8, $0x1;
	s8 =	sadd.s32 s21, s6  }
0xa4: {  	[timem:s10], [sflag:s22] =	dma.local [hbm:s8], s20  }
0xa5: {  	_ =	swait.ge [sflag:s22], s20  }
0xa6: {  	s7 =	ssub.s32 $0x0, s20;
	[sflag:s22] =	ssyncset.done $0x0  }
0xa7: {  	[sflag:s22] =	ssyncadd.s32 s7;
	_ =	sdelay $0x1  }
0xa8: {  	s23 =	simm.s32 $0x1B8B  }
0xa9: {  	_ =	swait.ge [sflag:s23], $0x1  }
0xaa: {  	[sflag:s23] =	ssyncset.done $0x0  }
0xab: {  	s25 =	simm.s32 $0x1B8E;
	s24 =	sld [smem:$0x3FFE];
	[sflag:s23] =	ssyncadd.s32 $0xFFFFFFFF  }
0xac: {  	s26 =	simm.s32 $execute0_lowered;
	[smem:$0x3FD2] =	sst s25  }
0xad: {  	s8 =	sshll.u32 s26, $0x1;
	_ =	strace $0x80000046;
	[dreg:$0x1] =	wrdreg $0xFFFFFFFF  }
0xae: {  	s28 =	simm.s32 $_size_execute0_lowered;
	s6 =	sadd.s32 s6, s8;
	[dreg:$0x0] =	wrdreg $0x0  }
0xaf: {  	s8 =	sshll.u32 s28, $0x1;
	[dreg:$0x2] =	wrdreg s6  }
0xb0: {  	[dreg:$0x3] =	wrdreg s8  }
0xb1: {  	[dreg:$0x4] =	wrdreg $0xC0  }
0xb2: {  	_ =	task [dreg:s10], $0x5FFFF  }
0xb3: {  	[dreg:$0x1] =	wrdreg $0xFFFFFFFF  }
0xb4: {  	[dreg:$0x0] =	wrdreg $0x60  }
0xb5: {  	[dreg:$0x2] =	wrdreg s24  }
0xb6: {  	[dreg:$0x3] =	wrdreg s4  }
0xb7: {  	[dreg:$0x4] =	wrdreg s15  }
0xb8: {  	[dreg:$0x5] =	wrdreg s17  }
0xb9: {  	[dreg:$0x6] =	wrdreg s16  }
0xba: {  	[dreg:$0x7] =	wrdreg $0xA4000  }
0xbb: {  	[dreg:$0x8] =	wrdreg $0x9  }
0xbc: {  	_ =	task.clear_ibuf [dreg:s10], $0x9FFFF;
	_ =	strace $0x90000046  }
0xbd: {  	s29 =	simm.s32 $0x9;
	_ =	strace $0x80000048  }
0xbe: {  	_ =	swait.ge [sflag:s29], $0x1  }
0xbf: {  	[sflag:s29] =	ssyncadd.s32 $0xFFFFFFFF  }
0xc0: {  	_ =	strace $0x90000048  }
0xc1: {  	_ =	sfence  }
0xc2: {  	s30 =	sld [smem:$0x0];
	_ =	sdelay $0x2  }
0xc3: {  	s31 =	sshll.u32 s1, $0xD;
	s1 =	sshrl.u32 s1, $0x2  }
0xc4: {  	s3 =	sand.u32 $0x4000, s31;
	s1 =	sadd.s32 s1, s30  }
0xc5: {  	s0 =	sor.u32 s3, s0;
	s1 =	sshll.u32 s1, $0x11  }
0xc6: {  	s0 =	sor.u32 s1, s0  }
0xc7: {  	s0 =	sadd.s32 $0x8F2B, s0  }
0xc8: {  	[sflag:s0] =	ssyncadd.remote.s32 $0x1  }
0xc9: {  	_ =	sfence.sel $0xFFFF  }
0xca: {  	[dreg:$0x0] =	wrdreg $0xFFFFFFFF;
	(pc) =	sbr.abs _section_cstart, $3  }
0xcb: {  	[dreg:$0x1] =	wrdreg $0xFFFFFFFF  }
0xcc: {  	_ =	task.clear_ibuf [dreg:s10], $0x2FFFF;
	_ =	strace $0x9FFFFFFF  }
0xcd: {  	(tm) =	ssettm $0x7FFFFFFF  }
tec
execute0_lowered:
.L_overlay_start_1:
0x0: {  	(tag) =	ssettag $0x1  }
0x1: {  	s0 =	rddreg [dreg:$0x0]  }
0x2: {  	s2 =	rddreg [dreg:$0x1]  }
0x3: {  	s4 =	rddreg [dreg:$0x3]  }
0x4: {  	s3 =	rddreg [dreg:$0x5];
	s7 =	stileid.u32  }
0x5: {  	s5 =	simm.s32 $0x0;
	s8 =	srdreg.scid;
	s6 =	smul.u32 $0x2780, s7  }
0x6: {  	[smem:$0x7FF] =	sst s5;
	s1 =	sadd.s32 $0xC600, s0;
	s9 =	smul.u32 $0x4F000, s7  }
0x7: {  	s15 =	sadd.s32 $0x2800, s0;
	s8 =	sand.u32 $0x1, s8;
	s14 =	smul.u32 $0x2710, s7  }
0x8: {  	_ =	strace $0x80000047;
	s11 =	ssub.s32 $0x2, s8;
	s12 =	sshll.u32 s8, $0x4  }
0x9: {  	s24 =	smul.u32 $0x27100, s8;
	s10 =	sadd.s32 s6, s0;
	s13 =	sshrl.u32 s11, $0x1  }
0xa: {  	s12 =	sor.u32 s7, s12;
	s9 =	sshrl.u32 s9, $0x2;
	s6 =	sadd.s32 s4, s6  }
0xb: {  	s4 =	sadd.s32 $0x25080, s4;
	s21 =	smul.u32 $0x2710, s12;
	[dreg:$0xf] =	wrdreg s6  }
0xc: {  	[dreg:$0x10] =	wrdreg s4;
	s22 =	smul.u32 $0x27100, s12;
	s12 =	smov.u32 s1  }
0xd: {  	s11 =	ssub.s32 s11, s13;
	s16 =	sadd.s32 s9, s3;
	[dreg:$0xa] =	wrdreg s12  }
0xe: {  	s9 =	sadd.s32 s14, s24;
	[dreg:$0xe] =	wrdreg s16;
	s23 =	sadd.s32 $0x50, s21  }
0xf: {  	s6 =	sshrl.u32 s21, $0x3;
	s4 =	sadd.s32 s2, s22;
	s13 =	sshrl.u32 s23, $0x3  }
0x10: {  	[dreg:$0x12] =	wrdreg s4;
	s26 =	sshll.u32 s23, $0x4;
	s23 =	sadd.s32 $0x8BA00, s10  }
0x11: {  	s14 =	sadd.s32 $0xF0, s9;
	s24 =	sadd.s32 s12, s6;
	[dreg:$0x15] =	wrdreg s23  }
0x12: {  	s17 =	sadd.s32 s15, s6;
	s6 =	sadd.s32 $0xD9E00, s10;
	[dreg:$0x16] =	wrdreg s24  }
0x13: {  	s4 =	sshrl.u32 s14, $0x3;
	s14 =	sadd.s32 $0x3D600, s10;
	[dreg:$0x1a] =	wrdreg s6  }
0x14: {  	s31 =	simm.s32 $0x400;
	p4 =	seq.s32 s8, $0x1;
	[dreg:$0x1c] =	wrdreg s14  }
0x15: {  	s25 =	smul.u32 $0x271000, s8;
	s8 =	sadd.s32 s2, s26;
	[dreg:$0x11] =	wrdreg s17  }
0x16: {  	s30 =	simm.s32 $0x10;
	s21 =	sadd.s32 s15, s13;
	[dreg:$0x13] =	wrdreg s8  }
0x17: {  	s29 =	smul.u32 $0x27100, s7;
	s20 =	sadd.s32 s4, s1;
	[dreg:$0x14] =	wrdreg s21  }
0x18: {  	s2 =	sadd.s32 s25, s2;
	s25 =	sadd.s32 s12, s13;
	[dreg:$0x8] =	wrdreg s20  }
0x19: {  	p0 =	seq.s32 s7, $0xF;
	s26 =	sadd.s32 $0xB2C00, s10;
	[dreg:$0x17] =	wrdreg s25  }
0x1a: {  	p1 =	por !p4, !p0;
	s13 =	sadd.s32 $0x16400, s10;
	[dreg:$0x18] =	wrdreg s26  }
0x1b: {  	p2 =	por p4, !p0;
	s24 =	smax.u32 s11, $0x1;
	[dreg:$0x1b] =	wrdreg s13  }
0x1c: {  	p3 =	por !p4, p0;
	s2 =	sadd.s32 s29, s2;
	[smem:$0x7EE] =	sst s24  }
0x1d: {  	s18 =	sadd.s32 $0xA0, s9;
	s29 =	sadd.s32 $0x64800, s10;
	[dreg:$0xb] =	wrdreg s2  }
0x1e: {  	s23 =	sadd.s32 $0x2D0, s9;
	s20 =	sadd.s32 $0x89880, s0;
	[dreg:$0x19] =	wrdreg s29  }
0x1f: {  	s8 =	sadd.s32 $0x190, s9;
	s21 =	sadd.s32 $0xFEE80, s0;
	[dreg:$0x1f] =	wrdreg s20  }
0x20: {  	s25 =	sshrl.u32 s23, $0x3;
	s23 =	sadd.s32 $0x28, s17;
	[smem:$0x7EB] =	sst s21  }
0x21: {  	s24 =	sadd.s32 $0x32, s17;
	s2 =	sshrl.u32 s8, $0x3;
	[smem:$0x7F5] =	sst s23  }
0x22: {  	s8 =	sshrl.u32 s18, $0x3;
	s18 =	sadd.s32 $0xB0A80, s0;
	[smem:$0x7F6] =	sst s24  }
0x23: {  	p4 =	por p4, p0;
	s21 =	sadd.s32 $0x14, s17;
	[dreg:$0x1d] =	wrdreg s18  }
0x24: {  	s14 =	sadd.s32 s25, s15;
	s25 =	sadd.s32 $0x4C4, s17;
	[smem:$0x7F3] =	sst s21  }
0x25: {  	s26 =	sadd.s32 $0x280, s9;
	s10 =	smov.u32 s15;
	[smem:$0x7F7] =	sst s25  }
0x26: {  	s29 =	sadd.s32 $0x230, s9;
	s19 =	sadd.s32 s2, s1;
	[smem:$0x7FA] =	sst s14  }
0x27: {  	s23 =	simm.s32 $0xD;
	s22 =	sadd.s32 s8, s1;
	[dreg:$0x7] =	wrdreg s19  }
0x28: {  	s24 =	simm.s32 $0x7;
	s13 =	sadd.s32 s2, s10;
	[dreg:$0x9] =	wrdreg s22  }
0x29: {  	s6 =	sshrl.u32 s29, $0x3;
	s18 =	sadd.s32 $0x140, s9;
	[dreg:$0xc] =	wrdreg s13  }
0x2a: {  	s1 =	sadd.s32 $0x1E0, s9;
	s20 =	sadd.s32 s8, s10;
	[smem:$0x7F0] =	sst s18  }
0x2b: {  	s29 =	sadd.s32 $0x4D8, s17;
	s25 =	simm.s32 $0xE;
	[smem:$0x7F1] =	sst s20  }
0x2c: {  	s2 =	simm.s32 $0xC;
	s19 =	sadd.s32 $0xD7C80, s0;
	[smem:$0x7F9] =	sst s29  }
0x2d: {  	s8 =	simm.s32 $0x0;
	s22 =	sadd.s32 $0x3B480, s0;
	[dreg:$0x1e] =	wrdreg s19  }
0x2e: {  	s0 =	sadd.s32 $0x62680, s0;
	s6 =	sadd.s32 s6, s15;
	[smem:$0x7EC] =	sst s22  }
0x2f: {  	s11 =	sshrl.u32 s1, $0x3;
	s20 =	simm.s32 $0x50;
	[smem:$0x7ED] =	sst s0  }
0x30: {  	s18 =	simm.s32 $0x9;
	[smem:$0x7EF] =	sst s6;
	s19 =	sadd.s32 s4, s10  }
0x31: {  	s0 =	sshrl.u32 s26, $0x3;
	s22 =	sadd.s32 $0x1E, s17;
	[dreg:$0xd] =	wrdreg s19  }
0x32: {  	s26 =	sadd.s32 $0x4CE, s17;
	s4 =	simm.s32 $0x8;
	[smem:$0x7F4] =	sst s22  }
0x33: {  	s17 =	simm.s32 $0xF;
	s28 =	sadd.s32 s0, s15;
	[smem:$0x7F8] =	sst s26  }
0x34: {  	s6 =	simm.s32 $0xA;
	s15 =	sadd.s32 s11, s15;
	[smem:$0x7FB] =	sst s28  }
0x35: {  	s0 =	simm.s32 @!p0 $0x0;
	s11 =	sadd.s32 $0x128400, s3;
	[smem:$0x7FC] =	sst s15  }
0x36: {  	s19 =	simm.s32 $0x5;
	s0 =	simm.s32 @p0 $0x1;
	[smem:$0x7FD] =	sst s11  }
0x37: {  	s22 =	simm.s32 $0x6;
	[smem:$0x7F2] =	sst s0;
	s0 =	simm.s32 $0xB  }
.LBB2_1:
0x38: {  	[smem:$0x7EA] =	sst s8  }
0x39: {  	s1 =	rddreg [dreg:$0x4];
	s29 =	simm.s32 $0x11  }
0x3a: {  	[tilespmem:s31], [sflag:$0x11] =	stream.linear.gather [hbm4b:s1+s5], $0x2800, $0x38;
	[tilespmem:$0x1DC80] =	vst v63  }
0x3b: {  	_ =	swait.ge [sflag:s29], $0x2800  }
0x3c: {  	s8 =	sld [smem:$0x7F2];
	_ =	sdelay $0x2  }
0x3d: {  	[sflag:s29] =	ssyncset.done $0x0;
	s1 =	rddreg [dreg:$0x10];
	p0 =	seq.s32 s8, $0x1  }
0x3e: {  	[sflag:s29] =	ssyncadd.s32 $0xFFFFD800;
	s8 =	sshrl.u32 @p0 s11, $0x3;
	s9 =	simm.s32 @p0 $0x1FD1  }
0x3f: {  	[spmem:s8], [sflag:s9] =	dma.local @p0 [hbm:s1], $0x2080  }
0x40: {  	s8 =	simm.s32 @p0 $0x11  }
0x41: {  	_ =	swait.ge @p0 [sflag:s8], $0x2080  }
0x42: {  	s9 =	sshll.u32 @!p0 s7, $0x6;
	[sflag:s8] =	ssyncset.done @p0 $0x0;
	s1 =	rddreg [dreg:$0xf]  }
0x43: {  	[sflag:s8] =	ssyncadd.s32 @p0 $0xFFFFDF80;
	s8 =	sor.u32 @!p0 $0x1C11, s9;
	s9 =	sshrl.u32 @!p0 s16, $0x3  }
0x44: {  	[spmem:s9], [sflag:s8] =	dma.local @!p0 [hbm:s1], $0x2780  }
0x45: {  	s8 =	simm.s32 @!p0 $0x11  }
0x46: {  	_ =	swait.ge @!p0 [sflag:s8], $0x2780  }
0x47: {  	[sflag:s8] =	ssyncset.done @!p0 $0x0  }
0x48: {  	[sflag:s8] =	ssyncadd.s32 @!p0 $0xFFFFD880  }
0x49: {  	[bflag:$0x0] =	sbarrier.arrive $0xFFFF  }
0x4a: {  	s9 =	rddreg [dreg:$0x11]  }
0x4b: {  	s12 =	simm.s32 $0x200;
	s13 =	rddreg [dreg:$0x14]  }
0x4c: {  	[tilespmem:s12], [sflag:$0x5] =	stream.linear.gather [hbm4b:s9+s5], $0x50, $0x38;
	[tilespmem:$0x1DC80] =	vst v63  }
0x4d: {  	s21 =	sld [smem:$0x7F3];
	s9 =	simm.s32 $0x280  }
0x4e: {  	[tilespmem:s9], [sflag:$0x6] =	stream.linear.gather [hbm4b:s13+s5], $0x50, $0x38;
	[tilespmem:$0x1DC80] =	vst v63  }
0x4f: {  	s13 =	simm.s32 $0x300  }
0x50: {  	[tilespmem:s13], [sflag:$0x7] =	stream.linear.gather [hbm4b:s21+s5], $0x50, $0x38;
	[tilespmem:$0x1DC80] =	vst v63  }
0x51: {  	_ =	swait.ge [sflag:s19], $0x50  }
0x52: {  	[sflag:s19] =	ssyncset.done $0x0  }
0x53: {  	s26 =	sld [smem:$0x7F4];
	[sflag:s19] =	ssyncadd.s32 $0xFFFFFFB0  }
0x54: {  	[spmem:s3] =	stream.indirect.scatter.add.f32 [tilespmem:s31], [sflag:$0xD], $0x80, s12, s20, $0xb8;
	[tilespmem:$0x1DC80] =	vst v63  }
0x55: {  	s21 =	simm.s32 $0x380  }
0x56: {  	[tilespmem:s21], [sflag:$0x8] =	stream.linear.gather [hbm4b:s26+s5], $0x50, $0x38;
	[tilespmem:$0x1DC80] =	vst v63  }
0x57: {  	_ =	swait.ge [sflag:s22], $0x50  }
0x58: {  	[sflag:s22] =	ssyncset.done $0x0  }
0x59: {  	[sflag:s22] =	ssyncadd.s32 $0xFFFFFFB0  }
0x5a: {  	[spmem:s3] =	stream.indirect.scatter.add.f32 [tilespmem:s31], [sflag:$0xE], $0x80, s9, s20, $0xb8;
	[tilespmem:$0x1DC80] =	vst v63  }
0x5b: {  	_ =	swait.ge [sflag:s23], $0x2800  }
0x5c: {  	s29 =	sld [smem:$0x7F5]  }
0x5d: {  	[sflag:s23] =	ssyncset.done $0x0  }
0x5e: {  	[sflag:s23] =	ssyncadd.s32 $0xFFFFD800  }
0x5f: {  	[tilespmem:s12], [sflag:$0x5] =	stream.linear.gather [hbm4b:s29+s5], $0x50, $0x38;
	[tilespmem:$0x1DC80] =	vst v63  }
0x60: {  	_ =	swait.ge [sflag:s24], $0x50  }
0x61: {  	[sflag:s24] =	ssyncset.done $0x0  }
0x62: {  	[sflag:s24] =	ssyncadd.s32 $0xFFFFFFB0  }
0x63: {  	[spmem:s3] =	stream.indirect.scatter.add.f32 [tilespmem:s31], [sflag:$0xF], $0x80, s13, s20, $0xb8;
	[tilespmem:$0x1DC80] =	vst v63  }
0x64: {  	_ =	swait.ge [sflag:s25], $0x2800  }
0x65: {  	s8 =	sld [smem:$0x7F6]  }
0x66: {  	[sflag:s25] =	ssyncset.done $0x0  }
0x67: {  	[sflag:s25] =	ssyncadd.s32 $0xFFFFD800  }
0x68: {  	[tilespmem:s9], [sflag:$0x6] =	stream.linear.gather [hbm4b:s8+s5], $0x50, $0x38;
	[tilespmem:$0x1DC80] =	vst v63  }
0x69: {  	_ =	swait.ge [sflag:s4], $0x50  }
0x6a: {  	[sflag:s4] =	ssyncset.done $0x0  }
0x6b: {  	[sflag:s4] =	ssyncadd.s32 $0xFFFFFFB0  }
0x6c: {  	[spmem:s3] =	stream.indirect.scatter.add.f32 [tilespmem:s31], [sflag:$0x10], $0x80, s21, s20, $0xb8;
	[tilespmem:$0x1DC80] =	vst v63  }
0x6d: {  	_ =	swait.ge [sflag:s17], $0x2800  }
0x6e: {  	[sflag:s17] =	ssyncset.done $0x0  }
0x6f: {  	s26 =	sadd.s32 $0x0, s15;
	[sflag:s17] =	ssyncadd.s32 $0xFFFFD800  }
0x70: {  	[tilespmem:s13], [sflag:$0x7] =	stream.linear.gather [hbm4b:s26+s5], $0x50, $0x38;
	[tilespmem:$0x1DC80] =	vst v63  }
0x71: {  	_ =	swait.ge [sflag:s19], $0x50  }
0x72: {  	[sflag:s19] =	ssyncset.done $0x0  }
0x73: {  	[sflag:s19] =	ssyncadd.s32 $0xFFFFFFB0  }
0x74: {  	[spmem:s3] =	stream.indirect.scatter.add.f32 [tilespmem:s31], [sflag:$0xD], $0x80, s12, s20, $0xb8;
	[tilespmem:$0x1DC80] =	vst v63  }
0x75: {  	_ =	swait.ge [sflag:s30], $0x2800  }
0x76: {  	s1 =	sld [smem:$0x7EF];
	_ =	sdelay $0x1  }
0x77: {  	[sflag:s30] =	ssyncset.done $0x0  }
0x78: {  	[sflag:s30] =	ssyncadd.s32 $0xFFFFD800;
	s29 =	sadd.s32 $0x0, s1  }
0x79: {  	[tilespmem:s21], [sflag:$0x8] =	stream.linear.gather [hbm4b:s29+s5], $0x50, $0x38;
	[tilespmem:$0x1DC80] =	vst v63  }
0x7a: {  	_ =	swait.ge [sflag:s22], $0x50  }
0x7b: {  	[sflag:s22] =	ssyncset.done $0x0  }
0x7c: {  	[sflag:s22] =	ssyncadd.s32 $0xFFFFFFB0  }
0x7d: {  	[spmem:s3] =	stream.indirect.scatter.add.f32 [tilespmem:s31], [sflag:$0xE], $0x80, s9, s20, $0xb8;
	[tilespmem:$0x1DC80] =	vst v63  }
0x7e: {  	_ =	swait.ge [sflag:s23], $0x2800  }
0x7f: {  	[sflag:s23] =	ssyncset.done $0x0  }
0x80: {  	s26 =	sadd.s32 $0x0, s28;
	[sflag:s23] =	ssyncadd.s32 $0xFFFFD800  }
0x81: {  	[tilespmem:s12], [sflag:$0x5] =	stream.linear.gather [hbm4b:s26+s5], $0x50, $0x38;
	[tilespmem:$0x1DC80] =	vst v63  }
0x82: {  	_ =	swait.ge [sflag:s24], $0x50  }
0x83: {  	[sflag:s24] =	ssyncset.done $0x0  }
0x84: {  	[sflag:s24] =	ssyncadd.s32 $0xFFFFFFB0  }
0x85: {  	[spmem:s3] =	stream.indirect.scatter.add.f32 [tilespmem:s31], [sflag:$0xF], $0x80, s13, s20, $0xb8;
	[tilespmem:$0x1DC80] =	vst v63  }
0x86: {  	_ =	swait.ge [sflag:s25], $0x2800  }
0x87: {  	[sflag:s25] =	ssyncset.done $0x0  }
0x88: {  	s29 =	sadd.s32 $0x0, s14;
	[sflag:s25] =	ssyncadd.s32 $0xFFFFD800  }
0x89: {  	[tilespmem:s9], [sflag:$0x6] =	stream.linear.gather [hbm4b:s29+s5], $0x50, $0x38;
	[tilespmem:$0x1DC80] =	vst v63  }
0x8a: {  	_ =	swait.ge [sflag:s4], $0x50  }
0x8b: {  	[sflag:s4] =	ssyncset.done $0x0  }
0x8c: {  	s8 =	simm.s32 $0x28;
	[sflag:s4] =	ssyncadd.s32 $0xFFFFFFB0  }
.LBB2_2:
0x8d: {  	s13 =	simm.s32 $0x380;
	s9 =	smov.u32 s8  }
0x8e: {  	[spmem:s3] =	stream.indirect.scatter.add.f32 [tilespmem:s31], [sflag:$0x10], $0x80, s13, s20, $0xb8;
	[tilespmem:$0x1DC80] =	vst v63  }
0x8f: {  	p5 =	sne.s32 s8, $0x460;
	s8 =	sadd.s32 $0x28, s8;
	_ =	swait.ge [sflag:s17], $0x2800  }
0x90: {  	[sflag:s17] =	ssyncset.done $0x0  }
0x91: {  	s21 =	simm.s32 $0x300;
	s12 =	sadd.s32 s9, s15;
	[sflag:s17] =	ssyncadd.s32 $0xFFFFD800  }
0x92: {  	[tilespmem:s21], [sflag:$0x7] =	stream.linear.gather [hbm4b:s12+s5], $0x50, $0x38;
	[tilespmem:$0x1DC80] =	vst v63  }
0x93: {  	_ =	swait.ge [sflag:s19], $0x50  }
0x94: {  	[sflag:s19] =	ssyncset.done $0x0  }
0x95: {  	s29 =	simm.s32 $0x200;
	[sflag:s19] =	ssyncadd.s32 $0xFFFFFFB0  }
0x96: {  	[spmem:s3] =	stream.indirect.scatter.add.f32 [tilespmem:s31], [sflag:$0xD], $0x80, s29, s20, $0xb8;
	[tilespmem:$0x1DC80] =	vst v63  }
0x97: {  	_ =	swait.ge [sflag:s30], $0x2800  }
0x98: {  	[sflag:s30] =	ssyncset.done $0x0  }
0x99: {  	s12 =	sadd.s32 s9, s1;
	[sflag:s30] =	ssyncadd.s32 $0xFFFFD800  }
0x9a: {  	[tilespmem:s13], [sflag:$0x8] =	stream.linear.gather [hbm4b:s12+s5], $0x50, $0x38;
	[tilespmem:$0x1DC80] =	vst v63  }
0x9b: {  	_ =	swait.ge [sflag:s22], $0x50  }
0x9c: {  	[sflag:s22] =	ssyncset.done $0x0  }
0x9d: {  	s13 =	simm.s32 $0x280;
	[sflag:s22] =	ssyncadd.s32 $0xFFFFFFB0  }
0x9e: {  	[spmem:s3] =	stream.indirect.scatter.add.f32 [tilespmem:s31], [sflag:$0xE], $0x80, s13, s20, $0xb8;
	[tilespmem:$0x1DC80] =	vst v63  }
0x9f: {  	_ =	swait.ge [sflag:s23], $0x2800  }
0xa0: {  	[sflag:s23] =	ssyncset.done $0x0  }
0xa1: {  	s12 =	sadd.s32 s9, s28;
	[sflag:s23] =	ssyncadd.s32 $0xFFFFD800  }
0xa2: {  	[tilespmem:s29], [sflag:$0x5] =	stream.linear.gather [hbm4b:s12+s5], $0x50, $0x38;
	[tilespmem:$0x1DC80] =	vst v63  }
0xa3: {  	_ =	swait.ge [sflag:s24], $0x50  }
0xa4: {  	[sflag:s24] =	ssyncset.done $0x0  }
0xa5: {  	[sflag:s24] =	ssyncadd.s32 $0xFFFFFFB0  }
0xa6: {  	[spmem:s3] =	stream.indirect.scatter.add.f32 [tilespmem:s31], [sflag:$0xF], $0x80, s21, s20, $0xb8;
	[tilespmem:$0x1DC80] =	vst v63  }
0xa7: {  	_ =	swait.ge [sflag:s25], $0x2800  }
0xa8: {  	[sflag:s25] =	ssyncset.done $0x0  }
.Ltmp0:
0xa9: {  	s9 =	sadd.s32 s9, s14;
	[sflag:s25] =	ssyncadd.s32 $0xFFFFD800;
	(pc) =	sbr.rel @p5 .LBB2_2-.Ltmp0, $4  }
0xaa: {  	[tilespmem:s13], [sflag:$0x6] =	stream.linear.gather [hbm4b:s9+s5], $0x50, $0x38;
	[tilespmem:$0x1DC80] =	vst v63  }
0xab: {  	_ =	swait.ge [sflag:s4], $0x50  }
0xac: {  	[sflag:s4] =	ssyncset.done $0x0  }
0xad: {  	[sflag:s4] =	ssyncadd.s32 $0xFFFFFFB0  }
0xae: {  	s14 =	simm.s32 $0x380  }
0xaf: {  	[spmem:s3] =	stream.indirect.scatter.add.f32 [tilespmem:s31], [sflag:$0x10], $0x80, s14, s20, $0xb8;
	[tilespmem:$0x1DC80] =	vst v63  }
0xb0: {  	_ =	swait.ge [sflag:s17], $0x2800  }
0xb1: {  	s1 =	sld [smem:$0x7F7]  }
0xb2: {  	[sflag:s17] =	ssyncset.done $0x0  }
0xb3: {  	s13 =	simm.s32 $0x300;
	[sflag:s17] =	ssyncadd.s32 $0xFFFFD800  }
0xb4: {  	[tilespmem:s13], [sflag:$0x7] =	stream.linear.gather [hbm4b:s1+s5], $0x50, $0x38;
	[tilespmem:$0x1DC80] =	vst v63  }
0xb5: {  	_ =	swait.ge [sflag:s19], $0x50  }
0xb6: {  	[sflag:s19] =	ssyncset.done $0x0  }
0xb7: {  	s15 =	simm.s32 $0x200;
	[sflag:s19] =	ssyncadd.s32 $0xFFFFFFB0  }
0xb8: {  	[spmem:s3] =	stream.indirect.scatter.add.f32 [tilespmem:s31], [sflag:$0xD], $0x80, s15, s20, $0xb8;
	[tilespmem:$0x1DC80] =	vst v63  }
0xb9: {  	_ =	swait.ge [sflag:s30], $0x2800  }
0xba: {  	s8 =	sld [smem:$0x7F8]  }
0xbb: {  	[sflag:s30] =	ssyncset.done $0x0  }
0xbc: {  	[sflag:s30] =	ssyncadd.s32 $0xFFFFD800  }
0xbd: {  	[tilespmem:s14], [sflag:$0x8] =	stream.linear.gather [hbm4b:s8+s5], $0x50, $0x38;
	[tilespmem:$0x1DC80] =	vst v63  }
0xbe: {  	_ =	swait.ge [sflag:s22], $0x50  }
0xbf: {  	[sflag:s22] =	ssyncset.done $0x0  }
0xc0: {  	s12 =	simm.s32 $0x280;
	[sflag:s22] =	ssyncadd.s32 $0xFFFFFFB0  }
0xc1: {  	[spmem:s3] =	stream.indirect.scatter.add.f32 [tilespmem:s31], [sflag:$0xE], $0x80, s12, s20, $0xb8;
	[tilespmem:$0x1DC80] =	vst v63  }
0xc2: {  	_ =	swait.ge [sflag:s23], $0x2800  }
0xc3: {  	s9 =	sld [smem:$0x7F9]  }
0xc4: {  	[sflag:s23] =	ssyncset.done $0x0  }
0xc5: {  	[sflag:s23] =	ssyncadd.s32 $0xFFFFD800  }
0xc6: {  	[tilespmem:s15], [sflag:$0x5] =	stream.linear.gather [hbm4b:s9+s5], $0x50, $0x38;
	[tilespmem:$0x1DC80] =	vst v63  }
0xc7: {  	_ =	swait.ge [sflag:s24], $0x50  }
0xc8: {  	[sflag:s24] =	ssyncset.done $0x0  }
0xc9: {  	[sflag:s24] =	ssyncadd.s32 $0xFFFFFFB0  }
0xca: {  	[spmem:s3] =	stream.indirect.scatter.add.f32 [tilespmem:s31], [sflag:$0xF], $0x80, s13, s20, $0xb8;
	[tilespmem:$0x1DC80] =	vst v63  }
0xcb: {  	_ =	swait.ge [sflag:s25], $0x2800  }
0xcc: {  	[sflag:s25] =	ssyncset.done $0x0  }
0xcd: {  	[sflag:s25] =	ssyncadd.s32 $0xFFFFD800  }
0xce: {  	_ =	swait.ge [sflag:s4], $0x50  }
0xcf: {  	[sflag:s4] =	ssyncset.done $0x0  }
0xd0: {  	[sflag:s4] =	ssyncadd.s32 $0xFFFFFFB0  }
0xd1: {  	[spmem:s3] =	stream.indirect.scatter.add.f32 [tilespmem:s31], [sflag:$0x10], $0x80, s14, s20, $0xb8;
	[tilespmem:$0x1DC80] =	vst v63  }
0xd2: {  	_ =	swait.ge [sflag:s19], $0x50  }
0xd3: {  	[sflag:s19] =	ssyncset.done $0x0  }
0xd4: {  	[sflag:s19] =	ssyncadd.s32 $0xFFFFFFB0  }
0xd5: {  	[spmem:s3] =	stream.indirect.scatter.add.f32 [tilespmem:s31], [sflag:$0xD], $0x80, s15, s20, $0xb8;
	[tilespmem:$0x1DC80] =	vst v63  }
0xd6: {  	_ =	swait.ge [sflag:s23], $0x2800  }
0xd7: {  	[sflag:s23] =	ssyncset.done $0x0  }
0xd8: {  	[sflag:s23] =	ssyncadd.s32 $0xFFFFD800  }
0xd9: {  	_ =	swait.ge [sflag:s30], $0x2800  }
0xda: {  	[sflag:s30] =	ssyncset.done $0x0  }
0xdb: {  	[sflag:s30] =	ssyncadd.s32 $0xFFFFD800  }
0xdc: {  	_ =	swait.ge [sflag:s17], $0x2800  }
0xdd: {  	[sflag:s17] =	ssyncset.done $0x0  }
0xde: {  	[sflag:s17] =	ssyncadd.s32 $0xFFFFD800  }
0xdf: {  	[bflag:$0x0] =	sbarrier.arrive $0xFFFF  }
0xe0: {  	s9 =	sshrl.u32 @!p1 s11, $0x3;
	s1 =	rddreg [dreg:$0x1e]  }
0xe1: {  	s8 =	simm.s32 @!p1 $0x1FD1;
	[smem:$0x7E2] =	sst s9  }
0xe2: {  	[hbm:s1], [sflag:s8] =	dma.local @!p1 [spmem:s9], $0x2080  }
0xe3: {  	s8 =	simm.s32 @!p1 $0x11  }
0xe4: {  	_ =	swait.ge @!p1 [sflag:s8], $0x2080  }
0xe5: {  	s9 =	sshrl.u32 @!p2 s11, $0x3;
	[sflag:s8] =	ssyncset.done @!p1 $0x0;
	s1 =	rddreg [dreg:$0x1d]  }
0xe6: {  	[smem:$0x7E3] =	sst s9;
	[sflag:s8] =	ssyncadd.s32 @!p1 $0xFFFFDF80;
	s8 =	simm.s32 @!p2 $0x1FD1  }
0xe7: {  	[hbm:s1], [sflag:s8] =	dma.local @!p2 [spmem:s9], $0x2080  }
0xe8: {  	s8 =	simm.s32 @!p2 $0x11  }
0xe9: {  	_ =	swait.ge @!p2 [sflag:s8], $0x2080  }
0xea: {  	s9 =	sshll.u32 @!p3 s7, $0x6;
	[sflag:s8] =	ssyncset.done @!p2 $0x0  }
0xeb: {  	s1 =	rddreg [dreg:$0x18];
	[sflag:s8] =	ssyncadd.s32 @!p2 $0xFFFFDF80;
	s8 =	sor.u32 @!p3 $0x1C11, s9  }
0xec: {  	s9 =	sshrl.u32 @!p3 s16, $0x3;
	[smem:$0x7E4] =	sst s8  }
0xed: {  	[smem:$0x7E5] =	sst s9  }
0xee: {  	[hbm:s1], [sflag:s8] =	dma.local @!p3 [spmem:s9], $0x2780  }
0xef: {  	s8 =	simm.s32 @!p3 $0x11  }
0xf0: {  	s9 =	sshll.u32 @!p4 s7, $0x6;
	_ =	swait.ge @!p3 [sflag:s8], $0x2780  }
0xf1: {  	s7 =	sor.u32 @!p4 $0x1C11, s9;
	[sflag:s8] =	ssyncset.done @!p3 $0x0;
	s1 =	rddreg [dreg:$0x15]  }
0xf2: {  	[smem:$0x7E6] =	sst s7;
	[sflag:s8] =	ssyncadd.s32 @!p3 $0xFFFFD880;
	s8 =	sshrl.u32 @!p4 s16, $0x3  }
0xf3: {  	[smem:$0x7E7] =	sst s8  }
0xf4: {  	[hbm:s1], [sflag:s7] =	dma.local @!p4 [spmem:s8], $0x2780  }
0xf5: {  	s8 =	simm.s32 @!p4 $0x11  }
0xf6: {  	_ =	swait.ge @!p4 [sflag:s8], $0x2780  }
0xf7: {  	[sflag:s8] =	ssyncset.done @!p4 $0x0  }
0xf8: {  	[sflag:s8] =	ssyncadd.s32 @!p4 $0xFFFFD880  }
0xf9: {  	[bflag:$0x0] =	sbarrier.arrive $0xFFFF  }
0xfa: {  	s16 =	simm.s32 $0x0;
	s17 =	rddreg [dreg:$0x11]  }
0xfb: {  	[tilespmem:s15], [sflag:$0x5] =	stream.linear.gather [hbm4b:s17+s16], $0x50, $0x38;
	[tilespmem:$0x1DC80] =	vst v63  }
0xfc: {  	p0 =	por $0x1, $0x1;
	s21 =	rddreg [dreg:$0x12]  }
0xfd: {  	[tilespmem:s31], [sflag:$0x9] =	stream.linear.gather [hbm4b:s21+s16], $0x2800, $0x38;
	[tilespmem:$0x1DC80] =	vst v63  }
0xfe: {  	p0 =	por p0, p0;
	s26 =	rddreg [dreg:$0x14]  }
0xff: {  	[tilespmem:s12], [sflag:$0x6] =	stream.linear.gather [hbm4b:s26+s16], $0x50, $0x38;
	[tilespmem:$0x1DC80] =	vst v63  }
0x100: {  	s30 =	simm.s32 $0x2C00;
	s8 =	simm.s32 @!p0 $0xF;
	s29 =	rddreg [dreg:$0x13]  }
0x101: {  	[tilespmem:s30], [sflag:$0xA] =	stream.linear.gather [hbm4b:s29+s16], $0x2800, $0x38;
	[tilespmem:$0x1DC80] =	vst v63  }
0x102: {  	_ =	swait.ge @!p0 [sflag:s8], $0x2800  }
0x103: {  	s21 =	sld [smem:$0x7F1]  }
0x104: {  	[sflag:s8] =	ssyncset.done @!p0 $0x0;
	s7 =	rddreg [dreg:$0xb]  }
0x105: {  	[sflag:s8] =	ssyncadd.s32 @!p0 $0xFFFFD800;
	s8 =	sadd.s32 $0x0, s7  }
0x106: {  	[tilespmem:s13], [sflag:$0x7] =	stream.linear.gather [hbm4b:s21+s5], $0x50, $0x38;
	[tilespmem:$0x1DC80] =	vst v63  }
0x107: {  	s16 =	simm.s32 $0x5400;
	s1 =	sadd.s32 $0xA00, s8  }
0x108: {  	[tilespmem:s16], [sflag:$0xB] =	stream.linear.gather [hbm4b:s1+s5], $0x2800, $0x38;
	[tilespmem:$0x1DC80] =	vst v63  }
0x109: {  	_ =	swait.ge [sflag:s19], $0x50  }
0x10a: {  	[sflag:s19] =	ssyncset.done $0x0  }
0x10b: {  	[sflag:s19] =	ssyncadd.s32 $0xFFFFFFB0  }
0x10c: {  	_ =	swait.ge [sflag:s18], $0x2800  }
0x10d: {  	[sflag:s18] =	ssyncset.done $0x0  }
0x10e: {  	s9 =	simm.s32 @!p0 $0x10;
	[sflag:s18] =	ssyncadd.s32 $0xFFFFD800  }
0x10f: {  	[spmem:s3] =	stream.indirect.scatter.add.f32 [tilespmem:s31], [sflag:$0xD], $0x80, s15, s20, $0xb8;
	[tilespmem:$0x1DC80] =	vst v63  }
0x110: {  	_ =	swait.ge @!p0 [sflag:s9], $0x2800  }
0x111: {  	[sflag:s9] =	ssyncset.done @!p0 $0x0  }
0x112: {  	s26 =	rddreg [dreg:$0xd];
	[sflag:s9] =	ssyncadd.s32 @!p0 $0xFFFFD800  }
0x113: {  	[tilespmem:s14], [sflag:$0x8] =	stream.linear.gather [hbm4b:s26+s5], $0x50, $0x38;
	[tilespmem:$0x1DC80] =	vst v63  }
0x114: {  	s11 =	sadd.s32 $0xF00, s8;
	s14 =	simm.s32 $0x7C00  }
0x115: {  	[tilespmem:s14], [sflag:$0xC] =	stream.linear.gather [hbm4b:s11+s5], $0x2800, $0x38;
	[tilespmem:$0x1DC80] =	vst v63  }
0x116: {  	_ =	swait.ge [sflag:s22], $0x50  }
0x117: {  	[sflag:s22] =	ssyncset.done $0x0  }
0x118: {  	[sflag:s22] =	ssyncadd.s32 $0xFFFFFFB0  }
0x119: {  	_ =	swait.ge [sflag:s6], $0x2800  }
0x11a: {  	[sflag:s6] =	ssyncset.done $0x0  }
0x11b: {  	[sflag:s6] =	ssyncadd.s32 $0xFFFFD800  }
0x11c: {  	[spmem:s3] =	stream.indirect.scatter.add.f32 [tilespmem:s30], [sflag:$0xE], $0x80, s12, s20, $0xb8;
	[tilespmem:$0x1DC80] =	vst v63  }
0x11d: {  	_ =	swait.ge [sflag:s23], $0x2800  }
0x11e: {  	s29 =	sld [smem:$0x7F0];
	_ =	sdelay $0x2  }
0x11f: {  	[sflag:s23] =	ssyncset.done $0x0;
	s30 =	sshrl.u32 s29, $0x3  }
0x120: {  	[sflag:s23] =	ssyncadd.s32 $0xFFFFD800;
	[smem:$0x7E8] =	sst s30;
	s1 =	sadd.s32 s10, s30  }
0x121: {  	[tilespmem:s15], [sflag:$0x5] =	stream.linear.gather [hbm4b:s1+s5], $0x50, $0x38;
	[tilespmem:$0x1DC80] =	vst v63  }
0x122: {  	s8 =	sadd.s32 $0x1400, s8;
	[smem:$0x7E9] =	sst s1  }
0x123: {  	[tilespmem:s31], [sflag:$0x9] =	stream.linear.gather [hbm4b:s8+s5], $0x2800, $0x38;
	[tilespmem:$0x1DC80] =	vst v63  }
0x124: {  	_ =	swait.ge [sflag:s24], $0x50  }
0x125: {  	[sflag:s24] =	ssyncset.done $0x0  }
0x126: {  	[sflag:s24] =	ssyncadd.s32 $0xFFFFFFB0  }
0x127: {  	_ =	swait.ge [sflag:s0], $0x2800  }
0x128: {  	[sflag:s0] =	ssyncset.done $0x0  }
0x129: {  	[sflag:s0] =	ssyncadd.s32 $0xFFFFD800  }
0x12a: {  	[spmem:s3] =	stream.indirect.scatter.add.f32 [tilespmem:s16], [sflag:$0xF], $0x80, s13, s20, $0xb8;
	[tilespmem:$0x1DC80] =	vst v63  }
0x12b: {  	p0 =	por $0x0, $0x0;
	_ =	swait.ge [sflag:s25], $0x2800  }
0x12c: {  	s9 =	simm.s32 @!p0 $0x280;
	[sflag:s25] =	ssyncset.done $0x0  }
0x12d: {  	s8 =	simm.s32 @!p0 $0x0;
	s1 =	rddreg [dreg:$0xc];
	[sflag:s25] =	ssyncadd.s32 $0xFFFFD800  }
0x12e: {  	[tilespmem:s9], [sflag:$0x6] =	stream.linear.gather @!p0 [hbm4b:s1+s8], $0x50, $0x38;
	[tilespmem:$0x1DC80] =	vst v63  }
0x12f: {  	s9 =	sadd.s32 @!p0 $0x0, s7  }
0x130: {  	p6 =	por $0x0, $0x0;
	s12 =	simm.s32 @!p0 $0x2C00;
	s9 =	sadd.s32 @!p0 $0x1900, s9  }
0x131: {  	[tilespmem:s12], [sflag:$0xA] =	stream.linear.gather @!p0 [hbm4b:s9+s8], $0x2800, $0x38;
	[tilespmem:$0x1DC80] =	vst v63  }
0x132: {  	p5 =	por p6, p6;
	_ =	swait.ge [sflag:s4], $0x50  }
0x133: {  	s11 =	simm.s32 $0x2C00;
	s14 =	smov.u32 s10;
	[sflag:s4] =	ssyncset.done $0x0  }
0x134: {  	s28 =	sadd.s32 $0x140, s29;
	s15 =	simm.s32 $0x1400;
	[sflag:s4] =	ssyncadd.s32 $0xFFFFFFB0  }
0x135: {  	s16 =	sadd.s32 $0x28, s1;
	s12 =	simm.s32 $0x2800;
	_ =	swait.ge [sflag:s2], $0x2800  }
0x136: {  	s8 =	sadd.s32 $0x28, s26;
	s9 =	sadd.s32 $0x28, s21;
	[sflag:s2] =	ssyncset.done $0x0  }
.LBB2_4:
0x137: {  	s10 =	simm.s32 @!p5 $0xF  }
0x138: {  	[sflag:s2] =	ssyncadd.s32 $0xFFFFD800;
	s30 =	simm.s32 $0x380;
	s26 =	simm.s32 $0x7C00  }
0x139: {  	[spmem:s3] =	stream.indirect.scatter.add.f32 [tilespmem:s26], [sflag:$0x10], $0x80, s30, s20, $0xb8;
	[tilespmem:$0x1DC80] =	vst v63  }
0x13a: {  	_ =	swait.ge @!p5 [sflag:s10], $0x2800  }
0x13b: {  	[sflag:s10] =	ssyncset.done @!p5 $0x0  }
0x13c: {  	s21 =	simm.s32 $0x300;
	[sflag:s10] =	ssyncadd.s32 @!p5 $0xFFFFD800;
	s10 =	sadd.s32 s15, s7  }
0x13d: {  	[tilespmem:s21], [sflag:$0x7] =	stream.linear.gather [hbm4b:s9+s5], $0x50, $0x38;
	[tilespmem:$0x1DC80] =	vst v63  }
0x13e: {  	s29 =	simm.s32 $0x5400;
	s1 =	sadd.s32 $0xA00, s10  }
0x13f: {  	[tilespmem:s29], [sflag:$0xB] =	stream.linear.gather [hbm4b:s1+s5], $0x2800, $0x38;
	[tilespmem:$0x1DC80] =	vst v63  }
0x140: {  	_ =	swait.ge [sflag:s19], $0x50  }
0x141: {  	[sflag:s19] =	ssyncset.done $0x0  }
0x142: {  	[sflag:s19] =	ssyncadd.s32 $0xFFFFFFB0  }
0x143: {  	_ =	swait.ge [sflag:s18], $0x2800  }
0x144: {  	[sflag:s18] =	ssyncset.done $0x0  }
0x145: {  	s13 =	simm.s32 $0x200;
	s1 =	simm.s32 @!p5 $0x10;
	[sflag:s18] =	ssyncadd.s32 $0xFFFFD800  }
0x146: {  	[spmem:s3] =	stream.indirect.scatter.add.f32 [tilespmem:s31], [sflag:$0xD], $0x80, s13, s20, $0xb8;
	[tilespmem:$0x1DC80] =	vst v63  }
0x147: {  	_ =	swait.ge @!p5 [sflag:s1], $0x2800  }
0x148: {  	[sflag:s1] =	ssyncset.done @!p5 $0x0  }
0x149: {  	[sflag:s1] =	ssyncadd.s32 @!p5 $0xFFFFD800  }
0x14a: {  	[tilespmem:s30], [sflag:$0x8] =	stream.linear.gather [hbm4b:s8+s5], $0x50, $0x38;
	[tilespmem:$0x1DC80] =	vst v63  }
0x14b: {  	s30 =	sadd.s32 $0xF00, s10  }
0x14c: {  	[tilespmem:s26], [sflag:$0xC] =	stream.linear.gather [hbm4b:s30+s5], $0x2800, $0x38;
	[tilespmem:$0x1DC80] =	vst v63  }
0x14d: {  	_ =	swait.ge [sflag:s22], $0x50  }
0x14e: {  	[sflag:s22] =	ssyncset.done $0x0  }
0x14f: {  	[sflag:s22] =	ssyncadd.s32 $0xFFFFFFB0  }
0x150: {  	_ =	swait.ge [sflag:s6], $0x2800  }
0x151: {  	[sflag:s6] =	ssyncset.done $0x0  }
0x152: {  	s30 =	simm.s32 $0x280;
	[sflag:s6] =	ssyncadd.s32 $0xFFFFD800  }
0x153: {  	[spmem:s3] =	stream.indirect.scatter.add.f32 [tilespmem:s11], [sflag:$0xE], $0x80, s30, s20, $0xb8;
	[tilespmem:$0x1DC80] =	vst v63  }
0x154: {  	_ =	swait.ge [sflag:s23], $0x2800  }
0x155: {  	s26 =	sshrl.u32 s28, $0x3;
	[sflag:s23] =	ssyncset.done $0x0  }
0x156: {  	s1 =	sadd.s32 s14, s26;
	[sflag:s23] =	ssyncadd.s32 $0xFFFFD800  }
0x157: {  	[tilespmem:s13], [sflag:$0x5] =	stream.linear.gather [hbm4b:s1+s5], $0x50, $0x38;
	[tilespmem:$0x1DC80] =	vst v63  }
0x158: {  	s30 =	sadd.s32 $0x1400, s10  }
0x159: {  	[tilespmem:s31], [sflag:$0x9] =	stream.linear.gather [hbm4b:s30+s5], $0x2800, $0x38;
	[tilespmem:$0x1DC80] =	vst v63  }
0x15a: {  	_ =	swait.ge [sflag:s24], $0x50  }
0x15b: {  	[sflag:s24] =	ssyncset.done $0x0  }
0x15c: {  	[sflag:s24] =	ssyncadd.s32 $0xFFFFFFB0  }
0x15d: {  	_ =	swait.ge [sflag:s0], $0x2800  }
0x15e: {  	[sflag:s0] =	ssyncset.done $0x0  }
0x15f: {  	[sflag:s0] =	ssyncadd.s32 $0xFFFFD800  }
0x160: {  	[spmem:s3] =	stream.indirect.scatter.add.f32 [tilespmem:s29], [sflag:$0xF], $0x80, s21, s20, $0xb8;
	[tilespmem:$0x1DC80] =	vst v63  }
0x161: {  	p0 =	seq.s32 s12, $0x0;
	_ =	swait.ge [sflag:s25], $0x2800  }
0x162: {  	p5 =	por p0, p0;
	p0 =	seq.s32 s15, $0x25800;
	[sflag:s25] =	ssyncset.done $0x0  }
0x163: {  	s10 =	simm.s32 @!p0 $0x280;
	s1 =	simm.s32 @!p0 $0x0;
	[sflag:s25] =	ssyncadd.s32 $0xFFFFD800  }
0x164: {  	[tilespmem:s10], [sflag:$0x6] =	stream.linear.gather @!p0 [hbm4b:s16+s1], $0x50, $0x38;
	[tilespmem:$0x1DC80] =	vst v63  }
0x165: {  	s17 =	smov.u32 s12;
	s12 =	sadd.s32 $0x1400, s12;
	s10 =	sadd.s32 @!p0 s15, s7  }
0x166: {  	p6 =	sne.s32 s12, $0x26C00;
	s7 =	simm.s32 @!p0 $0x2C00;
	s10 =	sadd.s32 @!p0 $0x1900, s10  }
0x167: {  	[tilespmem:s7], [sflag:$0xA] =	stream.linear.gather @!p0 [hbm4b:s10+s1], $0x2800, $0x38;
	[tilespmem:$0x1DC80] =	vst v63  }
.Ltmp1:
0x168: {  	s7 =	rddreg [dreg:$0xb];
	_ =	swait.ge [sflag:s4], $0x50;
	(pc) =	sbr.rel @p6 .LBB2_4-.Ltmp1, $4  }
0x169: {  	[sflag:s4] =	ssyncset.done $0x0  }
0x16a: {  	s9 =	sadd.s32 $0x28, s9;
	[sflag:s4] =	ssyncadd.s32 $0xFFFFFFB0  }
0x16b: {  	s8 =	sadd.s32 $0x28, s8;
	s28 =	sadd.s32 $0x140, s28;
	_ =	swait.ge [sflag:s2], $0x2800  }
0x16c: {  	s15 =	smov.u32 s17;
	s16 =	sadd.s32 $0x28, s16;
	[sflag:s2] =	ssyncset.done $0x0  }
0x16d: {  	s1 =	simm.s32 @!p5 $0xF  }
0x16e: {  	[sflag:s2] =	ssyncadd.s32 $0xFFFFD800;
	s12 =	simm.s32 $0x380;
	s30 =	simm.s32 $0x7C00  }
0x16f: {  	[spmem:s3] =	stream.indirect.scatter.add.f32 [tilespmem:s30], [sflag:$0x10], $0x80, s12, s20, $0xb8;
	[tilespmem:$0x1DC80] =	vst v63  }
0x170: {  	_ =	swait.ge @!p5 [sflag:s1], $0x2800  }
0x171: {  	[sflag:s1] =	ssyncset.done @!p5 $0x0  }
0x172: {  	s17 =	sadd.s32 s15, s7;
	s13 =	simm.s32 $0x300;
	[sflag:s1] =	ssyncadd.s32 @!p5 $0xFFFFD800  }
0x173: {  	[tilespmem:s13], [sflag:$0x7] =	stream.linear.gather [hbm4b:s9+s5], $0x50, $0x38;
	[tilespmem:$0x1DC80] =	vst v63  }
0x174: {  	s29 =	simm.s32 $0x5400;
	s26 =	sadd.s32 $0xA00, s17  }
0x175: {  	[tilespmem:s29], [sflag:$0xB] =	stream.linear.gather [hbm4b:s26+s5], $0x2800, $0x38;
	[tilespmem:$0x1DC80] =	vst v63  }
0x176: {  	_ =	swait.ge [sflag:s19], $0x50  }
0x177: {  	[sflag:s19] =	ssyncset.done $0x0  }
0x178: {  	[sflag:s19] =	ssyncadd.s32 $0xFFFFFFB0  }
0x179: {  	_ =	swait.ge [sflag:s18], $0x2800  }
0x17a: {  	s21 =	simm.s32 $0x200;
	[sflag:s18] =	ssyncset.done $0x0  }
0x17b: {  	s9 =	smov.u32 s7;
	s7 =	simm.s32 @!p5 $0x10;
	[sflag:s18] =	ssyncadd.s32 $0xFFFFD800  }
0x17c: {  	[spmem:s3] =	stream.indirect.scatter.add.f32 [tilespmem:s31], [sflag:$0xD], $0x80, s21, s20, $0xb8;
	[tilespmem:$0x1DC80] =	vst v63  }
0x17d: {  	_ =	swait.ge @!p5 [sflag:s7], $0x2800  }
0x17e: {  	[sflag:s7] =	ssyncset.done @!p5 $0x0  }
0x17f: {  	[sflag:s7] =	ssyncadd.s32 @!p5 $0xFFFFD800  }
0x180: {  	[tilespmem:s12], [sflag:$0x8] =	stream.linear.gather [hbm4b:s8+s5], $0x50, $0x38;
	[tilespmem:$0x1DC80] =	vst v63  }
0x181: {  	s10 =	sadd.s32 $0xF00, s17  }
0x182: {  	[tilespmem:s30], [sflag:$0xC] =	stream.linear.gather [hbm4b:s10+s5], $0x2800, $0x38;
	[tilespmem:$0x1DC80] =	vst v63  }
0x183: {  	_ =	swait.ge [sflag:s22], $0x50  }
0x184: {  	[sflag:s22] =	ssyncset.done $0x0  }
0x185: {  	[sflag:s22] =	ssyncadd.s32 $0xFFFFFFB0  }
0x186: {  	_ =	swait.ge [sflag:s6], $0x2800  }
0x187: {  	[sflag:s6] =	ssyncset.done $0x0  }
0x188: {  	s26 =	simm.s32 $0x2C00;
	s10 =	simm.s32 $0x280;
	[sflag:s6] =	ssyncadd.s32 $0xFFFFD800  }
0x189: {  	[spmem:s3] =	stream.indirect.scatter.add.f32 [tilespmem:s26], [sflag:$0xE], $0x80, s10, s20, $0xb8;
	[tilespmem:$0x1DC80] =	vst v63  }
0x18a: {  	_ =	swait.ge [sflag:s23], $0x2800  }
0x18b: {  	s11 =	sshrl.u32 s28, $0x3;
	[sflag:s23] =	ssyncset.done $0x0  }
0x18c: {  	s7 =	sadd.s32 s14, s11;
	[sflag:s23] =	ssyncadd.s32 $0xFFFFD800  }
0x18d: {  	[tilespmem:s21], [sflag:$0x5] =	stream.linear.gather [hbm4b:s7+s5], $0x50, $0x38;
	[tilespmem:$0x1DC80] =	vst v63  }
0x18e: {  	s1 =	sadd.s32 $0x1400, s17  }
0x18f: {  	[tilespmem:s31], [sflag:$0x9] =	stream.linear.gather [hbm4b:s1+s5], $0x2800, $0x38;
	[tilespmem:$0x1DC80] =	vst v63  }
0x190: {  	_ =	swait.ge [sflag:s24], $0x50  }
0x191: {  	[sflag:s24] =	ssyncset.done $0x0  }
0x192: {  	[sflag:s24] =	ssyncadd.s32 $0xFFFFFFB0  }
0x193: {  	_ =	swait.ge [sflag:s0], $0x2800  }
0x194: {  	[sflag:s0] =	ssyncset.done $0x0  }
0x195: {  	[sflag:s0] =	ssyncadd.s32 $0xFFFFD800  }
0x196: {  	[spmem:s3] =	stream.indirect.scatter.add.f32 [tilespmem:s29], [sflag:$0xF], $0x80, s13, s20, $0xb8;
	[tilespmem:$0x1DC80] =	vst v63  }
0x197: {  	_ =	swait.ge [sflag:s25], $0x2800  }
0x198: {  	p0 =	seq.s32 s15, $0x25800;
	[sflag:s25] =	ssyncset.done $0x0  }
0x199: {  	s7 =	simm.s32 @!p0 $0x280;
	s1 =	simm.s32 @!p0 $0x0;
	[sflag:s25] =	ssyncadd.s32 $0xFFFFD800  }
0x19a: {  	[tilespmem:s7], [sflag:$0x6] =	stream.linear.gather @!p0 [hbm4b:s16+s1], $0x50, $0x38;
	[tilespmem:$0x1DC80] =	vst v63  }
0x19b: {  	s7 =	sadd.s32 @!p0 s15, s9  }
0x19c: {  	s8 =	simm.s32 @!p0 $0x2C00;
	s7 =	sadd.s32 @!p0 $0x1900, s7  }
0x19d: {  	[tilespmem:s8], [sflag:$0xA] =	stream.linear.gather @!p0 [hbm4b:s7+s1], $0x2800, $0x38;
	[tilespmem:$0x1DC80] =	vst v63  }
0x19e: {  	_ =	swait.ge [sflag:s4], $0x50  }
0x19f: {  	[sflag:s4] =	ssyncset.done $0x0  }
0x1a0: {  	[sflag:s4] =	ssyncadd.s32 $0xFFFFFFB0  }
0x1a1: {  	_ =	swait.ge [sflag:s2], $0x2800  }
0x1a2: {  	[sflag:s2] =	ssyncset.done $0x0  }
0x1a3: {  	[sflag:s2] =	ssyncadd.s32 $0xFFFFD800  }
0x1a4: {  	[spmem:s3] =	stream.indirect.scatter.add.f32 [tilespmem:s30], [sflag:$0x10], $0x80, s12, s20, $0xb8;
	[tilespmem:$0x1DC80] =	vst v63  }
0x1a5: {  	_ =	swait.ge [sflag:s19], $0x50  }
0x1a6: {  	[sflag:s19] =	ssyncset.done $0x0  }
0x1a7: {  	[sflag:s19] =	ssyncadd.s32 $0xFFFFFFB0  }
0x1a8: {  	_ =	swait.ge [sflag:s18], $0x2800  }
0x1a9: {  	[sflag:s18] =	ssyncset.done $0x0  }
0x1aa: {  	[sflag:s18] =	ssyncadd.s32 $0xFFFFD800  }
0x1ab: {  	[spmem:s3] =	stream.indirect.scatter.add.f32 [tilespmem:s31], [sflag:$0xD], $0x80, s21, s20, $0xb8;
	[tilespmem:$0x1DC80] =	vst v63  }
0x1ac: {  	_ =	swait.ge [sflag:s23], $0x2800  }
0x1ad: {  	[sflag:s23] =	ssyncset.done $0x0  }
0x1ae: {  	s16 =	simm.s32 $0x10;
	[sflag:s23] =	ssyncadd.s32 $0xFFFFD800  }
0x1af: {  	_ =	swait.ge [sflag:s16], $0x2800  }
0x1b0: {  	[sflag:s16] =	ssyncset.done $0x0  }
0x1b1: {  	s17 =	simm.s32 $0xF;
	[sflag:s16] =	ssyncadd.s32 $0xFFFFD800  }
0x1b2: {  	_ =	swait.ge [sflag:s17], $0x2800  }
0x1b3: {  	[sflag:s17] =	ssyncset.done $0x0  }
0x1b4: {  	[sflag:s17] =	ssyncadd.s32 $0xFFFFD800  }
0x1b5: {  	[bflag:$0x0] =	sbarrier.arrive $0xFFFF  }
0x1b6: {  	s7 =	sld [smem:$0x7EB]  }
0x1b7: {  	s0 =	sld [smem:$0x7E2];
	_ =	sdelay $0x1  }
0x1b8: {  	s1 =	simm.s32 @!p1 $0x1FD1  }
0x1b9: {  	[hbm:s7], [sflag:s1] =	dma.local @!p1 [spmem:s0], $0x2080  }
0x1ba: {  	s1 =	simm.s32 @!p1 $0x11  }
0x1bb: {  	_ =	swait.ge @!p1 [sflag:s1], $0x2080  }
0x1bc: {  	s0 =	sld [smem:$0x7E3]  }
0x1bd: {  	[sflag:s1] =	ssyncset.done @!p1 $0x0  }
0x1be: {  	s7 =	rddreg [dreg:$0x1f];
	[sflag:s1] =	ssyncadd.s32 @!p1 $0xFFFFDF80;
	s1 =	simm.s32 @!p2 $0x1FD1  }
0x1bf: {  	[hbm:s7], [sflag:s1] =	dma.local @!p2 [spmem:s0], $0x2080  }
0x1c0: {  	s1 =	simm.s32 @!p2 $0x11  }
0x1c1: {  	_ =	swait.ge @!p2 [sflag:s1], $0x2080  }
0x1c2: {  	s0 =	sld [smem:$0x7E4]  }
0x1c3: {  	s2 =	sld [smem:$0x7E5]  }
0x1c4: {  	[sflag:s1] =	ssyncset.done @!p2 $0x0  }
0x1c5: {  	[sflag:s1] =	ssyncadd.s32 @!p2 $0xFFFFDF80;
	s1 =	rddreg [dreg:$0x1a]  }
0x1c6: {  	[hbm:s1], [sflag:s0] =	dma.local @!p3 [spmem:s2], $0x2780  }
0x1c7: {  	s1 =	simm.s32 @!p3 $0x11  }
0x1c8: {  	_ =	swait.ge @!p3 [sflag:s1], $0x2780  }
0x1c9: {  	s0 =	sld [smem:$0x7E6]  }
0x1ca: {  	s2 =	sld [smem:$0x7E7]  }
0x1cb: {  	[sflag:s1] =	ssyncset.done @!p3 $0x0  }
0x1cc: {  	[sflag:s1] =	ssyncadd.s32 @!p3 $0xFFFFD880;
	s1 =	rddreg [dreg:$0x19]  }
0x1cd: {  	[hbm:s1], [sflag:s0] =	dma.local @!p4 [spmem:s2], $0x2780  }
0x1ce: {  	s1 =	simm.s32 @!p4 $0x11  }
0x1cf: {  	_ =	swait.ge @!p4 [sflag:s1], $0x2780  }
0x1d0: {  	[sflag:s1] =	ssyncset.done @!p4 $0x0  }
0x1d1: {  	[sflag:s1] =	ssyncadd.s32 @!p4 $0xFFFFD880  }
0x1d2: {  	[bflag:$0x0] =	sbarrier.arrive $0xFFFF  }
0x1d3: {  	s0 =	simm.s32 $0x0;
	s2 =	rddreg [dreg:$0x11]  }
0x1d4: {  	[tilespmem:s21], [sflag:$0x5] =	stream.linear.gather [hbm4b:s2+s0], $0x50, $0x38;
	[tilespmem:$0x1DC80] =	vst v63  }
0x1d5: {  	s6 =	rddreg [dreg:$0x16]  }
0x1d6: {  	[tilespmem:s0], [sflag:$0x1] =	stream.linear.gather [hbm4b:s6+s0], $0x50, $0x38;
	[tilespmem:$0x1DC80] =	vst v63  }
0x1d7: {  	s8 =	rddreg [dreg:$0x14]  }
0x1d8: {  	[tilespmem:s10], [sflag:$0x6] =	stream.linear.gather [hbm4b:s8+s0], $0x50, $0x38;
	[tilespmem:$0x1DC80] =	vst v63  }
0x1d9: {  	s11 =	simm.s32 $0x80;
	s15 =	simm.s32 $0x1;
	s9 =	rddreg [dreg:$0x17]  }
0x1da: {  	[tilespmem:s11], [sflag:$0x2] =	stream.linear.gather [hbm4b:s9+s0], $0x50, $0x38;
	[tilespmem:$0x1DC80] =	vst v63  }
0x1db: {  	_ =	swait.ge [sflag:s15], $0x50  }
0x1dc: {  	[sflag:s15] =	ssyncset.done $0x0  }
0x1dd: {  	p0 =	por $0x1, $0x1;
	[sflag:s15] =	ssyncadd.s32 $0xFFFFFFB0  }
0x1de: {  	s1 =	simm.s32 @!p0 $0xF;
	s17 =	rddreg [dreg:$0x2]  }
0x1df: {  	[tilespmem:s31], [sflag:$0x9] =	stream.indirect.gather [hbm4b:s17+s20], $0x80, s0, s20, $0xb8;
	[tilespmem:$0x1DC80] =	vst v63  }
0x1e0: {  	_ =	swait.ge @!p0 [sflag:s1], $0x2800  }
0x1e1: {  	s8 =	sld [smem:$0x7F1];
	_ =	sdelay $0x1  }
0x1e2: {  	[sflag:s1] =	ssyncset.done @!p0 $0x0  }
0x1e3: {  	s2 =	rddreg [dreg:$0x9];
	[sflag:s1] =	ssyncadd.s32 @!p0 $0xFFFFD800;
	s6 =	sadd.s32 $0x0, s8  }
0x1e4: {  	[tilespmem:s13], [sflag:$0x7] =	stream.linear.gather [hbm4b:s6+s5], $0x50, $0x38;
	[tilespmem:$0x1DC80] =	vst v63  }
0x1e5: {  	s16 =	simm.s32 $0x100;
	s7 =	sadd.s32 $0x0, s2;
	s6 =	simm.s32 $0x2  }
0x1e6: {  	[tilespmem:s16], [sflag:$0x3] =	stream.linear.gather [hbm4b:s7+s5], $0x50, $0x38;
	[tilespmem:$0x1DC80] =	vst v63  }
0x1e7: {  	_ =	swait.ge [sflag:s6], $0x50  }
0x1e8: {  	[sflag:s6] =	ssyncset.done $0x0  }
0x1e9: {  	[sflag:s6] =	ssyncadd.s32 $0xFFFFFFB0  }
0x1ea: {  	[tilespmem:s26], [sflag:$0xA] =	stream.indirect.gather [hbm4b:s17+s20], $0x80, s11, s20, $0xb8;
	[tilespmem:$0x1DC80] =	vst v63  }
0x1eb: {  	_ =	swait.ge [sflag:s19], $0x50  }
0x1ec: {  	[sflag:s19] =	ssyncset.done $0x0  }
0x1ed: {  	[sflag:s19] =	ssyncadd.s32 $0xFFFFFFB0  }
0x1ee: {  	_ =	swait.ge [sflag:s18], $0x2800  }
0x1ef: {  	[sflag:s18] =	ssyncset.done $0x0  }
0x1f0: {  	s1 =	simm.s32 @!p0 $0x10;
	[sflag:s18] =	ssyncadd.s32 $0xFFFFD800  }
0x1f1: {  	[spmem:s3] =	stream.indirect.scatter.add.f32 [tilespmem:s31], [sflag:$0xD], $0x80, s21, s20, $0xb8;
	[tilespmem:$0x1DC80] =	vst v63  }
0x1f2: {  	_ =	swait.ge @!p0 [sflag:s1], $0x2800  }
0x1f3: {  	[sflag:s1] =	ssyncset.done @!p0 $0x0;
	s11 =	rddreg [dreg:$0xd]  }
0x1f4: {  	s9 =	rddreg [dreg:$0x8];
	[sflag:s1] =	ssyncadd.s32 @!p0 $0xFFFFD800;
	s1 =	sadd.s32 $0x0, s11  }
0x1f5: {  	[tilespmem:s12], [sflag:$0x8] =	stream.linear.gather [hbm4b:s1+s5], $0x50, $0x38;
	[tilespmem:$0x1DC80] =	vst v63  }
0x1f6: {  	s19 =	simm.s32 $0x180;
	s18 =	sadd.s32 $0x0, s9;
	s11 =	simm.s32 $0x3  }
0x1f7: {  	[tilespmem:s19], [sflag:$0x4] =	stream.linear.gather [hbm4b:s18+s5], $0x50, $0x38;
	[tilespmem:$0x1DC80] =	vst v63  }
0x1f8: {  	_ =	swait.ge [sflag:s11], $0x50  }
0x1f9: {  	[sflag:s11] =	ssyncset.done $0x0  }
0x1fa: {  	[sflag:s11] =	ssyncadd.s32 $0xFFFFFFB0  }
0x1fb: {  	[tilespmem:s29], [sflag:$0xB] =	stream.indirect.gather [hbm4b:s17+s20], $0x80, s16, s20, $0xb8;
	[tilespmem:$0x1DC80] =	vst v63  }
0x1fc: {  	_ =	swait.ge [sflag:s22], $0x50  }
0x1fd: {  	[sflag:s22] =	ssyncset.done $0x0  }
0x1fe: {  	s0 =	simm.s32 $0xA;
	[sflag:s22] =	ssyncadd.s32 $0xFFFFFFB0  }
0x1ff: {  	_ =	swait.ge [sflag:s0], $0x2800  }
0x200: {  	[sflag:s0] =	ssyncset.done $0x0  }
0x201: {  	[sflag:s0] =	ssyncadd.s32 $0xFFFFD800  }
0x202: {  	[spmem:s3] =	stream.indirect.scatter.add.f32 [tilespmem:s26], [sflag:$0xE], $0x80, s10, s20, $0xb8;
	[tilespmem:$0x1DC80] =	vst v63  }
0x203: {  	_ =	swait.ge [sflag:s23], $0x2800  }
0x204: {  	s22 =	sld [smem:$0x7E9]  }
0x205: {  	[sflag:s23] =	ssyncset.done $0x0;
	s26 =	sld [smem:$0x7E8]  }
0x206: {  	s12 =	rddreg [dreg:$0xa];
	[sflag:s23] =	ssyncadd.s32 $0xFFFFD800  }
0x207: {  	[tilespmem:s21], [sflag:$0x5] =	stream.linear.gather [hbm4b:s22+s5], $0x50, $0x38;
	[tilespmem:$0x1DC80] =	vst v63  }
0x208: {  	s1 =	sadd.s32 s12, s26;
	s26 =	simm.s32 $0x4  }
0x209: {  	[tilespmem:s5], [sflag:$0x1] =	stream.linear.gather [hbm4b:s1+s5], $0x50, $0x38;
	[tilespmem:$0x1DC80] =	vst v63  }
0x20a: {  	_ =	swait.ge [sflag:s26], $0x50  }
0x20b: {  	[sflag:s26] =	ssyncset.done $0x0  }
0x20c: {  	[sflag:s26] =	ssyncadd.s32 $0xFFFFFFB0  }
0x20d: {  	[tilespmem:s30], [sflag:$0xC] =	stream.indirect.gather [hbm4b:s17+s20], $0x80, s19, s20, $0xb8;
	[tilespmem:$0x1DC80] =	vst v63  }
0x20e: {  	_ =	swait.ge [sflag:s24], $0x50  }
0x20f: {  	[sflag:s24] =	ssyncset.done $0x0  }
0x210: {  	s2 =	simm.s32 $0xB;
	[sflag:s24] =	ssyncadd.s32 $0xFFFFFFB0  }
0x211: {  	_ =	swait.ge [sflag:s2], $0x2800  }
0x212: {  	[sflag:s2] =	ssyncset.done $0x0  }
0x213: {  	p0 =	por $0x0, $0x0;
	[sflag:s2] =	ssyncadd.s32 $0xFFFFD800  }
0x214: {  	[spmem:s3] =	stream.indirect.scatter.add.f32 [tilespmem:s29], [sflag:$0xF], $0x80, s13, s20, $0xb8;
	[tilespmem:$0x1DC80] =	vst v63  }
0x215: {  	s9 =	simm.s32 @!p0 $0x280;
	s13 =	smov.u32 s8;
	_ =	swait.ge [sflag:s25], $0x2800  }
0x216: {  	s8 =	simm.s32 @!p0 $0x0;
	s1 =	rddreg [dreg:$0xc];
	[sflag:s25] =	ssyncset.done $0x0  }
0x217: {  	s7 =	rddreg [dreg:$0x7];
	s1 =	sadd.s32 @!p0 $0x0, s1;
	[sflag:s25] =	ssyncadd.s32 $0xFFFFD800  }
0x218: {  	[tilespmem:s9], [sflag:$0x6] =	stream.linear.gather @!p0 [hbm4b:s1+s8], $0x50, $0x38;
	[tilespmem:$0x1DC80] =	vst v63  }
0x219: {  	s7 =	sadd.s32 @!p0 $0x0, s7;
	s1 =	simm.s32 @!p0 $0x80  }
0x21a: {  	[tilespmem:s1], [sflag:$0x2] =	stream.linear.gather @!p0 [hbm4b:s7+s8], $0x50, $0x38;
	[tilespmem:$0x1DC80] =	vst v63  }
0x21b: {  	_ =	swait.ge [sflag:s15], $0x50  }
0x21c: {  	[sflag:s15] =	ssyncset.done $0x0  }
0x21d: {  	[sflag:s15] =	ssyncadd.s32 $0xFFFFFFB0  }
0x21e: {  	[tilespmem:s31], [sflag:$0x9] =	stream.indirect.gather [hbm4b:s17+s20], $0x80, s5, s20, $0xb8;
	[tilespmem:$0x1DC80] =	vst v63  }
0x21f: {  	_ =	swait.ge [sflag:s4], $0x50  }
0x220: {  	s30 =	sld [smem:$0x7F0]  }
0x221: {  	s28 =	simm.s32 $0x50;
	p6 =	por $0x0, $0x0  }
0x222: {  	s16 =	simm.s32 $0x28;
	s10 =	smov.u32 s14;
	[sflag:s4] =	ssyncset.done $0x0  }
0x223: {  	s31 =	simm.s32 $0x9;
	[sflag:s4] =	ssyncadd.s32 $0xFFFFFFB0;
	s15 =	sadd.s32 $0x140, s30  }
.LBB2_6:
0x224: {  	s7 =	simm.s32 $0xC  }
0x225: {  	_ =	swait.ge [sflag:s7], $0x2800  }
0x226: {  	s1 =	simm.s32 @!p6 $0xF;
	[sflag:s7] =	ssyncset.done $0x0  }
0x227: {  	s18 =	simm.s32 $0x380;
	s29 =	simm.s32 $0x7C00;
	[sflag:s7] =	ssyncadd.s32 $0xFFFFD800  }
0x228: {  	[spmem:s3] =	stream.indirect.scatter.add.f32 [tilespmem:s29], [sflag:$0x10], $0x80, s18, s20, $0xb8;
	[tilespmem:$0x1DC80] =	vst v63  }
0x229: {  	_ =	swait.ge @!p6 [sflag:s1], $0x2800  }
0x22a: {  	s14 =	sadd.s32 s16, s13;
	[sflag:s1] =	ssyncset.done @!p6 $0x0  }
0x22b: {  	s21 =	simm.s32 $0x300;
	s9 =	rddreg [dreg:$0x9];
	[sflag:s1] =	ssyncadd.s32 @!p6 $0xFFFFD800  }
0x22c: {  	[tilespmem:s21], [sflag:$0x7] =	stream.linear.gather [hbm4b:s14+s5], $0x50, $0x38;
	[tilespmem:$0x1DC80] =	vst v63  }
0x22d: {  	s22 =	simm.s32 $0x100;
	s19 =	sadd.s32 s16, s9  }
0x22e: {  	[tilespmem:s22], [sflag:$0x3] =	stream.linear.gather [hbm4b:s19+s5], $0x50, $0x38;
	[tilespmem:$0x1DC80] =	vst v63  }
0x22f: {  	_ =	swait.ge [sflag:s6], $0x50  }
0x230: {  	s30 =	simm.s32 $0x80;
	[sflag:s6] =	ssyncset.done $0x0  }
0x231: {  	s7 =	simm.s32 $0x5;
	s19 =	simm.s32 $0x2C00;
	[sflag:s6] =	ssyncadd.s32 $0xFFFFFFB0  }
0x232: {  	[tilespmem:s19], [sflag:$0xA] =	stream.indirect.gather [hbm4b:s17+s20], $0x80, s30, s20, $0xb8;
	[tilespmem:$0x1DC80] =	vst v63  }
0x233: {  	_ =	swait.ge [sflag:s7], $0x50  }
0x234: {  	[sflag:s7] =	ssyncset.done $0x0  }
0x235: {  	[sflag:s7] =	ssyncadd.s32 $0xFFFFFFB0  }
0x236: {  	_ =	swait.ge [sflag:s31], $0x2800  }
0x237: {  	s1 =	simm.s32 @!p6 $0x10;
	[sflag:s31] =	ssyncset.done $0x0  }
0x238: {  	s14 =	simm.s32 $0x200;
	s30 =	simm.s32 $0x400;
	[sflag:s31] =	ssyncadd.s32 $0xFFFFD800  }
0x239: {  	[spmem:s3] =	stream.indirect.scatter.add.f32 [tilespmem:s30], [sflag:$0xD], $0x80, s14, s20, $0xb8;
	[tilespmem:$0x1DC80] =	vst v63  }
0x23a: {  	_ =	swait.ge @!p6 [sflag:s1], $0x2800  }
0x23b: {  	s9 =	rddreg [dreg:$0xd];
	[sflag:s1] =	ssyncset.done @!p6 $0x0  }
0x23c: {  	s7 =	sadd.s32 s16, s9;
	s9 =	rddreg [dreg:$0x8];
	[sflag:s1] =	ssyncadd.s32 @!p6 $0xFFFFD800  }
0x23d: {  	[tilespmem:s18], [sflag:$0x8] =	stream.linear.gather [hbm4b:s7+s5], $0x50, $0x38;
	[tilespmem:$0x1DC80] =	vst v63  }
0x23e: {  	s9 =	sadd.s32 s16, s9;
	s18 =	simm.s32 $0x180  }
0x23f: {  	[tilespmem:s18], [sflag:$0x4] =	stream.linear.gather [hbm4b:s9+s5], $0x50, $0x38;
	[tilespmem:$0x1DC80] =	vst v63  }
0x240: {  	_ =	swait.ge [sflag:s11], $0x50  }
0x241: {  	[sflag:s11] =	ssyncset.done $0x0  }
0x242: {  	s7 =	simm.s32 $0x6;
	s9 =	simm.s32 $0x5400;
	[sflag:s11] =	ssyncadd.s32 $0xFFFFFFB0  }
0x243: {  	[tilespmem:s9], [sflag:$0xB] =	stream.indirect.gather [hbm4b:s17+s20], $0x80, s22, s20, $0xb8;
	[tilespmem:$0x1DC80] =	vst v63  }
0x244: {  	_ =	swait.ge [sflag:s7], $0x50  }
0x245: {  	[sflag:s7] =	ssyncset.done $0x0  }
0x246: {  	[sflag:s7] =	ssyncadd.s32 $0xFFFFFFB0  }
0x247: {  	_ =	swait.ge [sflag:s0], $0x2800  }
0x248: {  	[sflag:s0] =	ssyncset.done $0x0  }
0x249: {  	s22 =	simm.s32 $0x280;
	[sflag:s0] =	ssyncadd.s32 $0xFFFFD800  }
0x24a: {  	[spmem:s3] =	stream.indirect.scatter.add.f32 [tilespmem:s19], [sflag:$0xE], $0x80, s22, s20, $0xb8;
	[tilespmem:$0x1DC80] =	vst v63  }
0x24b: {  	_ =	swait.ge [sflag:s23], $0x2800  }
0x24c: {  	s1 =	sshrl.u32 s15, $0x3;
	[sflag:s23] =	ssyncset.done $0x0  }
0x24d: {  	s22 =	sadd.s32 s10, s1;
	[sflag:s23] =	ssyncadd.s32 $0xFFFFD800  }
0x24e: {  	[tilespmem:s14], [sflag:$0x5] =	stream.linear.gather [hbm4b:s22+s5], $0x50, $0x38;
	[tilespmem:$0x1DC80] =	vst v63  }
0x24f: {  	s1 =	sadd.s32 s12, s1  }
0x250: {  	[tilespmem:s5], [sflag:$0x1] =	stream.linear.gather [hbm4b:s1+s5], $0x50, $0x38;
	[tilespmem:$0x1DC80] =	vst v63  }
0x251: {  	_ =	swait.ge [sflag:s26], $0x50  }
0x252: {  	[sflag:s26] =	ssyncset.done $0x0  }
0x253: {  	[sflag:s26] =	ssyncadd.s32 $0xFFFFFFB0  }
0x254: {  	[tilespmem:s29], [sflag:$0xC] =	stream.indirect.gather [hbm4b:s17+s20], $0x80, s18, s20, $0xb8;
	[tilespmem:$0x1DC80] =	vst v63  }
0x255: {  	_ =	swait.ge [sflag:s24], $0x50  }
0x256: {  	[sflag:s24] =	ssyncset.done $0x0  }
0x257: {  	[sflag:s24] =	ssyncadd.s32 $0xFFFFFFB0  }
0x258: {  	_ =	swait.ge [sflag:s2], $0x2800  }
0x259: {  	[sflag:s2] =	ssyncset.done $0x0  }
0x25a: {  	s8 =	smov.u32 s28;
	p0 =	seq.s32 s16, $0x4B0;
	[sflag:s2] =	ssyncadd.s32 $0xFFFFD800  }
0x25b: {  	[spmem:s3] =	stream.indirect.scatter.add.f32 [tilespmem:s9], [sflag:$0xF], $0x80, s21, s20, $0xb8;
	[tilespmem:$0x1DC80] =	vst v63  }
0x25c: {  	s7 =	simm.s32 @!p0 $0x0;
	s29 =	smov.u32 s10;
	_ =	swait.ge [sflag:s25], $0x2800  }
0x25d: {  	s9 =	simm.s32 @!p0 $0x280;
	s1 =	rddreg [dreg:$0xc];
	[sflag:s25] =	ssyncset.done $0x0  }
0x25e: {  	s10 =	rddreg [dreg:$0x7];
	s1 =	sadd.s32 @!p0 s16, s1;
	[sflag:s25] =	ssyncadd.s32 $0xFFFFD800  }
0x25f: {  	[tilespmem:s9], [sflag:$0x6] =	stream.linear.gather @!p0 [hbm4b:s1+s7], $0x50, $0x38;
	[tilespmem:$0x1DC80] =	vst v63  }
0x260: {  	s12 =	simm.s32 @!p0 $0x80;
	s18 =	simm.s32 $0x1;
	s1 =	sadd.s32 @!p0 s16, s10  }
0x261: {  	[tilespmem:s12], [sflag:$0x2] =	stream.linear.gather @!p0 [hbm4b:s1+s7], $0x50, $0x38;
	[tilespmem:$0x1DC80] =	vst v63  }
0x262: {  	s28 =	sadd.s32 $0x28, s28;
	s12 =	rddreg [dreg:$0xa];
	_ =	swait.ge [sflag:s18], $0x50  }
0x263: {  	p5 =	sne.s32 s28, $0x4D8;
	[sflag:s18] =	ssyncset.done $0x0  }
.Ltmp2:
0x264: {  	[sflag:s18] =	ssyncadd.s32 $0xFFFFFFB0;
	(pc) =	sbr.rel @p5 .LBB2_6-.Ltmp2, $4  }
0x265: {  	[tilespmem:s30], [sflag:$0x9] =	stream.indirect.gather [hbm4b:s17+s20], $0x80, s5, s20, $0xb8;
	[tilespmem:$0x1DC80] =	vst v63  }
0x266: {  	_ =	swait.ge [sflag:s4], $0x50  }
0x267: {  	s15 =	sadd.s32 $0x140, s15;
	s16 =	smov.u32 s8;
	[sflag:s4] =	ssyncset.done $0x0  }
0x268: {  	s10 =	smov.u32 s29;
	p6 =	seq.s32 s16, $0x0;
	[sflag:s4] =	ssyncadd.s32 $0xFFFFFFB0  }
0x269: {  	s28 =	simm.s32 $0xC  }
0x26a: {  	_ =	swait.ge [sflag:s28], $0x2800  }
0x26b: {  	s1 =	simm.s32 @!p6 $0xF;
	[sflag:s28] =	ssyncset.done $0x0  }
0x26c: {  	s14 =	simm.s32 $0x380;
	s21 =	simm.s32 $0x7C00;
	[sflag:s28] =	ssyncadd.s32 $0xFFFFD800  }
0x26d: {  	[spmem:s3] =	stream.indirect.scatter.add.f32 [tilespmem:s21], [sflag:$0x10], $0x80, s14, s20, $0xb8;
	[tilespmem:$0x1DC80] =	vst v63  }
0x26e: {  	_ =	swait.ge @!p6 [sflag:s1], $0x2800  }
0x26f: {  	s8 =	sadd.s32 s16, s13;
	[sflag:s1] =	ssyncset.done @!p6 $0x0  }
0x270: {  	s9 =	simm.s32 $0x300;
	s7 =	rddreg [dreg:$0x9];
	[sflag:s1] =	ssyncadd.s32 @!p6 $0xFFFFD800  }
0x271: {  	[tilespmem:s9], [sflag:$0x7] =	stream.linear.gather [hbm4b:s8+s5], $0x50, $0x38;
	[tilespmem:$0x1DC80] =	vst v63  }
0x272: {  	s22 =	simm.s32 $0x100;
	s7 =	sadd.s32 s16, s7  }
0x273: {  	[tilespmem:s22], [sflag:$0x3] =	stream.linear.gather [hbm4b:s7+s5], $0x50, $0x38;
	[tilespmem:$0x1DC80] =	vst v63  }
0x274: {  	_ =	swait.ge [sflag:s6], $0x50  }
0x275: {  	s19 =	simm.s32 $0x2C00;
	[sflag:s6] =	ssyncset.done $0x0  }
0x276: {  	s13 =	simm.s32 $0x5;
	s8 =	simm.s32 $0x80;
	[sflag:s6] =	ssyncadd.s32 $0xFFFFFFB0  }
0x277: {  	[tilespmem:s19], [sflag:$0xA] =	stream.indirect.gather [hbm4b:s17+s20], $0x80, s8, s20, $0xb8;
	[tilespmem:$0x1DC80] =	vst v63  }
0x278: {  	_ =	swait.ge [sflag:s13], $0x50  }
0x279: {  	[sflag:s13] =	ssyncset.done $0x0  }
0x27a: {  	[sflag:s13] =	ssyncadd.s32 $0xFFFFFFB0  }
0x27b: {  	_ =	swait.ge [sflag:s31], $0x2800  }
0x27c: {  	s1 =	simm.s32 @!p6 $0x10;
	[sflag:s31] =	ssyncset.done $0x0  }
0x27d: {  	s6 =	simm.s32 $0x400;
	s13 =	simm.s32 $0x200;
	[sflag:s31] =	ssyncadd.s32 $0xFFFFD800  }
0x27e: {  	[spmem:s3] =	stream.indirect.scatter.add.f32 [tilespmem:s6], [sflag:$0xD], $0x80, s13, s20, $0xb8;
	[tilespmem:$0x1DC80] =	vst v63  }
0x27f: {  	_ =	swait.ge @!p6 [sflag:s1], $0x2800  }
0x280: {  	[sflag:s1] =	ssyncset.done @!p6 $0x0;
	s29 =	rddreg [dreg:$0xd]  }
0x281: {  	s7 =	rddreg [dreg:$0x8];
	s8 =	sadd.s32 s16, s29;
	[sflag:s1] =	ssyncadd.s32 @!p6 $0xFFFFD800  }
0x282: {  	[tilespmem:s14], [sflag:$0x8] =	stream.linear.gather [hbm4b:s8+s5], $0x50, $0x38;
	[tilespmem:$0x1DC80] =	vst v63  }
0x283: {  	s29 =	simm.s32 $0x180;
	s8 =	sadd.s32 s16, s7  }
0x284: {  	[tilespmem:s29], [sflag:$0x4] =	stream.linear.gather [hbm4b:s8+s5], $0x50, $0x38;
	[tilespmem:$0x1DC80] =	vst v63  }
0x285: {  	_ =	swait.ge [sflag:s11], $0x50  }
0x286: {  	[sflag:s11] =	ssyncset.done $0x0  }
0x287: {  	s8 =	simm.s32 $0x5400;
	[sflag:s11] =	ssyncadd.s32 $0xFFFFFFB0  }
0x288: {  	[tilespmem:s8], [sflag:$0xB] =	stream.indirect.gather [hbm4b:s17+s20], $0x80, s22, s20, $0xb8;
	[tilespmem:$0x1DC80] =	vst v63  }
0x289: {  	s22 =	simm.s32 $0x6  }
0x28a: {  	_ =	swait.ge [sflag:s22], $0x50  }
0x28b: {  	[sflag:s22] =	ssyncset.done $0x0  }
0x28c: {  	[sflag:s22] =	ssyncadd.s32 $0xFFFFFFB0  }
0x28d: {  	_ =	swait.ge [sflag:s0], $0x2800  }
0x28e: {  	[sflag:s0] =	ssyncset.done $0x0  }
0x28f: {  	s7 =	simm.s32 $0x280;
	[sflag:s0] =	ssyncadd.s32 $0xFFFFD800  }
0x290: {  	[spmem:s3] =	stream.indirect.scatter.add.f32 [tilespmem:s19], [sflag:$0xE], $0x80, s7, s20, $0xb8;
	[tilespmem:$0x1DC80] =	vst v63  }
0x291: {  	_ =	swait.ge [sflag:s23], $0x2800  }
0x292: {  	s11 =	sshrl.u32 s15, $0x3;
	[sflag:s23] =	ssyncset.done $0x0  }
0x293: {  	s15 =	sadd.s32 s10, s11;
	[sflag:s23] =	ssyncadd.s32 $0xFFFFD800  }
0x294: {  	[tilespmem:s13], [sflag:$0x5] =	stream.linear.gather [hbm4b:s15+s5], $0x50, $0x38;
	[tilespmem:$0x1DC80] =	vst v63  }
0x295: {  	s1 =	sadd.s32 s12, s11  }
0x296: {  	[tilespmem:s5], [sflag:$0x1] =	stream.linear.gather [hbm4b:s1+s5], $0x50, $0x38;
	[tilespmem:$0x1DC80] =	vst v63  }
0x297: {  	_ =	swait.ge [sflag:s26], $0x50  }
0x298: {  	[sflag:s26] =	ssyncset.done $0x0  }
0x299: {  	[sflag:s26] =	ssyncadd.s32 $0xFFFFFFB0  }
0x29a: {  	[tilespmem:s21], [sflag:$0xC] =	stream.indirect.gather [hbm4b:s17+s20], $0x80, s29, s20, $0xb8;
	[tilespmem:$0x1DC80] =	vst v63  }
0x29b: {  	_ =	swait.ge [sflag:s24], $0x50  }
0x29c: {  	[sflag:s24] =	ssyncset.done $0x0  }
0x29d: {  	[sflag:s24] =	ssyncadd.s32 $0xFFFFFFB0  }
0x29e: {  	_ =	swait.ge [sflag:s2], $0x2800  }
0x29f: {  	[sflag:s2] =	ssyncset.done $0x0  }
0x2a0: {  	p0 =	seq.s32 s16, $0x4B0;
	[sflag:s2] =	ssyncadd.s32 $0xFFFFD800  }
0x2a1: {  	[spmem:s3] =	stream.indirect.scatter.add.f32 [tilespmem:s8], [sflag:$0xF], $0x80, s9, s20, $0xb8;
	[tilespmem:$0x1DC80] =	vst v63  }
0x2a2: {  	s8 =	simm.s32 @!p0 $0x0;
	_ =	swait.ge [sflag:s25], $0x2800  }
0x2a3: {  	s9 =	simm.s32 @!p0 $0x280;
	s0 =	rddreg [dreg:$0xc];
	[sflag:s25] =	ssyncset.done $0x0  }
0x2a4: {  	s7 =	rddreg [dreg:$0x7];
	s1 =	sadd.s32 @!p0 s16, s0;
	[sflag:s25] =	ssyncadd.s32 $0xFFFFD800  }
0x2a5: {  	[tilespmem:s9], [sflag:$0x6] =	stream.linear.gather @!p0 [hbm4b:s1+s8], $0x50, $0x38;
	[tilespmem:$0x1DC80] =	vst v63  }
0x2a6: {  	s1 =	sadd.s32 @!p0 s16, s7;
	s7 =	simm.s32 @!p0 $0x80  }
0x2a7: {  	[tilespmem:s7], [sflag:$0x2] =	stream.linear.gather @!p0 [hbm4b:s1+s8], $0x50, $0x38;
	[tilespmem:$0x1DC80] =	vst v63  }
0x2a8: {  	_ =	swait.ge [sflag:s18], $0x50  }
0x2a9: {  	[sflag:s18] =	ssyncset.done $0x0  }
0x2aa: {  	[sflag:s18] =	ssyncadd.s32 $0xFFFFFFB0  }
0x2ab: {  	[tilespmem:s6], [sflag:$0x9] =	stream.indirect.gather [hbm4b:s17+s20], $0x80, s5, s20, $0xb8;
	[tilespmem:$0x1DC80] =	vst v63  }
0x2ac: {  	_ =	swait.ge [sflag:s4], $0x50  }
0x2ad: {  	[sflag:s4] =	ssyncset.done $0x0  }
0x2ae: {  	[sflag:s4] =	ssyncadd.s32 $0xFFFFFFB0  }
0x2af: {  	_ =	swait.ge [sflag:s28], $0x2800  }
0x2b0: {  	[sflag:s28] =	ssyncset.done $0x0  }
0x2b1: {  	s19 =	simm.s32 $0x5;
	[sflag:s28] =	ssyncadd.s32 $0xFFFFD800  }
0x2b2: {  	[spmem:s3] =	stream.indirect.scatter.add.f32 [tilespmem:s21], [sflag:$0x10], $0x80, s14, s20, $0xb8;
	[tilespmem:$0x1DC80] =	vst v63  }
0x2b3: {  	_ =	swait.ge [sflag:s19], $0x50  }
0x2b4: {  	[sflag:s19] =	ssyncset.done $0x0  }
0x2b5: {  	[sflag:s19] =	ssyncadd.s32 $0xFFFFFFB0  }
0x2b6: {  	_ =	swait.ge [sflag:s31], $0x2800  }
0x2b7: {  	[sflag:s31] =	ssyncset.done $0x0  }
0x2b8: {  	[sflag:s31] =	ssyncadd.s32 $0xFFFFD800;
	s31 =	simm.s32 $0x400  }
0x2b9: {  	[spmem:s3] =	stream.indirect.scatter.add.f32 [tilespmem:s31], [sflag:$0xD], $0x80, s13, s20, $0xb8;
	[tilespmem:$0x1DC80] =	vst v63  }
0x2ba: {  	_ =	swait.ge [sflag:s23], $0x2800  }
0x2bb: {  	[sflag:s23] =	ssyncset.done $0x0  }
0x2bc: {  	s30 =	simm.s32 $0x10;
	[sflag:s23] =	ssyncadd.s32 $0xFFFFD800  }
0x2bd: {  	_ =	swait.ge [sflag:s30], $0x2800  }
0x2be: {  	[sflag:s30] =	ssyncset.done $0x0  }
0x2bf: {  	s17 =	simm.s32 $0xF;
	[sflag:s30] =	ssyncadd.s32 $0xFFFFD800  }
0x2c0: {  	_ =	swait.ge [sflag:s17], $0x2800  }
0x2c1: {  	[sflag:s17] =	ssyncset.done $0x0  }
0x2c2: {  	[sflag:s17] =	ssyncadd.s32 $0xFFFFD800  }
0x2c3: {  	[bflag:$0x0] =	sbarrier.arrive $0xFFFF  }
0x2c4: {  	s7 =	sld [smem:$0x7ED]  }
0x2c5: {  	s0 =	sld [smem:$0x7E2];
	_ =	sdelay $0x1  }
0x2c6: {  	s1 =	simm.s32 @!p1 $0x1FD1  }
0x2c7: {  	[hbm:s7], [sflag:s1] =	dma.local @!p1 [spmem:s0], $0x2080  }
0x2c8: {  	s1 =	simm.s32 @!p1 $0x11  }
0x2c9: {  	_ =	swait.ge @!p1 [sflag:s1], $0x2080  }
0x2ca: {  	s7 =	sld [smem:$0x7EC]  }
0x2cb: {  	s0 =	sld [smem:$0x7E3]  }
0x2cc: {  	[sflag:s1] =	ssyncset.done @!p1 $0x0  }
0x2cd: {  	[sflag:s1] =	ssyncadd.s32 @!p1 $0xFFFFDF80;
	s1 =	simm.s32 @!p2 $0x1FD1  }
0x2ce: {  	[hbm:s7], [sflag:s1] =	dma.local @!p2 [spmem:s0], $0x2080  }
0x2cf: {  	s1 =	simm.s32 @!p2 $0x11  }
0x2d0: {  	_ =	swait.ge @!p2 [sflag:s1], $0x2080  }
0x2d1: {  	s0 =	sld [smem:$0x7E4]  }
0x2d2: {  	s2 =	sld [smem:$0x7E5]  }
0x2d3: {  	[sflag:s1] =	ssyncset.done @!p2 $0x0  }
0x2d4: {  	[sflag:s1] =	ssyncadd.s32 @!p2 $0xFFFFDF80;
	s1 =	rddreg [dreg:$0x1c]  }
0x2d5: {  	[hbm:s1], [sflag:s0] =	dma.local @!p3 [spmem:s2], $0x2780  }
0x2d6: {  	s1 =	simm.s32 @!p3 $0x11  }
0x2d7: {  	_ =	swait.ge @!p3 [sflag:s1], $0x2780  }
0x2d8: {  	s0 =	sld [smem:$0x7E6]  }
0x2d9: {  	s2 =	sld [smem:$0x7E7]  }
0x2da: {  	[sflag:s1] =	ssyncset.done @!p3 $0x0  }
0x2db: {  	[sflag:s1] =	ssyncadd.s32 @!p3 $0xFFFFD880;
	s1 =	rddreg [dreg:$0x1b]  }
0x2dc: {  	[hbm:s1], [sflag:s0] =	dma.local @!p4 [spmem:s2], $0x2780  }
0x2dd: {  	s1 =	simm.s32 @!p4 $0x11  }
0x2de: {  	_ =	swait.ge @!p4 [sflag:s1], $0x2780  }
0x2df: {  	s26 =	sld [smem:$0x7EA]  }
0x2e0: {  	s29 =	sld [smem:$0x7EE];
	_ =	sdelay $0x1  }
0x2e1: {  	s8 =	sadd.s32 $0x1, s26  }
0x2e2: {  	p0 =	sne.s32 s8, s29  }
.Ltmp3:
0x2e3: {  	s16 =	rddreg [dreg:$0xe];
	(pc) =	sbr.rel @p0 .LBB2_1-.Ltmp3, $4  }
0x2e4: {  	s18 =	simm.s32 $0x9;
	s14 =	sld [smem:$0x7FA]  }
0x2e5: {  	s6 =	simm.s32 $0xA;
	s7 =	stileid.u32;
	s28 =	sld [smem:$0x7FB]  }
0x2e6: {  	s0 =	simm.s32 $0xB;
	[sflag:s1] =	ssyncset.done @!p4 $0x0;
	s15 =	sld [smem:$0x7FC]  }
0x2e7: {  	s2 =	simm.s32 $0xC;
	s11 =	sld [smem:$0x7FD];
	[sflag:s1] =	ssyncadd.s32 @!p4 $0xFFFFD880  }
0x2e8: {  	_ =	sfence.sel $0x180000  }
0x2e9: {  	[bflag:$0x0] =	sbarrier.arrive $0xFFFF  }
0x2ea: {  	_ =	strace $0x90000047  }
0x2eb: {  	[bflag:$0x2] =	sbarrier.arrive $0xFFFF  }
0x2ec: {  	p0 =	sne.s32 s7, $0x0;
	s0 =	rddreg [dreg:$0x6]  }
0x2ed: {  	s0 =	sadd.s32 @!p0 $0x100000, s0  }
0x2ee: {  	[sflag:s0] =	ssyncadd.tile.s32 @!p0 $0x1;
	_ =	shalt  }
.Lfunc_end2:
_tile_overlayer_lowered:
.L_overlay_start_2:
0x2ef: {  	(tag) =	ssettag $0x2  }
0x2f0: {  	s0 =	rddreg [dreg:$0x0];
	s2 =	stileid.u32  }
0x2f1: {  	s1 =	rddreg [dreg:$0x1];
	p0 =	sne.s32 s2, $0x0  }
0x2f2: {  	s3 =	rddreg [dreg:$0x2];
	[bflag:$0x3] =	sbarrier.arrive $0xFFFF;
	s2 =	simm.s32 @!p0 $0x1C11  }
0x2f3: {  	[timem:s3], [sflag:s2] =	dma.local @!p0 [hbm:s0], s1  }
0x2f4: {  	s0 =	simm.s32 @!p0 $0x11  }
0x2f5: {  	_ =	swait.ge @!p0 [sflag:s0], s1  }
0x2f6: {  	s1 =	ssub.s32 @!p0 $0x0, s1;
	[sflag:s0] =	ssyncset.done @!p0 $0x0  }
0x2f7: {  	[sflag:s0] =	ssyncadd.s32 @!p0 s1  }
0x2f8: {  	[bflag:$0x3] =	sbarrier.arrive $0xFFFF  }
0x2f9: {  	_ =	shalt  }

// kernel: kernel.9.cloned.1.call-start
scs
__scs_entry_jumppad:
0x0: {  	(pc) =	sbr.rel $0x88, $3  }
0x1: {  	(tag) =	ssettag $0x0;
	lr =	simm.s32 $0x1  }
0x2: {  	[smem:$0x3F99] =	sst lr;
	_ =	strace $0xD0000000  }
0x3: {  	_ = 	snop  }
0x4: {  	_ = 	snop  }
0x5: {  	_ = 	snop  }
0x6: {  	_ = 	snop  }
0x7: {  	_ = 	snop  }
__scs_overlays_trampoline_lowered:
0x8: {  	[smem:$0x3FA8] =	sst s0  }
0x9: {  	[smem:$0x3FA9] =	sst s1  }
0xa: {  	[smem:$0x3FAA] =	sst s2  }
0xb: {  	[smem:$0x3FAB] =	sst s3  }
0xc: {  	[smem:$0x3FAC] =	sst s4  }
0xd: {  	[smem:$0x3FAD] =	sst s5  }
0xe: {  	[smem:$0x3FAE] =	sst s6  }
0xf: {  	[smem:$0x3FAF] =	sst s7  }
0x10: {  	[smem:$0x3FB0] =	sst s8  }
0x11: {  	[smem:$0x3FB1] =	sst s9;
	s0 =	simm.s32 @!p0 $0x0  }
0x12: {  	s1 =	sld [smem:$0x3F97];
	s0 =	simm.s32 @p0 $0x1  }
0x13: {  	[smem:$0x3FB2] =	sst s0;
	s0 =	simm.s32 @!p1 $0x0  }
0x14: {  	s2 =	sld [smem:$0x3F96];
	s0 =	simm.s32 @p1 $0x1  }
0x15: {  	[smem:$0x3FB3] =	sst s0;
	s0 =	simm.s32 @!p2 $0x0  }
0x16: {  	s3 =	sld [smem:$0x3FDB];
	s0 =	simm.s32 @p2 $0x1  }
0x17: {  	s4 =	simm.s32 $0x1BF5;
	[smem:$0x3FB5] =	sst s0  }
0x18: {  	s0 =	sld [smem:$0x3F98];
	_ =	swait.ge [sflag:s4], $0x0  }
0x19: {  	s7 =	sld [smem:$0x3F99]  }
0x1a: {  	s8 =	sadd.s32 $0xFFFFE003, lr  }
0x1b: {  	s9 =	sadd.s32 $0xFFFFFEF7, lr;
	s5 =	simm.s32 $0xFFFFFFFF;
	p2 =	slt.u32 s8, $0xFFFFF086  }
0x1c: {  	p1 =	slt.u32 s9, $0xF7A;
	s5 =	simm.s32 @!p2 $0x0  }
0x1d: {  	s5 =	simm.s32 @p1 $0x1;
	p0 =	seq.s32 s7, s2  }
0x1e: {  	s7 =	smul.u32 @!p0 $0xF7A, s2;
	p2 =	seq.s32 @!p0 s5, $0x0  }
0x1f: {  	s9 =	smul.u32 $0xF7A, s1;
	s8 =	simm.s32 @!p0 $0x1BF5;
	p2 =	por !p2, p0  }
0x20: {  	[sflag:s8] =	ssyncset.s32 @!p0 $0xFFFFF086;
	s6 =	sadd.s32 @!p0 s3, s7;
	s7 =	simm.s32 @!p0 $0x108  }
0x21: {  	s3 =	sadd.s32 s3, s9;
	s6 =	sadd.s32 @!p0 $0x88, s6;
	s7 =	simm.s32 @p2 $0x1082  }
0x22: {  	[simem:s7], [sflag:s8] =	dma.local @!p0 [hbm:s6], $0xF7A  }
0x23: {  	s9 =	sor.u32 $0xD0000000, s2;
	s6 =	simm.s32 $0x108;
	_ =	swait.ge @!p0 [sflag:s8], $0x0  }
0x24: {  	s3 =	sadd.s32 $0x88, s3;
	s6 =	simm.s32 @!p1 $0x1082;
	[sflag:s4] =	ssyncset.s32 $0xFFFFF086  }
0x25: {  	[simem:s6], [sflag:s4] =	dma.local [hbm:s3], $0xF7A  }
0x26: {  	[smem:$0x3F99] =	sst s1;
	(tag) =	ssettag s2;
	_ =	strace s9  }
0x27: {  	s1 =	sld [smem:$0x3FA9]  }
0x28: {  	s2 =	sld [smem:$0x3FAA]  }
0x29: {  	s4 =	sld [smem:$0x3FAC]  }
0x2a: {  	p0 =	seq.s32 s5, $0x0;
	s5 =	sld [smem:$0x3FAD]  }
0x2b: {  	s6 =	sld [smem:$0x3FAE]  }
0x2c: {  	s7 =	sld [smem:$0x3FAF]  }
0x2d: {  	s3 =	simm.s32 $0x108;
	s8 =	sld [smem:$0x3FB0]  }
0x2e: {  	s3 =	simm.s32 @!p0 $0x1082;
	s9 =	sld [smem:$0x3FB1]  }
0x2f: {  	lr =	sadd.s32 s0, s3;
	s0 =	sld [smem:$0x3FA8]  }
0x30: {  	s3 =	sld [smem:$0x3FAB]  }
0x31: {  	[smem:$0x3FB4] =	sst s10  }
0x32: {  	s10 =	sld [smem:$0x3FB2];
	_ =	sdelay $0x3  }
0x33: {  	p0 =	seq.s32 s10, $0x1;
	s10 =	sld [smem:$0x3FB4];
	_ =	sdelay $0x3  }
0x34: {  	[smem:$0x3FB4] =	sst s10  }
0x35: {  	s10 =	sld [smem:$0x3FB3];
	_ =	sdelay $0x3  }
0x36: {  	p1 =	seq.s32 s10, $0x1;
	s10 =	sld [smem:$0x3FB4];
	_ =	sdelay $0x3  }
0x37: {  	[smem:$0x3FB4] =	sst s10  }
0x38: {  	s10 =	sld [smem:$0x3FB5]  }
0x39: {  	_ = 	snop;
	(pc) =	sbr.ind lr, $3  }
0x3a: {  	_ = 	snop  }
0x3b: {  	_ = 	snop  }
0x3c: {  	p2 =	seq.s32 s10, $0x1;
	s10 =	sld [smem:$0x3FB4]  }
0x3d: {  	_ =	shalt  }
0x3e: {  	_ =	shalt  }
0x3f: {  	_ =	shalt  }
0x40: {  	_ =	shalt  }
0x41: {  	_ =	shalt  }
0x42: {  	_ =	shalt  }
0x43: {  	_ =	shalt  }
0x44: {  	_ =	shalt  }
0x45: {  	_ =	shalt  }
0x46: {  	_ =	shalt  }
0x47: {  	_ =	shalt  }
0x48: {  	_ =	shalt  }
0x49: {  	_ =	shalt  }
0x4a: {  	_ =	shalt  }
0x4b: {  	_ =	shalt  }
0x4c: {  	_ =	shalt  }
0x4d: {  	_ =	shalt  }
0x4e: {  	_ =	shalt  }
0x4f: {  	_ =	shalt  }
0x50: {  	_ =	shalt  }
0x51: {  	_ =	shalt  }
0x52: {  	_ =	shalt  }
0x53: {  	_ =	shalt  }
0x54: {  	_ =	shalt  }
0x55: {  	_ =	shalt  }
0x56: {  	_ =	shalt  }
0x57: {  	_ =	shalt  }
0x58: {  	_ =	shalt  }
0x59: {  	_ =	shalt  }
0x5a: {  	_ =	shalt  }
0x5b: {  	_ =	shalt  }
0x5c: {  	_ =	shalt  }
0x5d: {  	_ =	shalt  }
0x5e: {  	_ =	shalt  }
0x5f: {  	_ =	shalt  }
0x60: {  	_ =	shalt  }
0x61: {  	_ =	shalt  }
0x62: {  	_ =	shalt  }
0x63: {  	_ =	shalt  }
0x64: {  	_ =	shalt  }
0x65: {  	_ =	shalt  }
0x66: {  	_ =	shalt  }
0x67: {  	_ =	shalt  }
0x68: {  	_ =	shalt  }
0x69: {  	_ =	shalt  }
0x6a: {  	_ =	shalt  }
0x6b: {  	_ =	shalt  }
0x6c: {  	_ =	shalt  }
0x6d: {  	_ =	shalt  }
0x6e: {  	_ =	shalt  }
0x6f: {  	_ =	shalt  }
0x70: {  	_ =	shalt  }
0x71: {  	_ =	shalt  }
0x72: {  	_ =	shalt  }
0x73: {  	_ =	shalt  }
0x74: {  	_ =	shalt  }
0x75: {  	_ =	shalt  }
0x76: {  	_ =	shalt  }
0x77: {  	_ =	shalt  }
0x78: {  	_ =	shalt  }
0x79: {  	_ =	shalt  }
0x7a: {  	_ =	shalt  }
0x7b: {  	_ =	shalt  }
0x7c: {  	_ =	shalt  }
0x7d: {  	_ =	shalt  }
0x7e: {  	_ =	shalt  }
0x7f: {  	_ =	shalt  }
0x80: {  	_ =	shalt  }
0x81: {  	_ =	shalt  }
0x82: {  	_ =	shalt  }
0x83: {  	_ =	shalt  }
0x84: {  	_ =	shalt  }
0x85: {  	_ =	shalt  }
0x86: {  	_ =	shalt  }
0x87: {  	_ =	shalt  }
.Lfunc_end0:
.L_simem_size_0:
called_computation.1_lowered:
.L_overlay_start_0:
0x88: {  	s2 =	sld [smem:$0x3FD9]  }
0x89: {  	s3 =	sld [smem:$0x3FFE];
	_ =	sdelay $0x1  }
0x8a: {  	s1 =	srdreg.scid  }
0x8b: {  	s0 =	sand.u32 $0x1, s1  }
0x8c: {  	s14 =	sshll.u32 s0, $0xA;
	s2 =	sadd.s32 s3, s2  }
0x8d: {  	s2 =	sadd.s32 s2, s14  }
0x8e: {  	[smem:$0x3FC0] =	sst s2  }
0x8f: {  	_ = 	snop  }
0x90: {  	s2 =	sld [smem:$0x3FD0];
	_ =	sdelay $0x2  }
0x91: {  	s15 =	simm.s32 $0xA;
	s4 =	simm.s32 $0x10  }
0x92: {  	[smem:s4], [sflag:s15] =	dma.local [hbm:s2], $0x1  }
0x93: {  	_ =	swait.eq [sflag:s15], $0x1  }
0x94: {  	[sflag:s15] =	ssyncset.done $0x0  }
0x95: {  	[sflag:s15] =	ssyncadd.s32 $0xFFFFFFFF  }
0x96: {  	s16 =	sld [smem:$0x11];
	(tm) =	ssettm $0x1  }
0x97: {  	s17 =	sld [smem:$0x3FFB];
	_ =	sdelay $0x3  }
0x98: {  	_ =	strace s17  }
0x99: {  	s3 =	sld [smem:$0x3FFC];
	_ =	sdelay $0x3  }
0x9a: {  	_ =	strace s3  }
0x9b: {  	s3 =	sld [smem:$0x3FFD];
	_ =	sdelay $0x3  }
0x9c: {  	_ =	strace s3  }
0x9d: {  	_ =	strace $0x8FFFFFFF  }
0x9e: {  	s18 =	sld [smem:$0x3FDB];
	_ =	sdelay $0x1  }
0x9f: {  	s19 =	simm.s32 $_scs_section_size  }
0xa0: {  	s5 =	simm.s32 $_size__tile_overlayer_lowered;
	s6 =	simm.s32 $_tile_overlayer_lowered  }
0xa1: {  	s22 =	simm.s32 $0x1BFF;
	s21 =	sshll.u32 s6, $0x1;
	s3 =	sadd.s32 s19, s18  }
0xa2: {  	s7 =	simm.s32 $0x0;
	s20 =	sshll.u32 s5, $0x1;
	s5 =	sadd.s32 s21, s3  }
0xa3: {  	[timem:s7], [sflag:s22] =	dma.local [hbm:s5], s20  }
0xa4: {  	_ =	swait.ge [sflag:s22], s20  }
0xa5: {  	s4 =	ssub.s32 $0x0, s20;
	[sflag:s22] =	ssyncset.done $0x0  }
0xa6: {  	[sflag:s22] =	ssyncadd.s32 s4;
	_ =	sdelay $0x1  }
0xa7: {  	s23 =	simm.s32 $0x1B8B  }
0xa8: {  	_ =	swait.ge [sflag:s23], $0x1  }
0xa9: {  	[sflag:s23] =	ssyncset.done $0x0  }
0xaa: {  	s25 =	simm.s32 $0x1B8E;
	s24 =	sld [smem:$0x3FFE];
	[sflag:s23] =	ssyncadd.s32 $0xFFFFFFFF  }
0xab: {  	s26 =	simm.s32 $execute0_lowered;
	[smem:$0x3FD2] =	sst s25  }
0xac: {  	s5 =	sshll.u32 s26, $0x1;
	_ =	strace $0x80000049;
	[dreg:$0x1] =	wrdreg $0xFFFFFFFF  }
0xad: {  	s28 =	simm.s32 $_size_execute0_lowered;
	s3 =	sadd.s32 s3, s5;
	[dreg:$0x0] =	wrdreg $0x0  }
0xae: {  	s5 =	sshll.u32 s28, $0x1;
	[dreg:$0x2] =	wrdreg s3  }
0xaf: {  	[dreg:$0x3] =	wrdreg s5  }
0xb0: {  	[dreg:$0x4] =	wrdreg $0xC0  }
0xb1: {  	_ =	task [dreg:s7], $0x5FFFF  }
0xb2: {  	[dreg:$0x1] =	wrdreg $0xFFFFFFFF  }
0xb3: {  	[dreg:$0x0] =	wrdreg $0x60  }
0xb4: {  	[dreg:$0x2] =	wrdreg s24  }
0xb5: {  	[dreg:$0x3] =	wrdreg s16  }
0xb6: {  	[dreg:$0x4] =	wrdreg $0xA4000  }
0xb7: {  	[dreg:$0x5] =	wrdreg $0x9  }
0xb8: {  	_ =	task.clear_ibuf [dreg:s7], $0x6FFFF;
	_ =	strace $0x90000049  }
0xb9: {  	s29 =	simm.s32 $0x9;
	_ =	strace $0x8000004B  }
0xba: {  	_ =	swait.ge [sflag:s29], $0x1  }
0xbb: {  	[sflag:s29] =	ssyncadd.s32 $0xFFFFFFFF  }
0xbc: {  	_ =	strace $0x9000004B  }
0xbd: {  	_ =	sfence  }
0xbe: {  	s30 =	sld [smem:$0x0];
	_ =	sdelay $0x2  }
0xbf: {  	s31 =	sshll.u32 s1, $0xD;
	s1 =	sshrl.u32 s1, $0x2  }
0xc0: {  	s3 =	sand.u32 $0x4000, s31;
	s1 =	sadd.s32 s1, s30  }
0xc1: {  	s0 =	sor.u32 s3, s0;
	s1 =	sshll.u32 s1, $0x11  }
0xc2: {  	s0 =	sor.u32 s1, s0  }
0xc3: {  	s0 =	sadd.s32 $0x8F2B, s0  }
0xc4: {  	[sflag:s0] =	ssyncadd.remote.s32 $0x1  }
0xc5: {  	_ =	sfence.sel $0xFFFF  }
0xc6: {  	[dreg:$0x0] =	wrdreg $0xFFFFFFFF;
	(pc) =	sbr.abs _section_cstart, $3  }
0xc7: {  	[dreg:$0x1] =	wrdreg $0xFFFFFFFF  }
0xc8: {  	_ =	task.clear_ibuf [dreg:s7], $0x2FFFF;
	_ =	strace $0x9FFFFFFF  }
0xc9: {  	(tm) =	ssettm $0x7FFFFFFF  }
tec
execute0_lowered:
.L_overlay_start_1:
0x0: {  	(tag) =	ssettag $0x1  }
0x1: {  	s0 =	rddreg [dreg:$0x0]  }
0x2: {  	s1 =	rddreg [dreg:$0x1]  }
0x3: {  	s2 =	rddreg [dreg:$0x2];
	s4 =	simm.s32 $0x0  }
0x4: {  	s10 =	stileid.u32;
	s3 =	srdreg.scid;
	s28 =	simm.s32 $0x50  }
0x5: {  	s31 =	simm.s32 $0x7C00;
	[smem:$0x7FF] =	sst s4;
	s11 =	sadd.s32 $0xC600, s0  }
0x6: {  	s5 =	smul.u32 $0x2780, s10;
	s3 =	sand.u32 $0x1, s3;
	s23 =	sadd.s32 $0x128400, s2  }
0x7: {  	s26 =	sadd.s32 $0x89880, s0;
	_ =	strace $0x8000004A;
	[dreg:$0xf] =	wrdreg s23  }
0x8: {  	s12 =	sadd.s32 $0x2800, s0;
	s29 =	sadd.s32 $0xFEE80, s0;
	[dreg:$0x10] =	wrdreg s26  }
0x9: {  	s7 =	smul.u32 $0x4F000, s10;
	s18 =	sadd.s32 $0x3B480, s0;
	[dreg:$0x11] =	wrdreg s29  }
0xa: {  	s25 =	smul.u32 $0x2710, s10;
	p4 =	seq.s32 s10, $0xF;
	[dreg:$0x18] =	wrdreg s18  }
0xb: {  	s6 =	ssub.s32 $0x2, s3;
	s9 =	sshll.u32 s3, $0x4;
	[dreg:$0xa] =	wrdreg s11  }
0xc: {  	p3 =	seq.s32 s3, $0x1;
	s3 =	smul.u32 $0x27100, s3;
	[dreg:$0xb] =	wrdreg s12  }
0xd: {  	s18 =	simm.s32 $0xD;
	s5 =	sadd.s32 s5, s0;
	s8 =	sshrl.u32 s6, $0x1  }
0xe: {  	s20 =	sor.u32 s10, s9;
	s7 =	sshrl.u32 s7, $0x2;
	s0 =	sadd.s32 $0x62680, s0  }
0xf: {  	p0 =	por !p3, !p4;
	p1 =	por p3, !p4;
	p2 =	por !p3, p4  }
0x10: {  	p3 =	por p3, p4;
	s9 =	simm.s32 $0x5;
	s10 =	simm.s32 $0x8  }
0x11: {  	s6 =	ssub.s32 s6, s8;
	s7 =	sadd.s32 s7, s2;
	[dreg:$0x19] =	wrdreg s0  }
0x12: {  	s8 =	smul.u32 $0x2710, s20;
	s21 =	sadd.s32 $0x64800, s5;
	[dreg:$0xc] =	wrdreg s7  }
0x13: {  	s22 =	sadd.s32 $0xD9E00, s5;
	s3 =	sadd.s32 s25, s3;
	[dreg:$0xd] =	wrdreg s21  }
0x14: {  	s16 =	sadd.s32 $0x16400, s5;
	s5 =	sadd.s32 $0x3D600, s5;
	[dreg:$0xe] =	wrdreg s22  }
0x15: {  	s0 =	simm.s32 $0x0;
	s15 =	sadd.s32 $0x190, s3;
	[dreg:$0x16] =	wrdreg s16  }
0x16: {  	[dreg:$0x17] =	wrdreg s5;
	s20 =	sadd.s32 $0xF0, s3;
	s23 =	sadd.s32 $0xA0, s3  }
0x17: {  	s29 =	smax.u32 s6, $0x1;
	s3 =	sadd.s32 $0x140, s3;
	s16 =	simm.s32 $0x6  }
0x18: {  	s24 =	sshrl.u32 s8, $0x3;
	s17 =	sshrl.u32 s15, $0x3;
	[dreg:$0x1a] =	wrdreg s29  }
0x19: {  	s21 =	sshrl.u32 s20, $0x3;
	[dreg:$0x1b] =	wrdreg s3;
	s30 =	sadd.s32 s12, s24  }
0x1a: {  	s25 =	sshrl.u32 s23, $0x3;
	s13 =	sadd.s32 s11, s24;
	[dreg:$0x12] =	wrdreg s30  }
0x1b: {  	s3 =	simm.s32 $0x4;
	s19 =	sadd.s32 s17, s11;
	[dreg:$0x13] =	wrdreg s13  }
0x1c: {  	s20 =	simm.s32 $0x7;
	s5 =	sadd.s32 s17, s12;
	[dreg:$0x4] =	wrdreg s19  }
0x1d: {  	s7 =	sadd.s32 $0xA, s24;
	s22 =	sadd.s32 s21, s11;
	[dreg:$0x5] =	wrdreg s5  }
0x1e: {  	s24 =	sadd.s32 s21, s12;
	s26 =	sadd.s32 s25, s11;
	[dreg:$0x6] =	wrdreg s22  }
0x1f: {  	s17 =	simm.s32 $0xA;
	s21 =	simm.s32 $0xB;
	[dreg:$0x7] =	wrdreg s24  }
0x20: {  	s14 =	sadd.s32 s12, s7;
	s7 =	sadd.s32 s11, s7;
	[dreg:$0x8] =	wrdreg s26  }
0x21: {  	s30 =	sadd.s32 s25, s12;
	s11 =	simm.s32 $0x9;
	[dreg:$0x14] =	wrdreg s14  }
0x22: {  	s19 =	simm.s32 $0x380;
	s22 =	simm.s32 $0xC;
	[dreg:$0x15] =	wrdreg s7  }
0x23: {  	[dreg:$0x9] =	wrdreg s30;
	s14 =	simm.s32 $0x3;
	s7 =	simm.s32 $0xE  }
.LBB2_1:
0x24: {  	[dreg:$0x1c] =	wrdreg s0  }
0x25: {  	s6 =	rddreg [dreg:$0xf]  }
0x26: {  	s8 =	rddreg [dreg:$0x11];
	s0 =	sshrl.u32 @!p0 s6, $0x3  }
0x27: {  	s5 =	simm.s32 @!p0 $0x1FD1;
	[dreg:$0x1d] =	wrdreg s0  }
0x28: {  	[spmem:s0], [sflag:s5] =	dma.local @!p0 [hbm:s8], $0x2080  }
0x29: {  	s5 =	simm.s32 @!p0 $0x11  }
0x2a: {  	s0 =	sshrl.u32 @!p1 s6, $0x3;
	_ =	swait.ge @!p0 [sflag:s5], $0x2080  }
0x2b: {  	[dreg:$0x1e] =	wrdreg s0;
	[sflag:s5] =	ssyncset.done @!p0 $0x0  }
0x2c: {  	s6 =	rddreg [dreg:$0x10];
	[sflag:s5] =	ssyncadd.s32 @!p0 $0xFFFFDF80;
	s5 =	simm.s32 @!p1 $0x1FD1  }
0x2d: {  	[spmem:s0], [sflag:s5] =	dma.local @!p1 [hbm:s6], $0x2080  }
0x2e: {  	s8 =	stileid.u32;
	s5 =	simm.s32 @!p1 $0x11  }
0x2f: {  	s6 =	sshll.u32 @!p2 s8, $0x6;
	_ =	swait.ge @!p1 [sflag:s5], $0x2080  }
0x30: {  	s0 =	sor.u32 @!p2 $0x1C11, s6;
	s23 =	rddreg [dreg:$0xc]  }
0x31: {  	[sflag:s5] =	ssyncset.done @!p1 $0x0;
	[dreg:$0x1f] =	wrdreg s0  }
0x32: {  	[sflag:s5] =	ssyncadd.s32 @!p1 $0xFFFFDF80;
	s6 =	sshrl.u32 @!p2 s23, $0x3;
	s5 =	rddreg [dreg:$0xe]  }
0x33: {  	[smem:$0x7FB] =	sst s6  }
0x34: {  	[spmem:s6], [sflag:s0] =	dma.local @!p2 [hbm:s5], $0x2780  }
0x35: {  	s5 =	simm.s32 @!p2 $0x11;
	s6 =	sshll.u32 @!p3 s8, $0x6  }
0x36: {  	_ =	swait.ge @!p2 [sflag:s5], $0x2780;
	s0 =	sor.u32 @!p3 $0x1C11, s6  }
0x37: {  	s6 =	sshrl.u32 @!p3 s23, $0x3;
	[smem:$0x7FC] =	sst s0  }
0x38: {  	[sflag:s5] =	ssyncset.done @!p2 $0x0;
	[smem:$0x7FD] =	sst s6  }
0x39: {  	[sflag:s5] =	ssyncadd.s32 @!p2 $0xFFFFD880;
	s5 =	rddreg [dreg:$0xd]  }
0x3a: {  	[spmem:s6], [sflag:s0] =	dma.local @!p3 [hbm:s5], $0x2780  }
0x3b: {  	s5 =	simm.s32 @!p3 $0x11  }
0x3c: {  	_ =	swait.ge @!p3 [sflag:s5], $0x2780  }
0x3d: {  	[sflag:s5] =	ssyncset.done @!p3 $0x0  }
0x3e: {  	[sflag:s5] =	ssyncadd.s32 @!p3 $0xFFFFD880  }
0x3f: {  	[bflag:$0x0] =	sbarrier.arrive $0xFFFF  }
0x40: {  	s23 =	simm.s32 $0x200;
	s25 =	rddreg [dreg:$0x12]  }
0x41: {  	[tilespmem:s23], [sflag:$0x5] =	stream.linear.gather [hbm4b:s25+s4], $0x50, $0x38;
	[tilespmem:$0x1DC80] =	vst v63  }
0x42: {  	s26 =	rddreg [dreg:$0x13]  }
0x43: {  	[tilespmem:s4], [sflag:$0x1] =	stream.linear.gather [hbm4b:s26+s4], $0x50, $0x38;
	[tilespmem:$0x1DC80] =	vst v63  }
0x44: {  	s8 =	simm.s32 $0x280;
	s29 =	rddreg [dreg:$0x14]  }
0x45: {  	[tilespmem:s8], [sflag:$0x6] =	stream.linear.gather [hbm4b:s29+s4], $0x50, $0x38;
	[tilespmem:$0x1DC80] =	vst v63  }
0x46: {  	s30 =	rddreg [dreg:$0x15];
	s25 =	simm.s32 $0x80;
	s26 =	simm.s32 $0x1  }
0x47: {  	[tilespmem:s25], [sflag:$0x2] =	stream.linear.gather [hbm4b:s30+s4], $0x50, $0x38;
	[tilespmem:$0x1DC80] =	vst v63  }
0x48: {  	p4 =	por $0x1, $0x1;
	_ =	swait.ge [sflag:s26], $0x50  }
0x49: {  	p4 =	por p4, p4;
	[sflag:s26] =	ssyncset.done $0x0  }
0x4a: {  	s12 =	simm.s32 $0x400;
	s5 =	simm.s32 @!p4 $0xF;
	[sflag:s26] =	ssyncadd.s32 $0xFFFFFFB0  }
0x4b: {  	[tilespmem:s12], [sflag:$0x9] =	stream.indirect.gather [hbm4b:s1+s28], $0x80, s4, s28, $0xb8;
	[tilespmem:$0x1DC80] =	vst v63  }
0x4c: {  	_ =	swait.ge @!p4 [sflag:s5], $0x2800  }
0x4d: {  	s13 =	simm.s32 $0x300;
	s0 =	rddreg [dreg:$0x9];
	[sflag:s5] =	ssyncset.done @!p4 $0x0  }
0x4e: {  	s24 =	rddreg [dreg:$0x8];
	[sflag:s5] =	ssyncadd.s32 @!p4 $0xFFFFD800;
	s6 =	sadd.s32 $0x0, s0  }
0x4f: {  	[tilespmem:s13], [sflag:$0x7] =	stream.linear.gather [hbm4b:s6+s4], $0x50, $0x38;
	[tilespmem:$0x1DC80] =	vst v63  }
0x50: {  	s29 =	simm.s32 $0x100;
	s15 =	sadd.s32 $0x0, s24;
	s24 =	simm.s32 $0x2  }
0x51: {  	[tilespmem:s29], [sflag:$0x3] =	stream.linear.gather [hbm4b:s15+s4], $0x50, $0x38;
	[tilespmem:$0x1DC80] =	vst v63  }
0x52: {  	_ =	swait.ge [sflag:s24], $0x50  }
0x53: {  	[sflag:s24] =	ssyncset.done $0x0  }
0x54: {  	s15 =	simm.s32 $0x2C00;
	[sflag:s24] =	ssyncadd.s32 $0xFFFFFFB0  }
0x55: {  	[tilespmem:s15], [sflag:$0xA] =	stream.indirect.gather [hbm4b:s1+s28], $0x80, s25, s28, $0xb8;
	[tilespmem:$0x1DC80] =	vst v63  }
0x56: {  	_ =	swait.ge [sflag:s9], $0x50  }
0x57: {  	[sflag:s9] =	ssyncset.done $0x0  }
0x58: {  	[sflag:s9] =	ssyncadd.s32 $0xFFFFFFB0  }
0x59: {  	_ =	swait.ge [sflag:s11], $0x2800  }
0x5a: {  	[sflag:s11] =	ssyncset.done $0x0  }
0x5b: {  	s5 =	simm.s32 @!p4 $0x10;
	[sflag:s11] =	ssyncadd.s32 $0xFFFFD800  }
0x5c: {  	[spmem:s2] =	stream.indirect.scatter.add.f32 [tilespmem:s12], [sflag:$0xD], $0x80, s23, s28, $0xb8;
	[tilespmem:$0x1DC80] =	vst v63  }
0x5d: {  	_ =	swait.ge @!p4 [sflag:s5], $0x2800  }
0x5e: {  	s30 =	rddreg [dreg:$0x7];
	[sflag:s5] =	ssyncset.done @!p4 $0x0  }
0x5f: {  	s0 =	rddreg [dreg:$0x6];
	[sflag:s5] =	ssyncadd.s32 @!p4 $0xFFFFD800;
	s6 =	sadd.s32 $0x0, s30  }
0x60: {  	[tilespmem:s19], [sflag:$0x8] =	stream.linear.gather [hbm4b:s6+s4], $0x50, $0x38;
	[tilespmem:$0x1DC80] =	vst v63  }
0x61: {  	s24 =	simm.s32 $0x180;
	s19 =	sadd.s32 $0x0, s0  }
0x62: {  	[tilespmem:s24], [sflag:$0x4] =	stream.linear.gather [hbm4b:s19+s4], $0x50, $0x38;
	[tilespmem:$0x1DC80] =	vst v63  }
0x63: {  	_ =	swait.ge [sflag:s14], $0x50  }
0x64: {  	[sflag:s14] =	ssyncset.done $0x0  }
0x65: {  	s0 =	simm.s32 $0x5400;
	[sflag:s14] =	ssyncadd.s32 $0xFFFFFFB0  }
0x66: {  	[tilespmem:s0], [sflag:$0xB] =	stream.indirect.gather [hbm4b:s1+s28], $0x80, s29, s28, $0xb8;
	[tilespmem:$0x1DC80] =	vst v63  }
0x67: {  	_ =	swait.ge [sflag:s16], $0x50  }
0x68: {  	[sflag:s16] =	ssyncset.done $0x0  }
0x69: {  	[sflag:s16] =	ssyncadd.s32 $0xFFFFFFB0  }
0x6a: {  	_ =	swait.ge [sflag:s17], $0x2800  }
0x6b: {  	[sflag:s17] =	ssyncset.done $0x0  }
0x6c: {  	[sflag:s17] =	ssyncadd.s32 $0xFFFFD800  }
0x6d: {  	[spmem:s2] =	stream.indirect.scatter.add.f32 [tilespmem:s15], [sflag:$0xE], $0x80, s8, s28, $0xb8;
	[tilespmem:$0x1DC80] =	vst v63  }
0x6e: {  	_ =	swait.ge [sflag:s18], $0x2800  }
0x6f: {  	s15 =	rddreg [dreg:$0x1b]  }
0x70: {  	[sflag:s18] =	ssyncset.done $0x0;
	s29 =	rddreg [dreg:$0xb];
	s25 =	sshrl.u32 s15, $0x3  }
0x71: {  	s30 =	rddreg [dreg:$0xa];
	[sflag:s18] =	ssyncadd.s32 $0xFFFFD800;
	s6 =	sadd.s32 s29, s25  }
0x72: {  	[tilespmem:s23], [sflag:$0x5] =	stream.linear.gather [hbm4b:s6+s4], $0x50, $0x38;
	[tilespmem:$0x1DC80] =	vst v63  }
0x73: {  	s5 =	sadd.s32 s30, s25  }
0x74: {  	[tilespmem:s4], [sflag:$0x1] =	stream.linear.gather [hbm4b:s5+s4], $0x50, $0x38;
	[tilespmem:$0x1DC80] =	vst v63  }
0x75: {  	_ =	swait.ge [sflag:s3], $0x50  }
0x76: {  	[sflag:s3] =	ssyncset.done $0x0  }
0x77: {  	[sflag:s3] =	ssyncadd.s32 $0xFFFFFFB0  }
0x78: {  	[tilespmem:s31], [sflag:$0xC] =	stream.indirect.gather [hbm4b:s1+s28], $0x80, s24, s28, $0xb8;
	[tilespmem:$0x1DC80] =	vst v63  }
0x79: {  	_ =	swait.ge [sflag:s20], $0x50  }
0x7a: {  	[sflag:s20] =	ssyncset.done $0x0  }
0x7b: {  	[sflag:s20] =	ssyncadd.s32 $0xFFFFFFB0  }
0x7c: {  	_ =	swait.ge [sflag:s21], $0x2800  }
0x7d: {  	[sflag:s21] =	ssyncset.done $0x0  }
0x7e: {  	p4 =	por $0x0, $0x0;
	[sflag:s21] =	ssyncadd.s32 $0xFFFFD800  }
0x7f: {  	[spmem:s2] =	stream.indirect.scatter.add.f32 [tilespmem:s0], [sflag:$0xF], $0x80, s13, s28, $0xb8;
	[tilespmem:$0x1DC80] =	vst v63  }
0x80: {  	s25 =	simm.s32 @!p4 $0x280;
	_ =	swait.ge [sflag:s7], $0x2800  }
0x81: {  	s24 =	simm.s32 @!p4 $0x0;
	s5 =	rddreg [dreg:$0x5];
	[sflag:s7] =	ssyncset.done $0x0  }
0x82: {  	s6 =	rddreg [dreg:$0x4];
	[sflag:s7] =	ssyncadd.s32 $0xFFFFD800;
	s5 =	sadd.s32 @!p4 $0x0, s5  }
0x83: {  	[tilespmem:s25], [sflag:$0x6] =	stream.linear.gather @!p4 [hbm4b:s5+s24], $0x50, $0x38;
	[tilespmem:$0x1DC80] =	vst v63  }
0x84: {  	s6 =	sadd.s32 @!p4 $0x0, s6;
	s5 =	simm.s32 @!p4 $0x80  }
0x85: {  	[tilespmem:s5], [sflag:$0x2] =	stream.linear.gather @!p4 [hbm4b:s6+s24], $0x50, $0x38;
	[tilespmem:$0x1DC80] =	vst v63  }
0x86: {  	_ =	swait.ge [sflag:s26], $0x50  }
0x87: {  	[sflag:s26] =	ssyncset.done $0x0  }
0x88: {  	[sflag:s26] =	ssyncadd.s32 $0xFFFFFFB0  }
0x89: {  	[tilespmem:s12], [sflag:$0x9] =	stream.indirect.gather [hbm4b:s1+s28], $0x80, s4, s28, $0xb8;
	[tilespmem:$0x1DC80] =	vst v63  }
0x8a: {  	_ =	swait.ge [sflag:s10], $0x50  }
0x8b: {  	[sflag:s10] =	ssyncset.done $0x0  }
0x8c: {  	p6 =	por $0x0, $0x0;
	[sflag:s10] =	ssyncadd.s32 $0xFFFFFFB0  }
0x8d: {  	s25 =	sadd.s32 $0x140, s15;
	s24 =	simm.s32 $0x28;
	_ =	swait.ge [sflag:s22], $0x2800  }
0x8e: {  	s5 =	simm.s32 $0x50;
	p4 =	por p6, p6;
	[sflag:s22] =	ssyncset.done $0x0  }
.LBB2_2:
0x8f: {  	s23 =	simm.s32 @!p4 $0xF  }
0x90: {  	[sflag:s22] =	ssyncadd.s32 $0xFFFFD800;
	s26 =	simm.s32 $0x380;
	s0 =	simm.s32 $0x7C00  }
0x91: {  	[spmem:s2] =	stream.indirect.scatter.add.f32 [tilespmem:s0], [sflag:$0x10], $0x80, s26, s28, $0xb8;
	[tilespmem:$0x1DC80] =	vst v63  }
0x92: {  	_ =	swait.ge @!p4 [sflag:s23], $0x2800  }
0x93: {  	s13 =	simm.s32 $0x300;
	s29 =	rddreg [dreg:$0x9];
	[sflag:s23] =	ssyncset.done @!p4 $0x0  }
0x94: {  	s30 =	rddreg [dreg:$0x8];
	[sflag:s23] =	ssyncadd.s32 @!p4 $0xFFFFD800;
	s29 =	sadd.s32 s24, s29  }
0x95: {  	[tilespmem:s13], [sflag:$0x7] =	stream.linear.gather [hbm4b:s29+s4], $0x50, $0x38;
	[tilespmem:$0x1DC80] =	vst v63  }
0x96: {  	s15 =	simm.s32 $0x100;
	s8 =	simm.s32 $0x2;
	s30 =	sadd.s32 s24, s30  }
0x97: {  	[tilespmem:s15], [sflag:$0x3] =	stream.linear.gather [hbm4b:s30+s4], $0x50, $0x38;
	[tilespmem:$0x1DC80] =	vst v63  }
0x98: {  	_ =	swait.ge [sflag:s8], $0x50  }
0x99: {  	[sflag:s8] =	ssyncset.done $0x0  }
0x9a: {  	s31 =	simm.s32 $0x80;
	s19 =	simm.s32 $0x2C00;
	[sflag:s8] =	ssyncadd.s32 $0xFFFFFFB0  }
0x9b: {  	[tilespmem:s19], [sflag:$0xA] =	stream.indirect.gather [hbm4b:s1+s28], $0x80, s31, s28, $0xb8;
	[tilespmem:$0x1DC80] =	vst v63  }
0x9c: {  	_ =	swait.ge [sflag:s9], $0x50  }
0x9d: {  	[sflag:s9] =	ssyncset.done $0x0  }
0x9e: {  	[sflag:s9] =	ssyncadd.s32 $0xFFFFFFB0  }
0x9f: {  	_ =	swait.ge [sflag:s11], $0x2800  }
0xa0: {  	s12 =	simm.s32 $0x400;
	[sflag:s11] =	ssyncset.done $0x0  }
0xa1: {  	s23 =	simm.s32 @!p4 $0x10;
	s31 =	simm.s32 $0x200;
	[sflag:s11] =	ssyncadd.s32 $0xFFFFD800  }
0xa2: {  	[spmem:s2] =	stream.indirect.scatter.add.f32 [tilespmem:s12], [sflag:$0xD], $0x80, s31, s28, $0xb8;
	[tilespmem:$0x1DC80] =	vst v63  }
0xa3: {  	_ =	swait.ge @!p4 [sflag:s23], $0x2800  }
0xa4: {  	s29 =	rddreg [dreg:$0x7];
	[sflag:s23] =	ssyncset.done @!p4 $0x0  }
0xa5: {  	s8 =	rddreg [dreg:$0x6];
	[sflag:s23] =	ssyncadd.s32 @!p4 $0xFFFFD800;
	s29 =	sadd.s32 s24, s29  }
0xa6: {  	[tilespmem:s26], [sflag:$0x8] =	stream.linear.gather [hbm4b:s29+s4], $0x50, $0x38;
	[tilespmem:$0x1DC80] =	vst v63  }
0xa7: {  	s8 =	sadd.s32 s24, s8;
	s26 =	simm.s32 $0x180  }
0xa8: {  	[tilespmem:s26], [sflag:$0x4] =	stream.linear.gather [hbm4b:s8+s4], $0x50, $0x38;
	[tilespmem:$0x1DC80] =	vst v63  }
0xa9: {  	_ =	swait.ge [sflag:s14], $0x50  }
0xaa: {  	[sflag:s14] =	ssyncset.done $0x0  }
0xab: {  	s30 =	simm.s32 $0x5400;
	[sflag:s14] =	ssyncadd.s32 $0xFFFFFFB0  }
0xac: {  	[tilespmem:s30], [sflag:$0xB] =	stream.indirect.gather [hbm4b:s1+s28], $0x80, s15, s28, $0xb8;
	[tilespmem:$0x1DC80] =	vst v63  }
0xad: {  	_ =	swait.ge [sflag:s16], $0x50  }
0xae: {  	[sflag:s16] =	ssyncset.done $0x0  }
0xaf: {  	[sflag:s16] =	ssyncadd.s32 $0xFFFFFFB0  }
0xb0: {  	_ =	swait.ge [sflag:s17], $0x2800  }
0xb1: {  	[sflag:s17] =	ssyncset.done $0x0  }
0xb2: {  	s29 =	simm.s32 $0x280;
	[sflag:s17] =	ssyncadd.s32 $0xFFFFD800  }
0xb3: {  	[spmem:s2] =	stream.indirect.scatter.add.f32 [tilespmem:s19], [sflag:$0xE], $0x80, s29, s28, $0xb8;
	[tilespmem:$0x1DC80] =	vst v63  }
0xb4: {  	_ =	swait.ge [sflag:s18], $0x2800  }
0xb5: {  	s23 =	sshrl.u32 s25, $0x3;
	[sflag:s18] =	ssyncset.done $0x0;
	s15 =	rddreg [dreg:$0xb]  }
0xb6: {  	s29 =	rddreg [dreg:$0xa];
	[sflag:s18] =	ssyncadd.s32 $0xFFFFD800;
	s19 =	sadd.s32 s15, s23  }
0xb7: {  	[tilespmem:s31], [sflag:$0x5] =	stream.linear.gather [hbm4b:s19+s4], $0x50, $0x38;
	[tilespmem:$0x1DC80] =	vst v63  }
0xb8: {  	s23 =	sadd.s32 s29, s23  }
0xb9: {  	[tilespmem:s4], [sflag:$0x1] =	stream.linear.gather [hbm4b:s23+s4], $0x50, $0x38;
	[tilespmem:$0x1DC80] =	vst v63  }
0xba: {  	_ =	swait.ge [sflag:s3], $0x50  }
0xbb: {  	[sflag:s3] =	ssyncset.done $0x0  }
0xbc: {  	[sflag:s3] =	ssyncadd.s32 $0xFFFFFFB0  }
0xbd: {  	[tilespmem:s0], [sflag:$0xC] =	stream.indirect.gather [hbm4b:s1+s28], $0x80, s26, s28, $0xb8;
	[tilespmem:$0x1DC80] =	vst v63  }
0xbe: {  	_ =	swait.ge [sflag:s20], $0x50  }
0xbf: {  	[sflag:s20] =	ssyncset.done $0x0  }
0xc0: {  	[sflag:s20] =	ssyncadd.s32 $0xFFFFFFB0  }
0xc1: {  	_ =	swait.ge [sflag:s21], $0x2800  }
0xc2: {  	p6 =	seq.s32 s5, $0x0;
	[sflag:s21] =	ssyncset.done $0x0  }
0xc3: {  	p4 =	por p6, p6;
	p6 =	seq.s32 s24, $0x4B0;
	[sflag:s21] =	ssyncadd.s32 $0xFFFFD800  }
0xc4: {  	[spmem:s2] =	stream.indirect.scatter.add.f32 [tilespmem:s30], [sflag:$0xF], $0x80, s13, s28, $0xb8;
	[tilespmem:$0x1DC80] =	vst v63  }
0xc5: {  	s31 =	simm.s32 @!p6 $0x280;
	_ =	swait.ge [sflag:s7], $0x2800  }
0xc6: {  	s30 =	simm.s32 @!p6 $0x0;
	s23 =	rddreg [dreg:$0x5];
	[sflag:s7] =	ssyncset.done $0x0  }
0xc7: {  	s29 =	rddreg [dreg:$0x4];
	[sflag:s7] =	ssyncadd.s32 $0xFFFFD800;
	s23 =	sadd.s32 @!p6 s24, s23  }
0xc8: {  	[tilespmem:s31], [sflag:$0x6] =	stream.linear.gather @!p6 [hbm4b:s23+s30], $0x50, $0x38;
	[tilespmem:$0x1DC80] =	vst v63  }
0xc9: {  	s8 =	simm.s32 @!p6 $0x80;
	s23 =	sadd.s32 @!p6 s24, s29;
	s31 =	simm.s32 $0x1  }
0xca: {  	[tilespmem:s8], [sflag:$0x2] =	stream.linear.gather @!p6 [hbm4b:s23+s30], $0x50, $0x38;
	[tilespmem:$0x1DC80] =	vst v63  }
0xcb: {  	_ =	swait.ge [sflag:s31], $0x50  }
0xcc: {  	s6 =	smov.u32 s5;
	s5 =	sadd.s32 $0x28, s5;
	[sflag:s31] =	ssyncset.done $0x0  }
0xcd: {  	p5 =	sne.s32 s5, $0x4D8;
	[sflag:s31] =	ssyncadd.s32 $0xFFFFFFB0  }
0xce: {  	[tilespmem:s12], [sflag:$0x9] =	stream.indirect.gather [hbm4b:s1+s28], $0x80, s4, s28, $0xb8;
	[tilespmem:$0x1DC80] =	vst v63  }
.Ltmp0:
0xcf: {  	_ =	swait.ge [sflag:s10], $0x50;
	(pc) =	sbr.rel @p5 .LBB2_2-.Ltmp0, $4  }
0xd0: {  	[sflag:s10] =	ssyncset.done $0x0  }
0xd1: {  	[sflag:s10] =	ssyncadd.s32 $0xFFFFFFB0  }
0xd2: {  	_ =	swait.ge [sflag:s22], $0x2800  }
0xd3: {  	s25 =	sadd.s32 $0x140, s25;
	s24 =	smov.u32 s6;
	[sflag:s22] =	ssyncset.done $0x0  }
0xd4: {  	s5 =	simm.s32 @!p4 $0xF  }
0xd5: {  	[sflag:s22] =	ssyncadd.s32 $0xFFFFD800;
	s30 =	simm.s32 $0x380;
	s0 =	simm.s32 $0x7C00  }
0xd6: {  	[spmem:s2] =	stream.indirect.scatter.add.f32 [tilespmem:s0], [sflag:$0x10], $0x80, s30, s28, $0xb8;
	[tilespmem:$0x1DC80] =	vst v63  }
0xd7: {  	_ =	swait.ge @!p4 [sflag:s5], $0x2800  }
0xd8: {  	s13 =	simm.s32 $0x300;
	s6 =	rddreg [dreg:$0x9];
	[sflag:s5] =	ssyncset.done @!p4 $0x0  }
0xd9: {  	s8 =	rddreg [dreg:$0x8];
	[sflag:s5] =	ssyncadd.s32 @!p4 $0xFFFFD800;
	s23 =	sadd.s32 s24, s6  }
0xda: {  	[tilespmem:s13], [sflag:$0x7] =	stream.linear.gather [hbm4b:s23+s4], $0x50, $0x38;
	[tilespmem:$0x1DC80] =	vst v63  }
0xdb: {  	s15 =	simm.s32 $0x100;
	s29 =	simm.s32 $0x2;
	s26 =	sadd.s32 s24, s8  }
0xdc: {  	[tilespmem:s15], [sflag:$0x3] =	stream.linear.gather [hbm4b:s26+s4], $0x50, $0x38;
	[tilespmem:$0x1DC80] =	vst v63  }
0xdd: {  	_ =	swait.ge [sflag:s29], $0x50  }
0xde: {  	[sflag:s29] =	ssyncset.done $0x0  }
0xdf: {  	s19 =	simm.s32 $0x2C00;
	s6 =	simm.s32 $0x80;
	[sflag:s29] =	ssyncadd.s32 $0xFFFFFFB0  }
0xe0: {  	[tilespmem:s19], [sflag:$0xA] =	stream.indirect.gather [hbm4b:s1+s28], $0x80, s6, s28, $0xb8;
	[tilespmem:$0x1DC80] =	vst v63  }
0xe1: {  	_ =	swait.ge [sflag:s9], $0x50  }
0xe2: {  	[sflag:s9] =	ssyncset.done $0x0  }
0xe3: {  	[sflag:s9] =	ssyncadd.s32 $0xFFFFFFB0  }
0xe4: {  	_ =	swait.ge [sflag:s11], $0x2800  }
0xe5: {  	s12 =	simm.s32 $0x400;
	[sflag:s11] =	ssyncset.done $0x0  }
0xe6: {  	s5 =	simm.s32 @!p4 $0x10;
	s29 =	simm.s32 $0x200;
	[sflag:s11] =	ssyncadd.s32 $0xFFFFD800  }
0xe7: {  	[spmem:s2] =	stream.indirect.scatter.add.f32 [tilespmem:s12], [sflag:$0xD], $0x80, s29, s28, $0xb8;
	[tilespmem:$0x1DC80] =	vst v63  }
0xe8: {  	_ =	swait.ge @!p4 [sflag:s5], $0x2800  }
0xe9: {  	s8 =	rddreg [dreg:$0x7];
	[sflag:s5] =	ssyncset.done @!p4 $0x0  }
0xea: {  	s23 =	rddreg [dreg:$0x6];
	[sflag:s5] =	ssyncadd.s32 @!p4 $0xFFFFD800;
	s26 =	sadd.s32 s24, s8  }
0xeb: {  	[tilespmem:s30], [sflag:$0x8] =	stream.linear.gather [hbm4b:s26+s4], $0x50, $0x38;
	[tilespmem:$0x1DC80] =	vst v63  }
0xec: {  	s6 =	sadd.s32 s24, s23;
	s8 =	simm.s32 $0x180  }
0xed: {  	[tilespmem:s8], [sflag:$0x4] =	stream.linear.gather [hbm4b:s6+s4], $0x50, $0x38;
	[tilespmem:$0x1DC80] =	vst v63  }
0xee: {  	_ =	swait.ge [sflag:s14], $0x50  }
0xef: {  	[sflag:s14] =	ssyncset.done $0x0  }
0xf0: {  	s23 =	simm.s32 $0x5400;
	[sflag:s14] =	ssyncadd.s32 $0xFFFFFFB0  }
0xf1: {  	[tilespmem:s23], [sflag:$0xB] =	stream.indirect.gather [hbm4b:s1+s28], $0x80, s15, s28, $0xb8;
	[tilespmem:$0x1DC80] =	vst v63  }
0xf2: {  	_ =	swait.ge [sflag:s16], $0x50  }
0xf3: {  	[sflag:s16] =	ssyncset.done $0x0  }
0xf4: {  	[sflag:s16] =	ssyncadd.s32 $0xFFFFFFB0  }
0xf5: {  	_ =	swait.ge [sflag:s17], $0x2800  }
0xf6: {  	[sflag:s17] =	ssyncset.done $0x0  }
0xf7: {  	s15 =	simm.s32 $0x280;
	[sflag:s17] =	ssyncadd.s32 $0xFFFFD800  }
0xf8: {  	[spmem:s2] =	stream.indirect.scatter.add.f32 [tilespmem:s19], [sflag:$0xE], $0x80, s15, s28, $0xb8;
	[tilespmem:$0x1DC80] =	vst v63  }
0xf9: {  	_ =	swait.ge [sflag:s18], $0x2800  }
0xfa: {  	s26 =	sshrl.u32 s25, $0x3;
	[sflag:s18] =	ssyncset.done $0x0;
	s15 =	rddreg [dreg:$0xb]  }
0xfb: {  	s19 =	rddreg [dreg:$0xa];
	[sflag:s18] =	ssyncadd.s32 $0xFFFFD800;
	s6 =	sadd.s32 s15, s26  }
0xfc: {  	[tilespmem:s29], [sflag:$0x5] =	stream.linear.gather [hbm4b:s6+s4], $0x50, $0x38;
	[tilespmem:$0x1DC80] =	vst v63  }
0xfd: {  	s5 =	sadd.s32 s19, s26  }
0xfe: {  	[tilespmem:s4], [sflag:$0x1] =	stream.linear.gather [hbm4b:s5+s4], $0x50, $0x38;
	[tilespmem:$0x1DC80] =	vst v63  }
0xff: {  	_ =	swait.ge [sflag:s3], $0x50  }
0x100: {  	[sflag:s3] =	ssyncset.done $0x0  }
0x101: {  	[sflag:s3] =	ssyncadd.s32 $0xFFFFFFB0  }
0x102: {  	[tilespmem:s0], [sflag:$0xC] =	stream.indirect.gather [hbm4b:s1+s28], $0x80, s8, s28, $0xb8;
	[tilespmem:$0x1DC80] =	vst v63  }
0x103: {  	_ =	swait.ge [sflag:s20], $0x50  }
0x104: {  	[sflag:s20] =	ssyncset.done $0x0  }
0x105: {  	[sflag:s20] =	ssyncadd.s32 $0xFFFFFFB0  }
0x106: {  	_ =	swait.ge [sflag:s21], $0x2800  }
0x107: {  	[sflag:s21] =	ssyncset.done $0x0  }
0x108: {  	p4 =	seq.s32 s24, $0x4B0;
	[sflag:s21] =	ssyncadd.s32 $0xFFFFD800  }
0x109: {  	[spmem:s2] =	stream.indirect.scatter.add.f32 [tilespmem:s23], [sflag:$0xF], $0x80, s13, s28, $0xb8;
	[tilespmem:$0x1DC80] =	vst v63  }
0x10a: {  	s8 =	simm.s32 @!p4 $0x0;
	_ =	swait.ge [sflag:s7], $0x2800  }
0x10b: {  	s23 =	simm.s32 @!p4 $0x280;
	s5 =	rddreg [dreg:$0x5];
	[sflag:s7] =	ssyncset.done $0x0  }
0x10c: {  	s6 =	rddreg [dreg:$0x4];
	[sflag:s7] =	ssyncadd.s32 $0xFFFFD800;
	s5 =	sadd.s32 @!p4 s24, s5  }
0x10d: {  	[tilespmem:s23], [sflag:$0x6] =	stream.linear.gather @!p4 [hbm4b:s5+s8], $0x50, $0x38;
	[tilespmem:$0x1DC80] =	vst v63  }
0x10e: {  	s5 =	sadd.s32 @!p4 s24, s6;
	s6 =	simm.s32 @!p4 $0x80;
	s24 =	simm.s32 $0x1  }
0x10f: {  	[tilespmem:s6], [sflag:$0x2] =	stream.linear.gather @!p4 [hbm4b:s5+s8], $0x50, $0x38;
	[tilespmem:$0x1DC80] =	vst v63  }
0x110: {  	_ =	swait.ge [sflag:s24], $0x50  }
0x111: {  	[sflag:s24] =	ssyncset.done $0x0  }
0x112: {  	[sflag:s24] =	ssyncadd.s32 $0xFFFFFFB0  }
0x113: {  	[tilespmem:s12], [sflag:$0x9] =	stream.indirect.gather [hbm4b:s1+s28], $0x80, s4, s28, $0xb8;
	[tilespmem:$0x1DC80] =	vst v63  }
0x114: {  	_ =	swait.ge [sflag:s10], $0x50  }
0x115: {  	[sflag:s10] =	ssyncset.done $0x0  }
0x116: {  	[sflag:s10] =	ssyncadd.s32 $0xFFFFFFB0  }
0x117: {  	_ =	swait.ge [sflag:s22], $0x2800  }
0x118: {  	[sflag:s22] =	ssyncset.done $0x0  }
0x119: {  	[sflag:s22] =	ssyncadd.s32 $0xFFFFD800  }
0x11a: {  	[spmem:s2] =	stream.indirect.scatter.add.f32 [tilespmem:s0], [sflag:$0x10], $0x80, s30, s28, $0xb8;
	[tilespmem:$0x1DC80] =	vst v63  }
0x11b: {  	_ =	swait.ge [sflag:s9], $0x50  }
0x11c: {  	[sflag:s9] =	ssyncset.done $0x0  }
0x11d: {  	[sflag:s9] =	ssyncadd.s32 $0xFFFFFFB0  }
0x11e: {  	_ =	swait.ge [sflag:s11], $0x2800  }
0x11f: {  	[sflag:s11] =	ssyncset.done $0x0  }
0x120: {  	[sflag:s11] =	ssyncadd.s32 $0xFFFFD800  }
0x121: {  	[spmem:s2] =	stream.indirect.scatter.add.f32 [tilespmem:s12], [sflag:$0xD], $0x80, s29, s28, $0xb8;
	[tilespmem:$0x1DC80] =	vst v63  }
0x122: {  	_ =	swait.ge [sflag:s18], $0x2800  }
0x123: {  	[sflag:s18] =	ssyncset.done $0x0  }
0x124: {  	s25 =	simm.s32 $0x10;
	[sflag:s18] =	ssyncadd.s32 $0xFFFFD800  }
0x125: {  	_ =	swait.ge [sflag:s25], $0x2800  }
0x126: {  	[sflag:s25] =	ssyncset.done $0x0  }
0x127: {  	s26 =	simm.s32 $0xF;
	[sflag:s25] =	ssyncadd.s32 $0xFFFFD800  }
0x128: {  	_ =	swait.ge [sflag:s26], $0x2800  }
0x129: {  	[sflag:s26] =	ssyncset.done $0x0  }
0x12a: {  	[sflag:s26] =	ssyncadd.s32 $0xFFFFD800  }
0x12b: {  	[bflag:$0x0] =	sbarrier.arrive $0xFFFF  }
0x12c: {  	s6 =	rddreg [dreg:$0x19]  }
0x12d: {  	s5 =	simm.s32 @!p0 $0x1FD1;
	s0 =	rddreg [dreg:$0x1d]  }
0x12e: {  	[hbm:s6], [sflag:s5] =	dma.local @!p0 [spmem:s0], $0x2080  }
0x12f: {  	s5 =	simm.s32 @!p0 $0x11  }
0x130: {  	_ =	swait.ge @!p0 [sflag:s5], $0x2080  }
0x131: {  	[sflag:s5] =	ssyncset.done @!p0 $0x0;
	s6 =	rddreg [dreg:$0x18]  }
0x132: {  	s0 =	rddreg [dreg:$0x1e];
	[sflag:s5] =	ssyncadd.s32 @!p0 $0xFFFFDF80;
	s5 =	simm.s32 @!p1 $0x1FD1  }
0x133: {  	[hbm:s6], [sflag:s5] =	dma.local @!p1 [spmem:s0], $0x2080  }
0x134: {  	s5 =	simm.s32 @!p1 $0x11  }
0x135: {  	_ =	swait.ge @!p1 [sflag:s5], $0x2080  }
0x136: {  	s6 =	sld [smem:$0x7FB]  }
0x137: {  	[sflag:s5] =	ssyncset.done @!p1 $0x0;
	s0 =	rddreg [dreg:$0x1f]  }
0x138: {  	[sflag:s5] =	ssyncadd.s32 @!p1 $0xFFFFDF80;
	s5 =	rddreg [dreg:$0x17]  }
0x139: {  	[hbm:s5], [sflag:s0] =	dma.local @!p2 [spmem:s6], $0x2780  }
0x13a: {  	s5 =	simm.s32 @!p2 $0x11  }
0x13b: {  	_ =	swait.ge @!p2 [sflag:s5], $0x2780  }
0x13c: {  	s0 =	sld [smem:$0x7FC]  }
0x13d: {  	s6 =	sld [smem:$0x7FD]  }
0x13e: {  	[sflag:s5] =	ssyncset.done @!p2 $0x0  }
0x13f: {  	[sflag:s5] =	ssyncadd.s32 @!p2 $0xFFFFD880;
	s5 =	rddreg [dreg:$0x16]  }
0x140: {  	[hbm:s5], [sflag:s0] =	dma.local @!p3 [spmem:s6], $0x2780  }
0x141: {  	s5 =	simm.s32 @!p3 $0x11  }
0x142: {  	_ =	swait.ge @!p3 [sflag:s5], $0x2780  }
0x143: {  	s29 =	rddreg [dreg:$0x1c]  }
0x144: {  	s30 =	rddreg [dreg:$0x1a];
	s0 =	sadd.s32 $0x1, s29  }
0x145: {  	p4 =	sne.s32 s0, s30  }
.Ltmp1:
0x146: {  	_ = 	snop;
	(pc) =	sbr.rel @p4 .LBB2_1-.Ltmp1, $3  }
0x147: {  	_ =	sdelay $0x1  }
0x148: {  	[sflag:s5] =	ssyncset.done @!p3 $0x0  }
0x149: {  	s31 =	simm.s32 $0x7C00;
	s19 =	simm.s32 $0x380;
	[sflag:s5] =	ssyncadd.s32 @!p3 $0xFFFFD880  }
0x14a: {  	_ =	sfence.sel $0x180000  }
0x14b: {  	[bflag:$0x0] =	sbarrier.arrive $0xFFFF  }
0x14c: {  	_ =	strace $0x9000004A  }
0x14d: {  	s0 =	stileid.u32;
	[bflag:$0x2] =	sbarrier.arrive $0xFFFF  }
0x14e: {  	p0 =	sne.s32 s0, $0x0;
	s0 =	rddreg [dreg:$0x3]  }
0x14f: {  	s0 =	sadd.s32 @!p0 $0x100000, s0  }
0x150: {  	[sflag:s0] =	ssyncadd.tile.s32 @!p0 $0x1;
	_ =	shalt  }
.Lfunc_end2:
_tile_overlayer_lowered:
.L_overlay_start_2:
0x151: {  	(tag) =	ssettag $0x2  }
0x152: {  	s0 =	rddreg [dreg:$0x0];
	s2 =	stileid.u32  }
0x153: {  	s1 =	rddreg [dreg:$0x1];
	p0 =	sne.s32 s2, $0x0  }
0x154: {  	s3 =	rddreg [dreg:$0x2];
	[bflag:$0x3] =	sbarrier.arrive $0xFFFF;
	s2 =	simm.s32 @!p0 $0x1C11  }
0x155: {  	[timem:s3], [sflag:s2] =	dma.local @!p0 [hbm:s0], s1  }
0x156: {  	s0 =	simm.s32 @!p0 $0x11  }
0x157: {  	_ =	swait.ge @!p0 [sflag:s0], s1  }
0x158: {  	s1 =	ssub.s32 @!p0 $0x0, s1;
	[sflag:s0] =	ssyncset.done @!p0 $0x0  }
0x159: {  	[sflag:s0] =	ssyncadd.s32 @!p0 s1  }
0x15a: {  	[bflag:$0x3] =	sbarrier.arrive $0xFFFF  }
0x15b: {  	_ =	shalt  }

</sc_bundles>
